<compile_context>
chip_gen: v7x
topology: tpu7x:2x2x1
jax: 0.10.2.dev20260603
libtpu: 0.0.44.dev20260713+nightly
codegen_flags: <defaults>
</compile_context>

<pallas_src>
import functools
import jax
import jax.numpy as jnp
from jax import lax
from jax.experimental import pallas as pl
from jax.experimental.pallas import tpu as pltpu
from jax.experimental.pallas import tpu_sc as plsc

N = 4096
DIM = 128
H = 8
NS = 8
HD = DIM // H

BQ = 256
BC = 512
GATHER_CHUNK = 128

SC_CORES = 2
SC_SUBCORES = 16


def _knn_body(p16_ref, pblk_ref, idx_ref):
    pall = p16_ref[...]
    pblk = pblk_ref[...]
    prod = lax.dot_general(pall, pblk, (((1,), (1,)), ((), ())),
                           preferred_element_type=jnp.float32)
    d2_all = jnp.sum(pall * pall, axis=1, keepdims=True)
    dist = d2_all - 2.0 * prod

    row_iota = lax.broadcasted_iota(jnp.int32, (N, BQ), 0)
    inf = jnp.float32(jnp.inf)
    for j in range(NS):
        ij = jnp.argmin(dist, axis=0).reshape(1, BQ)
        idx_ref[j:j + 1, :] = ij
        dist = jnp.where(row_iota == ij, inf, dist)


def _knn_topk(p16, half, nh):
    hoff = half * (nh // BQ)
    return pl.pallas_call(
        _knn_body,
        grid=(nh // BQ,),
        in_specs=[
            pl.BlockSpec((N, 16), lambda i: (0, 0)),
            pl.BlockSpec((BQ, 16), lambda i: (i + hoff, 0)),
        ],
        out_specs=pl.BlockSpec((NS, BQ), lambda i: (0, i)),
        out_shape=jax.ShapeDtypeStruct((NS, nh), jnp.int32),
    )(p16, p16)


def _make_sc_gather(nrows):
    nw = SC_CORES * SC_SUBCORES
    rows_per_w = nrows // nw
    nchunks = rows_per_w // GATHER_CHUNK
    mesh = plsc.VectorSubcoreMesh(core_axis_name="c", subcore_axis_name="s")

    @functools.partial(
        pl.kernel,
        mesh=mesh,
        out_type=[
            jax.ShapeDtypeStruct((nrows, 2 * DIM), jnp.float32),
        ],
        scratch_types=[
            pltpu.VMEM((2, GATHER_CHUNK), jnp.int32),
            pltpu.VMEM((2, GATHER_CHUNK, 2 * DIM), jnp.float32),
            pltpu.SemaphoreType.DMA,
            pltpu.SemaphoreType.DMA,
            pltpu.SemaphoreType.DMA,
            pltpu.SemaphoreType.DMA,
        ],
    )
    def sc_gather(tab_hbm, idx_hbm, out_hbm,
                  idx_v, row_v, semg0, semg1, semw0, semw1):
        wid = lax.axis_index("s") * SC_CORES + lax.axis_index("c")
        base = wid * rows_per_w
        semg = [semg0, semg1]
        semw = [semw0, semw1]

        def start_chunk(c):
            b = c % 2
            off = base + c * GATHER_CHUNK
            pltpu.sync_copy(idx_hbm.at[pl.ds(off, GATHER_CHUNK)], idx_v.at[b])
            return pltpu.async_copy(tab_hbm.at[idx_v.at[b]], row_v.at[b], semg[b])

        gath = start_chunk(0)
        wb_prev = None
        for c in range(nchunks):
            b = c % 2
            off = base + c * GATHER_CHUNK
            gath.wait()
            w1 = pltpu.async_copy(row_v.at[b], out_hbm.at[pl.ds(off, GATHER_CHUNK)],
                                  semw[b])
            if c + 1 < nchunks:
                if wb_prev is not None:
                    wb_prev.wait()
                gath = start_chunk(c + 1)
            wb_prev = w1
        wb_prev.wait()

    return sc_gather


_SC_GATHER_CACHE = {}


def _sc_gather(table, idx_flat):
    nrows = idx_flat.shape[0]
    if nrows not in _SC_GATHER_CACHE:
        _SC_GATHER_CACHE[nrows] = _make_sc_gather(nrows)
    res = _SC_GATHER_CACHE[nrows](table, idx_flat)
    if isinstance(res, (list, tuple)):
        res = res[0]
    return res


def _fused_body(tab3_ref, x0_ref, wqkv_ref,
                q_w1_ref, q_b1_ref, q_g_ref, q_be_ref, q_w2_ref, q_b2_ref,
                k_w1_ref, k_b1_ref, k_g_ref, k_be_ref, k_w2_ref, k_b2_ref,
                v_w1_ref, v_b1_ref, v_g_ref, v_be_ref, v_w2_ref, v_b2_ref,
                posw_ref, posb_ref, ppw_ref, ppb_ref,
                projw_ref, projb_ref, out_ref):
    R = NS * BC
    tab3 = tab3_ref[...]
    xg3 = tab3[..., :DIM]
    x0 = x0_ref[...]
    xyz3 = tab3[..., DIM:DIM + 16]
    wqkv = wqkv_ref[...]

    sr = lax.broadcasted_iota(jnp.int32, (DIM, NS * 3), 0)
    sc = lax.broadcasted_iota(jnp.int32, (DIM, NS * 3), 1)
    smat = (((sr // 16) == (sc // 3)) & ((sr % 16) == (sc % 3))).astype(jnp.float32)
    rr = lax.broadcasted_iota(jnp.int32, (16, NS * 3), 0)
    rc = lax.broadcasted_iota(jnp.int32, (16, NS * 3), 1)
    rrep = ((rr == (rc % 3)) & (rr < 3)).astype(jnp.float32)
    hr = lax.broadcasted_iota(jnp.int32, (DIM, H), 0)
    hc = lax.broadcasted_iota(jnp.int32, (DIM, H), 1)
    hs = ((hr // HD) == hc).astype(jnp.float32)
    er = lax.broadcasted_iota(jnp.int32, (H, DIM), 0)
    ec = lax.broadcasted_iota(jnp.int32, (H, DIM), 1)
    he = (er == (ec // HD)).astype(jnp.float32)
    ginv = jnp.float32(1.0) / jnp.sqrt(jnp.float32(1.0 + 1e-5))

    qkv = jnp.dot(xg3.reshape(R, DIM), wqkv,
                  preferred_element_type=jnp.float32)
    kk = qkv[:, DIM:2 * DIM]
    vv = qkv[:, 2 * DIM:]
    qkv0 = jnp.dot(x0, wqkv, preferred_element_type=jnp.float32)
    q0 = qkv0[:, :DIM]
    k0 = qkv0[:, DIM:2 * DIM]

    xyz2 = jnp.concatenate([xyz3[s] for s in range(NS)], axis=1)
    xyzrep = jnp.dot(xyz3.reshape(R, 16), rrep,
                     preferred_element_type=jnp.float32)

    def rep8(t):
        return jnp.broadcast_to(t[None, :, :], (NS,) + t.shape).reshape(R, t.shape[1])

    def branch(w1_ref, b1_ref, g_ref, be_ref, w2_ref, b2_ref):
        w1 = w1_ref[...]
        w1p = jnp.dot(smat, w1, preferred_element_type=jnp.float32)
        t1 = jnp.dot(xyzrep, w1, preferred_element_type=jnp.float32)
        t2 = jnp.dot(xyz2, w1p, preferred_element_type=jnp.float32)
        t = (t1 - rep8(t2) + b1_ref[...]) * (g_ref[...] * ginv) + be_ref[...]
        t = jnp.maximum(t, 0.0)
        return jnp.dot(t, w2_ref[...], preferred_element_type=jnp.float32) + b2_ref[...]

    pos_q = branch(q_w1_ref, q_b1_ref, q_g_ref, q_be_ref, q_w2_ref, q_b2_ref)
    pos_k = branch(k_w1_ref, k_b1_ref, k_g_ref, k_be_ref, k_w2_ref, k_b2_ref)
    pos_v = branch(v_w1_ref, v_b1_ref, v_g_ref, v_be_ref, v_w2_ref, v_b2_ref)

    gx0 = rep8(xyz3[0]) - xyz3.reshape(R, 16)
    pe0 = jnp.dot(gx0, posw_ref[...], preferred_element_type=jnp.float32) + posb_ref[...]
    p40 = jnp.dot(pe0, ppw_ref[...], preferred_element_type=jnp.float32) + ppb_ref[...]

    q0r = rep8(q0)
    k0r = rep8(k0)
    bmat = (kk + pos_q) * q0r + pos_k * k0r
    dots = jnp.dot(bmat, hs, preferred_element_type=jnp.float32)
    csum = jnp.dot(p40 * q0r, hs, preferred_element_type=jnp.float32)

    scale = jnp.float32(HD ** -0.5)
    d3 = dots.reshape(NS, BC, H) * scale
    mx = jnp.max(d3, axis=0, keepdims=True)
    e = jnp.exp(d3 - mx)
    attn = e / jnp.sum(e, axis=0, keepdims=True)
    scores = (attn + csum.reshape(NS, BC, H)) * jnp.float32(H ** -0.5)

    sexp = jnp.dot(scores.reshape(R, H), he,
                   preferred_element_type=jnp.float32)
    pmat = (vv + pos_v) * sexp
    outv = jnp.sum(pmat.reshape(NS, BC, DIM), axis=0)
    out_ref[...] = (jnp.dot(outv, projw_ref[...], preferred_element_type=jnp.float32)
                    + projb_ref[...])


def _full(shape):
    return pl.BlockSpec(shape, lambda i: tuple(0 for _ in shape))


def _fused(nh, tab, tab3, wqkv, branch_ws, posw, posb, ppw, ppb,
           projw, projb):
    in_specs = [
        pl.BlockSpec((NS, BC, 2 * DIM), lambda i: (0, i, 0)),
        pl.BlockSpec((BC, DIM), lambda i: (i, 0)),
        _full((DIM, 3 * DIM)),
    ]
    args = [tab3, tab, wqkv]
    for ws in branch_ws:
        in_specs += [_full((NS * 3, DIM)), _full((1, DIM)),
                     _full((1, DIM)), _full((1, DIM)), _full((DIM, DIM)),
                     _full((1, DIM))]
        args += list(ws)
    in_specs += [_full((16, DIM)), _full((1, DIM)),
                 _full((DIM, DIM)), _full((1, DIM)),
                 _full((DIM, DIM)), _full((1, DIM))]
    args += [posw, posb, ppw, ppb, projw, projb]

    return pl.pallas_call(
        _fused_body,
        grid=(nh // BC,),
        in_specs=in_specs,
        out_specs=pl.BlockSpec((BC, DIM), lambda i: (i, 0)),
        out_shape=jax.ShapeDtypeStruct((nh, DIM), jnp.float32),
    )(*args)


def kernel(p, x, Wqkv, pq_W1, pq_b1, pq_g, pq_be, pq_W2, pq_b2,
           pk_W1, pk_b1, pk_g, pk_be, pk_W2, pk_b2,
           pv_W1, pv_b1, pv_g, pv_be, pv_W2, pv_b2,
           pos_W, pos_b, pp_W, pp_b, pg_W, pg_b, proj_W, proj_b):
    f32 = jnp.float32
    p16 = jnp.pad(p.astype(f32), ((0, 0), (0, 16 - 3)))
    table = jnp.concatenate(
        [x.astype(f32), p16, jnp.zeros((N, 2 * DIM - DIM - 16), f32)], axis=1)

    def prep(W1, b1, g, be, W2, b2):
        return (W1, b1.reshape(1, DIM), g.reshape(1, DIM),
                be.reshape(1, DIM), W2, b2.reshape(1, DIM))

    branch_ws = [prep(pq_W1, pq_b1, pq_g, pq_be, pq_W2, pq_b2),
                 prep(pk_W1, pk_b1, pk_g, pk_be, pk_W2, pk_b2),
                 prep(pv_W1, pv_b1, pv_g, pv_be, pv_W2, pv_b2)]

    posw16 = jnp.pad(pos_W.astype(f32), ((0, 16 - 3), (0, 0)))

    nsplit = 2
    nh = N // nsplit

    def run_fused(tab):
        return _fused(nh, tab, tab.reshape(NS, nh, 2 * DIM), Wqkv, branch_ws,
                      posw16, pos_b.reshape(1, DIM), pp_W,
                      pp_b.reshape(1, DIM), proj_W,
                      proj_b.reshape(1, DIM))

    idx_a = _knn_topk(p16, 0, nh).reshape(nh * NS)
    tab_a = _sc_gather(table, idx_a)
    idx_b = _knn_topk(p16, 1, nh).reshape(nh * NS)
    out_a = run_fused(tab_a)
    tab_b = _sc_gather(table, idx_b)
    out_b = run_fused(tab_b)
    return jnp.concatenate([out_a, out_b], axis=0)

# --- scband reference (transcript-rebuilt; emitter-appended) ---
"""Pipeline reference for scband-lgp-32538672235156 (READ-ONLY COPY).

The authoritative reference and input builder live on the scoring server;
editing this copy changes nothing except your own understanding.
"""

import jax, jax.numpy as jnp
import numpy as np

N = 4096
DIM = 128
H = 8
NS = 8


def setup_inputs(seed: int = 0) -> dict:
    key = jax.random.key(seed)
    ks = jax.random.split(key, 24)

    def rn(k, shape, s=0.02):
        return jax.random.normal(k, shape, dtype=jnp.float32) * s

    inp = {}
    inp['p'] = jax.random.normal(ks[0], (N, 3), dtype=jnp.float32)
    inp['x'] = jax.random.normal(ks[1], (N, DIM), dtype=jnp.float32)
    inp['Wqkv'] = rn(ks[2], (DIM, 3 * DIM))
    for i, pre in enumerate(['pq', 'pk', 'pv']):
        inp[pre + '_W1'] = rn(ks[3 + i], (NS * 3, DIM))
        inp[pre + '_b1'] = jnp.zeros((DIM,), jnp.float32)
        inp[pre + '_g'] = jnp.ones((DIM,), jnp.float32)
        inp[pre + '_be'] = jnp.zeros((DIM,), jnp.float32)
        inp[pre + '_W2'] = rn(ks[6 + i], (DIM, DIM))
        inp[pre + '_b2'] = jnp.zeros((DIM,), jnp.float32)
    inp['pos_W'] = rn(ks[9], (3, DIM))
    inp['pos_b'] = jnp.zeros((DIM,), jnp.float32)
    inp['pp_W'] = rn(ks[10], (DIM, DIM))
    inp['pp_b'] = jnp.zeros((DIM,), jnp.float32)
    inp['pg_W'] = rn(ks[11], (DIM, DIM))
    inp['pg_b'] = jnp.zeros((DIM,), jnp.float32)
    inp['proj_W'] = rn(ks[12], (DIM, DIM))
    inp['proj_b'] = jnp.zeros((DIM,), jnp.float32)
    return inp


def _forward(p, x, Wqkv, pq_W1, pq_b1, pq_g, pq_be, pq_W2, pq_b2,
             pk_W1, pk_b1, pk_g, pk_be, pk_W2, pk_b2,
             pv_W1, pv_b1, pv_g, pv_be, pv_W2, pv_b2,
             pos_W, pos_b, pp_W, pp_b, pg_W, pg_b, proj_W, proj_b):
    n = p.shape[0]
    hd = DIM // H
    scale = hd ** -0.5
    # brute-force kNN retrieval (pointops.knnquery equivalent, single batch)
    d2 = jnp.sum(p * p, axis=1)
    dist = d2[:, None] - 2.0 * (p @ p.T) + d2[None, :]
    _, idx = jax.lax.top_k(-dist, NS)  # [n, NS]
    # QueryGroup with local=True: gather neighbors, local relative coords
    knn_xyz = jnp.take(p, idx, axis=0)  # [n, NS, 3]
    x_knn = jnp.take(x, idx, axis=0)    # [n, NS, DIM]
    gx = knn_xyz[:, :, None, :] - knn_xyz[:, None, :, :]  # [n, NS, NS, 3]
    posf = gx.reshape(n, NS, NS * 3)

    def branch(t, W1, b1, g, be, W2, b2):
        # Linear(NS*3 -> DIM), BatchNorm1d(eval: mean=0, var=1), ReLU, Linear(DIM -> DIM)
        t = t @ W1 + b1
        t = g * (t / jnp.sqrt(1.0 + 1e-5)) + be
        t = jax.nn.relu(t)
        return t @ W2 + b2

    pos_q = branch(posf, pq_W1, pq_b1, pq_g, pq_be, pq_W2, pq_b2)
    pos_k = branch(posf, pk_W1, pk_b1, pk_g, pk_be, pk_W2, pk_b2)
    pos_v = branch(posf, pv_W1, pv_b1, pv_g, pv_be, pv_W2, pv_b2)

    pe = gx @ pos_W + pos_b          # position_proj: [n, NS, NS, DIM]
    p4 = pe @ pp_W + pp_b            # posi_p
    g4 = pe @ pg_W + pg_b            # posi_g

    qkv = x_knn @ Wqkv               # [n, NS, 3*DIM]
    q, k, v = jnp.split(qkv, 3, axis=-1)

    def heads(t):
        return t.reshape(n, NS, H, hd).transpose(0, 2, 1, 3)

    q = heads(q); k = heads(k); v = heads(v)
    pqh = heads(pos_q); pkh = heads(pos_k); pvh = heads(pos_v)

    pos_dots = q @ pqh.transpose(0, 1, 3, 2) + k @ pkh.transpose(0, 1, 3, 2)
    dots = q @ k.transpose(0, 1, 3, 2) + pos_dots
    attn = jax.nn.softmax(dots * scale, axis=-1)  # [n, H, NS, NS]

    p4h = p4.reshape(n, NS, NS, H, hd).transpose(0, 3, 1, 2, 4)
    g4h = g4.reshape(n, NS, NS, H, hd).transpose(0, 3, 1, 2, 4)
    scores_p = jnp.einsum('nhqc,nhqmc->nhqm', q, p4h)
    scores = (attn + scores_p) / jnp.sqrt(float(H))
    pos_states = jnp.sum(attn[..., None] * g4h, axis=-2)  # computed (dead code in original)
    del pos_states

    out = scores @ (v + pvh)                      # [n, H, NS, hd]
    out = out.transpose(0, 2, 1, 3).reshape(n, NS, DIM)
    out = out[:, 0, :]                            # center-point output, as in original out[:, 0, :]
    out = out @ proj_W + proj_b
    return out


def reference(p, x, Wqkv, pq_W1, pq_b1, pq_g, pq_be, pq_W2, pq_b2,
              pk_W1, pk_b1, pk_g, pk_be, pk_W2, pk_b2,
              pv_W1, pv_b1, pv_g, pv_be, pv_W2, pv_b2,
              pos_W, pos_b, pp_W, pp_b, pg_W, pg_b, proj_W, proj_b):
    return _forward(p, x, Wqkv, pq_W1, pq_b1, pq_g, pq_be, pq_W2, pq_b2,
                    pk_W1, pk_b1, pk_g, pk_be, pk_W2, pk_b2,
                    pv_W1, pv_b1, pv_g, pv_be, pv_W2, pv_b2,
                    pos_W, pos_b, pp_W, pp_b, pg_W, pg_b, proj_W, proj_b)

if __name__ == "__main__":
    import jax
    _d = setup_inputs()
    print(jax.jit(kernel)(*tuple(_d.values())))

</pallas_src>

<mosaic_0001>
#map = affine_map<(d0, d1) -> (0, 0)>
#map1 = affine_map<(d0, d1) -> (0)>
module attributes {stable_mosaic.version = 14 : i64} {
  func.func @sc_gather(%arg0: i32, %arg1: i32, %arg2: memref<4096x256xf32, #tpu.memory_space<hbm>>, %arg3: memref<16384xi32, #tpu.memory_space<hbm>>, %arg4: memref<16384x256xf32, #tpu.memory_space<hbm>>, %arg5: memref<2x128xi32, #tpu.memory_space<vmem>>, %arg6: memref<2x128x256xf32, #tpu.memory_space<vmem>>, %arg7: memref<!tpu.dma_semaphore, #tpu.memory_space<semaphore_mem>>, %arg8: memref<!tpu.dma_semaphore, #tpu.memory_space<semaphore_mem>>, %arg9: memref<!tpu.dma_semaphore, #tpu.memory_space<semaphore_mem>>, %arg10: memref<!tpu.dma_semaphore, #tpu.memory_space<semaphore_mem>>) attributes {dimension_semantics = [#tpu.dimension_semantics<core_parallel>, #tpu.dimension_semantics<subcore_parallel>], iteration_bounds = array<i64: 2, 16>, scalar_prefetch = 0 : i64, scratch_operands = 6 : i64, tpu.core_type = #tpu.core_type<sc_vector_subcore>, window_params = [{transform_indices = #map}, {transform_indices = #map1}, {transform_indices = #map}]} {
    %mul3A = arith.constant 2 : i32
    %mul3A_0 = arith.muli %arg1, %mul3A : i32
    %add3A = arith.addi %mul3A_0, %arg0 : i32
    %mul3A_1 = arith.constant 512 : i32
    %mul3A_2 = arith.muli %add3A, %mul3A_1 : i32
    %add3A_3 = arith.constant 0 : i32
    %add3A_4 = arith.addi %mul3A_2, %add3A_3 : i32
    %run_scoped3A = arith.constant 0 : i32
    "tpu.region"() ({
      %run_scoped3A_207 = tpu.sem_alloc : memref<!tpu.dma_semaphore, #tpu.memory_space<semaphore_mem>>
      %dma_start3A_208 = arith.constant 0 : i32
      %dma_start3A_209 = tpu.memref_slice %arg5[%run_scoped3A, %dma_start3A_208] : memref<2x128xi32, #tpu.memory_space<vmem>> -> memref<1x128xi32, #tpu.memory_space<vmem>>
      %dma_start3A_210 = tpu.memref_squeeze %dma_start3A_209 : memref<1x128xi32, #tpu.memory_space<vmem>> -> memref<128xi32, #tpu.memory_space<vmem>>
      %dma_start3A_211 = tpu.memref_slice %arg3[%add3A_4] : memref<16384xi32, #tpu.memory_space<hbm>> -> memref<128xi32, #tpu.memory_space<hbm>>
      %dma_start3A_212 = arith.constant 0 : i32
      %dma_start3A_213 = tpu.memref_slice %arg5[%run_scoped3A, %dma_start3A_212] : memref<2x128xi32, #tpu.memory_space<vmem>> -> memref<1x128xi32, #tpu.memory_space<vmem>>
      %dma_start3A_214 = tpu.memref_squeeze %dma_start3A_213 : memref<1x128xi32, #tpu.memory_space<vmem>> -> memref<128xi32, #tpu.memory_space<vmem>>
      %dma_start3A_215 = tpu.memref_slice %arg3[%add3A_4] : memref<16384xi32, #tpu.memory_space<hbm>> -> memref<128xi32, #tpu.memory_space<hbm>>
      tpu.enqueue_dma source(%dma_start3A_215 : memref<128xi32, #tpu.memory_space<hbm>>) target(%dma_start3A_214 : memref<128xi32, #tpu.memory_space<vmem>>) target_semaphore(%run_scoped3A_207 : memref<!tpu.dma_semaphore, #tpu.memory_space<semaphore_mem>>)
      %dma_wait3A_216 = arith.constant 0 : i32
      %dma_wait3A_217 = tpu.memref_slice %arg5[%run_scoped3A, %dma_wait3A_216] : memref<2x128xi32, #tpu.memory_space<vmem>> -> memref<1x128xi32, #tpu.memory_space<vmem>>
      %dma_wait3A_218 = tpu.memref_squeeze %dma_wait3A_217 : memref<1x128xi32, #tpu.memory_space<vmem>> -> memref<128xi32, #tpu.memory_space<vmem>>
      %dma_wait3A_219 = tpu.memref_slice %arg3[%add3A_4] : memref<16384xi32, #tpu.memory_space<hbm>> -> memref<128xi32, #tpu.memory_space<hbm>>
      %dma_wait3A_220 = arith.constant 0 : i32
      %dma_wait3A_221 = tpu.memref_slice %arg5[%run_scoped3A, %dma_wait3A_220] : memref<2x128xi32, #tpu.memory_space<vmem>> -> memref<1x128xi32, #tpu.memory_space<vmem>>
      %dma_wait3A_222 = tpu.memref_squeeze %dma_wait3A_221 : memref<1x128xi32, #tpu.memory_space<vmem>> -> memref<128xi32, #tpu.memory_space<vmem>>
      %dma_wait3A_223 = tpu.memref_slice %arg3[%add3A_4] : memref<16384xi32, #tpu.memory_space<hbm>> -> memref<128xi32, #tpu.memory_space<hbm>>
      tpu.wait_dma2 semaphore(%run_scoped3A_207 : memref<!tpu.dma_semaphore, #tpu.memory_space<semaphore_mem>>) src(%dma_wait3A_223 : memref<128xi32, #tpu.memory_space<hbm>>) dst(%dma_wait3A_222 : memref<128xi32, #tpu.memory_space<vmem>>)
      tpu.yield
    }) : () -> ()
    %dma_start3A = arith.constant 0 : i32
    %dma_start3A_5 = arith.constant 0 : i32
    %dma_start3A_6 = arith.constant 0 : i32
    %dma_start3A_7 = arith.constant 0 : i32
    %dma_start3A_8 = tpu.memref_slice %arg6[%dma_start3A_5, %dma_start3A_6, %dma_start3A_7] : memref<2x128x256xf32, #tpu.memory_space<vmem>> -> memref<1x128x256xf32, #tpu.memory_space<vmem>>
    %dma_start3A_9 = tpu.memref_squeeze %dma_start3A_8 : memref<1x128x256xf32, #tpu.memory_space<vmem>> -> memref<128x256xf32, #tpu.memory_space<vmem>>
    %dma_start3A_10 = arith.constant 0 : i32
    %dma_start3A_11 = tpu.memref_slice %arg5[%dma_start3A, %dma_start3A_10] : memref<2x128xi32, #tpu.memory_space<vmem>> -> memref<1x128xi32, #tpu.memory_space<vmem>>
    %dma_start3A_12 = tpu.memref_squeeze %dma_start3A_11 : memref<1x128xi32, #tpu.memory_space<vmem>> -> memref<128xi32, #tpu.memory_space<vmem>>
    %dma_start3A_13 = arith.constant 0 : i32
    %dma_start3A_14 = arith.constant 0 : i32
    %dma_start3A_15 = tpu.memref_slice %arg2[%dma_start3A_13, %dma_start3A_14] : memref<4096x256xf32, #tpu.memory_space<hbm>> -> memref<4096x256xf32, #tpu.memory_space<hbm>>
    tpu.enqueue_indirect_dma source(%dma_start3A_15 : memref<4096x256xf32, #tpu.memory_space<hbm>>) target(%dma_start3A_9 : memref<128x256xf32, #tpu.memory_space<vmem>>) offsets(%dma_start3A_12 : memref<128xi32, #tpu.memory_space<vmem>>) semaphore(%arg7 : memref<!tpu.dma_semaphore, #tpu.memory_space<semaphore_mem>>)
    %add3A_16 = arith.constant 0 : i32
    %add3A_17 = arith.addi %mul3A_2, %add3A_16 : i32
    %dma_wait3A = arith.constant 0 : i32
    %dma_wait3A_18 = arith.constant 0 : i32
    %dma_wait3A_19 = arith.constant 0 : i32
    %dma_wait3A_20 = arith.constant 0 : i32
    %dma_wait3A_21 = tpu.memref_slice %arg6[%dma_wait3A_18, %dma_wait3A_19, %dma_wait3A_20] : memref<2x128x256xf32, #tpu.memory_space<vmem>> -> memref<1x128x256xf32, #tpu.memory_space<vmem>>
    %dma_wait3A_22 = tpu.memref_squeeze %dma_wait3A_21 : memref<1x128x256xf32, #tpu.memory_space<vmem>> -> memref<128x256xf32, #tpu.memory_space<vmem>>
    %dma_wait3A_23 = arith.constant 0 : i32
    %dma_wait3A_24 = tpu.memref_slice %arg5[%dma_wait3A, %dma_wait3A_23] : memref<2x128xi32, #tpu.memory_space<vmem>> -> memref<1x128xi32, #tpu.memory_space<vmem>>
    %dma_wait3A_25 = tpu.memref_squeeze %dma_wait3A_24 : memref<1x128xi32, #tpu.memory_space<vmem>> -> memref<128xi32, #tpu.memory_space<vmem>>
    %dma_wait3A_26 = arith.constant 0 : i32
    %dma_wait3A_27 = arith.constant 0 : i32
    %dma_wait3A_28 = tpu.memref_slice %arg2[%dma_wait3A_26, %dma_wait3A_27] : memref<4096x256xf32, #tpu.memory_space<hbm>> -> memref<4096x256xf32, #tpu.memory_space<hbm>>
    tpu.wait_indirect_dma semaphore(%arg7 : memref<!tpu.dma_semaphore, #tpu.memory_space<semaphore_mem>>) src(%dma_wait3A_28 : memref<4096x256xf32, #tpu.memory_space<hbm>>) dst(%dma_wait3A_22 : memref<128x256xf32, #tpu.memory_space<vmem>>)
    %dma_start3A_29 = arith.constant 0 : i32
    %dma_start3A_30 = arith.constant 0 : i32
    %dma_start3A_31 = arith.constant 0 : i32
    %dma_start3A_32 = tpu.memref_slice %arg6[%dma_start3A_29, %dma_start3A_30, %dma_start3A_31] : memref<2x128x256xf32, #tpu.memory_space<vmem>> -> memref<1x128x256xf32, #tpu.memory_space<vmem>>
    %dma_start3A_33 = tpu.memref_squeeze %dma_start3A_32 : memref<1x128x256xf32, #tpu.memory_space<vmem>> -> memref<128x256xf32, #tpu.memory_space<vmem>>
    %dma_start3A_34 = arith.constant 0 : i32
    %dma_start3A_35 = tpu.memref_slice %arg4[%add3A_17, %dma_start3A_34] : memref<16384x256xf32, #tpu.memory_space<hbm>> -> memref<128x256xf32, #tpu.memory_space<hbm>>
    %dma_start3A_36 = arith.constant 0 : i32
    %dma_start3A_37 = tpu.memref_slice %arg4[%add3A_17, %dma_start3A_36] : memref<16384x256xf32, #tpu.memory_space<hbm>> -> memref<128x256xf32, #tpu.memory_space<hbm>>
    %dma_start3A_38 = arith.constant 0 : i32
    %dma_start3A_39 = arith.constant 0 : i32
    %dma_start3A_40 = tpu.memref_slice %arg6[%dma_start3A_29, %dma_start3A_38, %dma_start3A_39] : memref<2x128x256xf32, #tpu.memory_space<vmem>> -> memref<1x128x256xf32, #tpu.memory_space<vmem>>
    %dma_start3A_41 = tpu.memref_squeeze %dma_start3A_40 : memref<1x128x256xf32, #tpu.memory_space<vmem>> -> memref<128x256xf32, #tpu.memory_space<vmem>>
    tpu.enqueue_dma source(%dma_start3A_41 : memref<128x256xf32, #tpu.memory_space<vmem>>) target(%dma_start3A_37 : memref<128x256xf32, #tpu.memory_space<hbm>>) target_semaphore(%arg9 : memref<!tpu.dma_semaphore, #tpu.memory_space<semaphore_mem>>)
    %add3A_42 = arith.constant 128 : i32
    %add3A_43 = arith.addi %mul3A_2, %add3A_42 : i32
    %run_scoped3A_44 = arith.constant 1 : i32
    "tpu.region"() ({
      %run_scoped3A_207 = tpu.sem_alloc : memref<!tpu.dma_semaphore, #tpu.memory_space<semaphore_mem>>
      %dma_start3A_208 = arith.constant 0 : i32
      %dma_start3A_209 = tpu.memref_slice %arg5[%run_scoped3A_44, %dma_start3A_208] : memref<2x128xi32, #tpu.memory_space<vmem>> -> memref<1x128xi32, #tpu.memory_space<vmem>>
      %dma_start3A_210 = tpu.memref_squeeze %dma_start3A_209 : memref<1x128xi32, #tpu.memory_space<vmem>> -> memref<128xi32, #tpu.memory_space<vmem>>
      %dma_start3A_211 = tpu.memref_slice %arg3[%add3A_43] : memref<16384xi32, #tpu.memory_space<hbm>> -> memref<128xi32, #tpu.memory_space<hbm>>
      %dma_start3A_212 = arith.constant 0 : i32
      %dma_start3A_213 = tpu.memref_slice %arg5[%run_scoped3A_44, %dma_start3A_212] : memref<2x128xi32, #tpu.memory_space<vmem>> -> memref<1x128xi32, #tpu.memory_space<vmem>>
      %dma_start3A_214 = tpu.memref_squeeze %dma_start3A_213 : memref<1x128xi32, #tpu.memory_space<vmem>> -> memref<128xi32, #tpu.memory_space<vmem>>
      %dma_start3A_215 = tpu.memref_slice %arg3[%add3A_43] : memref<16384xi32, #tpu.memory_space<hbm>> -> memref<128xi32, #tpu.memory_space<hbm>>
      tpu.enqueue_dma source(%dma_start3A_215 : memref<128xi32, #tpu.memory_space<hbm>>) target(%dma_start3A_214 : memref<128xi32, #tpu.memory_space<vmem>>) target_semaphore(%run_scoped3A_207 : memref<!tpu.dma_semaphore, #tpu.memory_space<semaphore_mem>>)
      %dma_wait3A_216 = arith.constant 0 : i32
      %dma_wait3A_217 = tpu.memref_slice %arg5[%run_scoped3A_44, %dma_wait3A_216] : memref<2x128xi32, #tpu.memory_space<vmem>> -> memref<1x128xi32, #tpu.memory_space<vmem>>
      %dma_wait3A_218 = tpu.memref_squeeze %dma_wait3A_217 : memref<1x128xi32, #tpu.memory_space<vmem>> -> memref<128xi32, #tpu.memory_space<vmem>>
      %dma_wait3A_219 = tpu.memref_slice %arg3[%add3A_43] : memref<16384xi32, #tpu.memory_space<hbm>> -> memref<128xi32, #tpu.memory_space<hbm>>
      %dma_wait3A_220 = arith.constant 0 : i32
      %dma_wait3A_221 = tpu.memref_slice %arg5[%run_scoped3A_44, %dma_wait3A_220] : memref<2x128xi32, #tpu.memory_space<vmem>> -> memref<1x128xi32, #tpu.memory_space<vmem>>
      %dma_wait3A_222 = tpu.memref_squeeze %dma_wait3A_221 : memref<1x128xi32, #tpu.memory_space<vmem>> -> memref<128xi32, #tpu.memory_space<vmem>>
      %dma_wait3A_223 = tpu.memref_slice %arg3[%add3A_43] : memref<16384xi32, #tpu.memory_space<hbm>> -> memref<128xi32, #tpu.memory_space<hbm>>
      tpu.wait_dma2 semaphore(%run_scoped3A_207 : memref<!tpu.dma_semaphore, #tpu.memory_space<semaphore_mem>>) src(%dma_wait3A_223 : memref<128xi32, #tpu.memory_space<hbm>>) dst(%dma_wait3A_222 : memref<128xi32, #tpu.memory_space<vmem>>)
      tpu.yield
    }) : () -> ()
    %dma_start3A_45 = arith.constant 1 : i32
    %dma_start3A_46 = arith.constant 1 : i32
    %dma_start3A_47 = arith.constant 0 : i32
    %dma_start3A_48 = arith.constant 0 : i32
    %dma_start3A_49 = tpu.memref_slice %arg6[%dma_start3A_46, %dma_start3A_47, %dma_start3A_48] : memref<2x128x256xf32, #tpu.memory_space<vmem>> -> memref<1x128x256xf32, #tpu.memory_space<vmem>>
    %dma_start3A_50 = tpu.memref_squeeze %dma_start3A_49 : memref<1x128x256xf32, #tpu.memory_space<vmem>> -> memref<128x256xf32, #tpu.memory_space<vmem>>
    %dma_start3A_51 = arith.constant 0 : i32
    %dma_start3A_52 = tpu.memref_slice %arg5[%dma_start3A_45, %dma_start3A_51] : memref<2x128xi32, #tpu.memory_space<vmem>> -> memref<1x128xi32, #tpu.memory_space<vmem>>
    %dma_start3A_53 = tpu.memref_squeeze %dma_start3A_52 : memref<1x128xi32, #tpu.memory_space<vmem>> -> memref<128xi32, #tpu.memory_space<vmem>>
    %dma_start3A_54 = arith.constant 0 : i32
    %dma_start3A_55 = arith.constant 0 : i32
    %dma_start3A_56 = tpu.memref_slice %arg2[%dma_start3A_54, %dma_start3A_55] : memref<4096x256xf32, #tpu.memory_space<hbm>> -> memref<4096x256xf32, #tpu.memory_space<hbm>>
    tpu.enqueue_indirect_dma source(%dma_start3A_56 : memref<4096x256xf32, #tpu.memory_space<hbm>>) target(%dma_start3A_50 : memref<128x256xf32, #tpu.memory_space<vmem>>) offsets(%dma_start3A_53 : memref<128xi32, #tpu.memory_space<vmem>>) semaphore(%arg8 : memref<!tpu.dma_semaphore, #tpu.memory_space<semaphore_mem>>)
    %add3A_57 = arith.constant 128 : i32
    %add3A_58 = arith.addi %mul3A_2, %add3A_57 : i32
    %dma_wait3A_59 = arith.constant 1 : i32
    %dma_wait3A_60 = arith.constant 1 : i32
    %dma_wait3A_61 = arith.constant 0 : i32
    %dma_wait3A_62 = arith.constant 0 : i32
    %dma_wait3A_63 = tpu.memref_slice %arg6[%dma_wait3A_60, %dma_wait3A_61, %dma_wait3A_62] : memref<2x128x256xf32, #tpu.memory_space<vmem>> -> memref<1x128x256xf32, #tpu.memory_space<vmem>>
    %dma_wait3A_64 = tpu.memref_squeeze %dma_wait3A_63 : memref<1x128x256xf32, #tpu.memory_space<vmem>> -> memref<128x256xf32, #tpu.memory_space<vmem>>
    %dma_wait3A_65 = arith.constant 0 : i32
    %dma_wait3A_66 = tpu.memref_slice %arg5[%dma_wait3A_59, %dma_wait3A_65] : memref<2x128xi32, #tpu.memory_space<vmem>> -> memref<1x128xi32, #tpu.memory_space<vmem>>
    %dma_wait3A_67 = tpu.memref_squeeze %dma_wait3A_66 : memref<1x128xi32, #tpu.memory_space<vmem>> -> memref<128xi32, #tpu.memory_space<vmem>>
    %dma_wait3A_68 = arith.constant 0 : i32
    %dma_wait3A_69 = arith.constant 0 : i32
    %dma_wait3A_70 = tpu.memref_slice %arg2[%dma_wait3A_68, %dma_wait3A_69] : memref<4096x256xf32, #tpu.memory_space<hbm>> -> memref<4096x256xf32, #tpu.memory_space<hbm>>
    tpu.wait_indirect_dma semaphore(%arg8 : memref<!tpu.dma_semaphore, #tpu.memory_space<semaphore_mem>>) src(%dma_wait3A_70 : memref<4096x256xf32, #tpu.memory_space<hbm>>) dst(%dma_wait3A_64 : memref<128x256xf32, #tpu.memory_space<vmem>>)
    %dma_start3A_71 = arith.constant 1 : i32
    %dma_start3A_72 = arith.constant 0 : i32
    %dma_start3A_73 = arith.constant 0 : i32
    %dma_start3A_74 = tpu.memref_slice %arg6[%dma_start3A_71, %dma_start3A_72, %dma_start3A_73] : memref<2x128x256xf32, #tpu.memory_space<vmem>> -> memref<1x128x256xf32, #tpu.memory_space<vmem>>
    %dma_start3A_75 = tpu.memref_squeeze %dma_start3A_74 : memref<1x128x256xf32, #tpu.memory_space<vmem>> -> memref<128x256xf32, #tpu.memory_space<vmem>>
    %dma_start3A_76 = arith.constant 0 : i32
    %dma_start3A_77 = tpu.memref_slice %arg4[%add3A_58, %dma_start3A_76] : memref<16384x256xf32, #tpu.memory_space<hbm>> -> memref<128x256xf32, #tpu.memory_space<hbm>>
    %dma_start3A_78 = arith.constant 0 : i32
    %dma_start3A_79 = tpu.memref_slice %arg4[%add3A_58, %dma_start3A_78] : memref<16384x256xf32, #tpu.memory_space<hbm>> -> memref<128x256xf32, #tpu.memory_space<hbm>>
    %dma_start3A_80 = arith.constant 0 : i32
    %dma_start3A_81 = arith.constant 0 : i32
    %dma_start3A_82 = tpu.memref_slice %arg6[%dma_start3A_71, %dma_start3A_80, %dma_start3A_81] : memref<2x128x256xf32, #tpu.memory_space<vmem>> -> memref<1x128x256xf32, #tpu.memory_space<vmem>>
    %dma_start3A_83 = tpu.memref_squeeze %dma_start3A_82 : memref<1x128x256xf32, #tpu.memory_space<vmem>> -> memref<128x256xf32, #tpu.memory_space<vmem>>
    tpu.enqueue_dma source(%dma_start3A_83 : memref<128x256xf32, #tpu.memory_space<vmem>>) target(%dma_start3A_79 : memref<128x256xf32, #tpu.memory_space<hbm>>) target_semaphore(%arg10 : memref<!tpu.dma_semaphore, #tpu.memory_space<semaphore_mem>>)
    %dma_wait3A_84 = arith.constant 0 : i32
    %dma_wait3A_85 = arith.constant 0 : i32
    %dma_wait3A_86 = arith.constant 0 : i32
    %dma_wait3A_87 = tpu.memref_slice %arg6[%dma_wait3A_84, %dma_wait3A_85, %dma_wait3A_86] : memref<2x128x256xf32, #tpu.memory_space<vmem>> -> memref<1x128x256xf32, #tpu.memory_space<vmem>>
    %dma_wait3A_88 = tpu.memref_squeeze %dma_wait3A_87 : memref<1x128x256xf32, #tpu.memory_space<vmem>> -> memref<128x256xf32, #tpu.memory_space<vmem>>
    %dma_wait3A_89 = arith.constant 0 : i32
    %dma_wait3A_90 = tpu.memref_slice %arg4[%add3A_17, %dma_wait3A_89] : memref<16384x256xf32, #tpu.memory_space<hbm>> -> memref<128x256xf32, #tpu.memory_space<hbm>>
    %dma_wait3A_91 = arith.constant 0 : i32
    %dma_wait3A_92 = tpu.memref_slice %arg4[%add3A_17, %dma_wait3A_91] : memref<16384x256xf32, #tpu.memory_space<hbm>> -> memref<128x256xf32, #tpu.memory_space<hbm>>
    %dma_wait3A_93 = arith.constant 0 : i32
    %dma_wait3A_94 = arith.constant 0 : i32
    %dma_wait3A_95 = tpu.memref_slice %arg6[%dma_wait3A_84, %dma_wait3A_93, %dma_wait3A_94] : memref<2x128x256xf32, #tpu.memory_space<vmem>> -> memref<1x128x256xf32, #tpu.memory_space<vmem>>
    %dma_wait3A_96 = tpu.memref_squeeze %dma_wait3A_95 : memref<1x128x256xf32, #tpu.memory_space<vmem>> -> memref<128x256xf32, #tpu.memory_space<vmem>>
    tpu.wait_dma2 semaphore(%arg9 : memref<!tpu.dma_semaphore, #tpu.memory_space<semaphore_mem>>) src(%dma_wait3A_96 : memref<128x256xf32, #tpu.memory_space<vmem>>) dst(%dma_wait3A_92 : memref<128x256xf32, #tpu.memory_space<hbm>>)
    %add3A_97 = arith.constant 256 : i32
    %add3A_98 = arith.addi %mul3A_2, %add3A_97 : i32
    %run_scoped3A_99 = arith.constant 0 : i32
    "tpu.region"() ({
      %run_scoped3A_207 = tpu.sem_alloc : memref<!tpu.dma_semaphore, #tpu.memory_space<semaphore_mem>>
      %dma_start3A_208 = arith.constant 0 : i32
      %dma_start3A_209 = tpu.memref_slice %arg5[%run_scoped3A_99, %dma_start3A_208] : memref<2x128xi32, #tpu.memory_space<vmem>> -> memref<1x128xi32, #tpu.memory_space<vmem>>
      %dma_start3A_210 = tpu.memref_squeeze %dma_start3A_209 : memref<1x128xi32, #tpu.memory_space<vmem>> -> memref<128xi32, #tpu.memory_space<vmem>>
      %dma_start3A_211 = tpu.memref_slice %arg3[%add3A_98] : memref<16384xi32, #tpu.memory_space<hbm>> -> memref<128xi32, #tpu.memory_space<hbm>>
      %dma_start3A_212 = arith.constant 0 : i32
      %dma_start3A_213 = tpu.memref_slice %arg5[%run_scoped3A_99, %dma_start3A_212] : memref<2x128xi32, #tpu.memory_space<vmem>> -> memref<1x128xi32, #tpu.memory_space<vmem>>
      %dma_start3A_214 = tpu.memref_squeeze %dma_start3A_213 : memref<1x128xi32, #tpu.memory_space<vmem>> -> memref<128xi32, #tpu.memory_space<vmem>>
      %dma_start3A_215 = tpu.memref_slice %arg3[%add3A_98] : memref<16384xi32, #tpu.memory_space<hbm>> -> memref<128xi32, #tpu.memory_space<hbm>>
      tpu.enqueue_dma source(%dma_start3A_215 : memref<128xi32, #tpu.memory_space<hbm>>) target(%dma_start3A_214 : memref<128xi32, #tpu.memory_space<vmem>>) target_semaphore(%run_scoped3A_207 : memref<!tpu.dma_semaphore, #tpu.memory_space<semaphore_mem>>)
      %dma_wait3A_216 = arith.constant 0 : i32
      %dma_wait3A_217 = tpu.memref_slice %arg5[%run_scoped3A_99, %dma_wait3A_216] : memref<2x128xi32, #tpu.memory_space<vmem>> -> memref<1x128xi32, #tpu.memory_space<vmem>>
      %dma_wait3A_218 = tpu.memref_squeeze %dma_wait3A_217 : memref<1x128xi32, #tpu.memory_space<vmem>> -> memref<128xi32, #tpu.memory_space<vmem>>
      %dma_wait3A_219 = tpu.memref_slice %arg3[%add3A_98] : memref<16384xi32, #tpu.memory_space<hbm>> -> memref<128xi32, #tpu.memory_space<hbm>>
      %dma_wait3A_220 = arith.constant 0 : i32
      %dma_wait3A_221 = tpu.memref_slice %arg5[%run_scoped3A_99, %dma_wait3A_220] : memref<2x128xi32, #tpu.memory_space<vmem>> -> memref<1x128xi32, #tpu.memory_space<vmem>>
      %dma_wait3A_222 = tpu.memref_squeeze %dma_wait3A_221 : memref<1x128xi32, #tpu.memory_space<vmem>> -> memref<128xi32, #tpu.memory_space<vmem>>
      %dma_wait3A_223 = tpu.memref_slice %arg3[%add3A_98] : memref<16384xi32, #tpu.memory_space<hbm>> -> memref<128xi32, #tpu.memory_space<hbm>>
      tpu.wait_dma2 semaphore(%run_scoped3A_207 : memref<!tpu.dma_semaphore, #tpu.memory_space<semaphore_mem>>) src(%dma_wait3A_223 : memref<128xi32, #tpu.memory_space<hbm>>) dst(%dma_wait3A_222 : memref<128xi32, #tpu.memory_space<vmem>>)
      tpu.yield
    }) : () -> ()
    %dma_start3A_100 = arith.constant 0 : i32
    %dma_start3A_101 = arith.constant 0 : i32
    %dma_start3A_102 = arith.constant 0 : i32
    %dma_start3A_103 = arith.constant 0 : i32
    %dma_start3A_104 = tpu.memref_slice %arg6[%dma_start3A_101, %dma_start3A_102, %dma_start3A_103] : memref<2x128x256xf32, #tpu.memory_space<vmem>> -> memref<1x128x256xf32, #tpu.memory_space<vmem>>
    %dma_start3A_105 = tpu.memref_squeeze %dma_start3A_104 : memref<1x128x256xf32, #tpu.memory_space<vmem>> -> memref<128x256xf32, #tpu.memory_space<vmem>>
    %dma_start3A_106 = arith.constant 0 : i32
    %dma_start3A_107 = tpu.memref_slice %arg5[%dma_start3A_100, %dma_start3A_106] : memref<2x128xi32, #tpu.memory_space<vmem>> -> memref<1x128xi32, #tpu.memory_space<vmem>>
    %dma_start3A_108 = tpu.memref_squeeze %dma_start3A_107 : memref<1x128xi32, #tpu.memory_space<vmem>> -> memref<128xi32, #tpu.memory_space<vmem>>
    %dma_start3A_109 = arith.constant 0 : i32
    %dma_start3A_110 = arith.constant 0 : i32
    %dma_start3A_111 = tpu.memref_slice %arg2[%dma_start3A_109, %dma_start3A_110] : memref<4096x256xf32, #tpu.memory_space<hbm>> -> memref<4096x256xf32, #tpu.memory_space<hbm>>
    tpu.enqueue_indirect_dma source(%dma_start3A_111 : memref<4096x256xf32, #tpu.memory_space<hbm>>) target(%dma_start3A_105 : memref<128x256xf32, #tpu.memory_space<vmem>>) offsets(%dma_start3A_108 : memref<128xi32, #tpu.memory_space<vmem>>) semaphore(%arg7 : memref<!tpu.dma_semaphore, #tpu.memory_space<semaphore_mem>>)
    %add3A_112 = arith.constant 256 : i32
    %add3A_113 = arith.addi %mul3A_2, %add3A_112 : i32
    %dma_wait3A_114 = arith.constant 0 : i32
    %dma_wait3A_115 = arith.constant 0 : i32
    %dma_wait3A_116 = arith.constant 0 : i32
    %dma_wait3A_117 = arith.constant 0 : i32
    %dma_wait3A_118 = tpu.memref_slice %arg6[%dma_wait3A_115, %dma_wait3A_116, %dma_wait3A_117] : memref<2x128x256xf32, #tpu.memory_space<vmem>> -> memref<1x128x256xf32, #tpu.memory_space<vmem>>
    %dma_wait3A_119 = tpu.memref_squeeze %dma_wait3A_118 : memref<1x128x256xf32, #tpu.memory_space<vmem>> -> memref<128x256xf32, #tpu.memory_space<vmem>>
    %dma_wait3A_120 = arith.constant 0 : i32
    %dma_wait3A_121 = tpu.memref_slice %arg5[%dma_wait3A_114, %dma_wait3A_120] : memref<2x128xi32, #tpu.memory_space<vmem>> -> memref<1x128xi32, #tpu.memory_space<vmem>>
    %dma_wait3A_122 = tpu.memref_squeeze %dma_wait3A_121 : memref<1x128xi32, #tpu.memory_space<vmem>> -> memref<128xi32, #tpu.memory_space<vmem>>
    %dma_wait3A_123 = arith.constant 0 : i32
    %dma_wait3A_124 = arith.constant 0 : i32
    %dma_wait3A_125 = tpu.memref_slice %arg2[%dma_wait3A_123, %dma_wait3A_124] : memref<4096x256xf32, #tpu.memory_space<hbm>> -> memref<4096x256xf32, #tpu.memory_space<hbm>>
    tpu.wait_indirect_dma semaphore(%arg7 : memref<!tpu.dma_semaphore, #tpu.memory_space<semaphore_mem>>) src(%dma_wait3A_125 : memref<4096x256xf32, #tpu.memory_space<hbm>>) dst(%dma_wait3A_119 : memref<128x256xf32, #tpu.memory_space<vmem>>)
    %dma_start3A_126 = arith.constant 0 : i32
    %dma_start3A_127 = arith.constant 0 : i32
    %dma_start3A_128 = arith.constant 0 : i32
    %dma_start3A_129 = tpu.memref_slice %arg6[%dma_start3A_126, %dma_start3A_127, %dma_start3A_128] : memref<2x128x256xf32, #tpu.memory_space<vmem>> -> memref<1x128x256xf32, #tpu.memory_space<vmem>>
    %dma_start3A_130 = tpu.memref_squeeze %dma_start3A_129 : memref<1x128x256xf32, #tpu.memory_space<vmem>> -> memref<128x256xf32, #tpu.memory_space<vmem>>
    %dma_start3A_131 = arith.constant 0 : i32
    %dma_start3A_132 = tpu.memref_slice %arg4[%add3A_113, %dma_start3A_131] : memref<16384x256xf32, #tpu.memory_space<hbm>> -> memref<128x256xf32, #tpu.memory_space<hbm>>
    %dma_start3A_133 = arith.constant 0 : i32
    %dma_start3A_134 = tpu.memref_slice %arg4[%add3A_113, %dma_start3A_133] : memref<16384x256xf32, #tpu.memory_space<hbm>> -> memref<128x256xf32, #tpu.memory_space<hbm>>
    %dma_start3A_135 = arith.constant 0 : i32
    %dma_start3A_136 = arith.constant 0 : i32
    %dma_start3A_137 = tpu.memref_slice %arg6[%dma_start3A_126, %dma_start3A_135, %dma_start3A_136] : memref<2x128x256xf32, #tpu.memory_space<vmem>> -> memref<1x128x256xf32, #tpu.memory_space<vmem>>
    %dma_start3A_138 = tpu.memref_squeeze %dma_start3A_137 : memref<1x128x256xf32, #tpu.memory_space<vmem>> -> memref<128x256xf32, #tpu.memory_space<vmem>>
    tpu.enqueue_dma source(%dma_start3A_138 : memref<128x256xf32, #tpu.memory_space<vmem>>) target(%dma_start3A_134 : memref<128x256xf32, #tpu.memory_space<hbm>>) target_semaphore(%arg9 : memref<!tpu.dma_semaphore, #tpu.memory_space<semaphore_mem>>)
    %dma_wait3A_139 = arith.constant 1 : i32
    %dma_wait3A_140 = arith.constant 0 : i32
    %dma_wait3A_141 = arith.constant 0 : i32
    %dma_wait3A_142 = tpu.memref_slice %arg6[%dma_wait3A_139, %dma_wait3A_140, %dma_wait3A_141] : memref<2x128x256xf32, #tpu.memory_space<vmem>> -> memref<1x128x256xf32, #tpu.memory_space<vmem>>
    %dma_wait3A_143 = tpu.memref_squeeze %dma_wait3A_142 : memref<1x128x256xf32, #tpu.memory_space<vmem>> -> memref<128x256xf32, #tpu.memory_space<vmem>>
    %dma_wait3A_144 = arith.constant 0 : i32
    %dma_wait3A_145 = tpu.memref_slice %arg4[%add3A_58, %dma_wait3A_144] : memref<16384x256xf32, #tpu.memory_space<hbm>> -> memref<128x256xf32, #tpu.memory_space<hbm>>
    %dma_wait3A_146 = arith.constant 0 : i32
    %dma_wait3A_147 = tpu.memref_slice %arg4[%add3A_58, %dma_wait3A_146] : memref<16384x256xf32, #tpu.memory_space<hbm>> -> memref<128x256xf32, #tpu.memory_space<hbm>>
    %dma_wait3A_148 = arith.constant 0 : i32
    %dma_wait3A_149 = arith.constant 0 : i32
    %dma_wait3A_150 = tpu.memref_slice %arg6[%dma_wait3A_139, %dma_wait3A_148, %dma_wait3A_149] : memref<2x128x256xf32, #tpu.memory_space<vmem>> -> memref<1x128x256xf32, #tpu.memory_space<vmem>>
    %dma_wait3A_151 = tpu.memref_squeeze %dma_wait3A_150 : memref<1x128x256xf32, #tpu.memory_space<vmem>> -> memref<128x256xf32, #tpu.memory_space<vmem>>
    tpu.wait_dma2 semaphore(%arg10 : memref<!tpu.dma_semaphore, #tpu.memory_space<semaphore_mem>>) src(%dma_wait3A_151 : memref<128x256xf32, #tpu.memory_space<vmem>>) dst(%dma_wait3A_147 : memref<128x256xf32, #tpu.memory_space<hbm>>)
    %add3A_152 = arith.constant 384 : i32
    %add3A_153 = arith.addi %mul3A_2, %add3A_152 : i32
    %run_scoped3A_154 = arith.constant 1 : i32
    "tpu.region"() ({
      %run_scoped3A_207 = tpu.sem_alloc : memref<!tpu.dma_semaphore, #tpu.memory_space<semaphore_mem>>
      %dma_start3A_208 = arith.constant 0 : i32
      %dma_start3A_209 = tpu.memref_slice %arg5[%run_scoped3A_154, %dma_start3A_208] : memref<2x128xi32, #tpu.memory_space<vmem>> -> memref<1x128xi32, #tpu.memory_space<vmem>>
      %dma_start3A_210 = tpu.memref_squeeze %dma_start3A_209 : memref<1x128xi32, #tpu.memory_space<vmem>> -> memref<128xi32, #tpu.memory_space<vmem>>
      %dma_start3A_211 = tpu.memref_slice %arg3[%add3A_153] : memref<16384xi32, #tpu.memory_space<hbm>> -> memref<128xi32, #tpu.memory_space<hbm>>
      %dma_start3A_212 = arith.constant 0 : i32
      %dma_start3A_213 = tpu.memref_slice %arg5[%run_scoped3A_154, %dma_start3A_212] : memref<2x128xi32, #tpu.memory_space<vmem>> -> memref<1x128xi32, #tpu.memory_space<vmem>>
      %dma_start3A_214 = tpu.memref_squeeze %dma_start3A_213 : memref<1x128xi32, #tpu.memory_space<vmem>> -> memref<128xi32, #tpu.memory_space<vmem>>
      %dma_start3A_215 = tpu.memref_slice %arg3[%add3A_153] : memref<16384xi32, #tpu.memory_space<hbm>> -> memref<128xi32, #tpu.memory_space<hbm>>
      tpu.enqueue_dma source(%dma_start3A_215 : memref<128xi32, #tpu.memory_space<hbm>>) target(%dma_start3A_214 : memref<128xi32, #tpu.memory_space<vmem>>) target_semaphore(%run_scoped3A_207 : memref<!tpu.dma_semaphore, #tpu.memory_space<semaphore_mem>>)
      %dma_wait3A_216 = arith.constant 0 : i32
      %dma_wait3A_217 = tpu.memref_slice %arg5[%run_scoped3A_154, %dma_wait3A_216] : memref<2x128xi32, #tpu.memory_space<vmem>> -> memref<1x128xi32, #tpu.memory_space<vmem>>
      %dma_wait3A_218 = tpu.memref_squeeze %dma_wait3A_217 : memref<1x128xi32, #tpu.memory_space<vmem>> -> memref<128xi32, #tpu.memory_space<vmem>>
      %dma_wait3A_219 = tpu.memref_slice %arg3[%add3A_153] : memref<16384xi32, #tpu.memory_space<hbm>> -> memref<128xi32, #tpu.memory_space<hbm>>
      %dma_wait3A_220 = arith.constant 0 : i32
      %dma_wait3A_221 = tpu.memref_slice %arg5[%run_scoped3A_154, %dma_wait3A_220] : memref<2x128xi32, #tpu.memory_space<vmem>> -> memref<1x128xi32, #tpu.memory_space<vmem>>
      %dma_wait3A_222 = tpu.memref_squeeze %dma_wait3A_221 : memref<1x128xi32, #tpu.memory_space<vmem>> -> memref<128xi32, #tpu.memory_space<vmem>>
      %dma_wait3A_223 = tpu.memref_slice %arg3[%add3A_153] : memref<16384xi32, #tpu.memory_space<hbm>> -> memref<128xi32, #tpu.memory_space<hbm>>
      tpu.wait_dma2 semaphore(%run_scoped3A_207 : memref<!tpu.dma_semaphore, #tpu.memory_space<semaphore_mem>>) src(%dma_wait3A_223 : memref<128xi32, #tpu.memory_space<hbm>>) dst(%dma_wait3A_222 : memref<128xi32, #tpu.memory_space<vmem>>)
      tpu.yield
    }) : () -> ()
    %dma_start3A_155 = arith.constant 1 : i32
    %dma_start3A_156 = arith.constant 1 : i32
    %dma_start3A_157 = arith.constant 0 : i32
    %dma_start3A_158 = arith.constant 0 : i32
    %dma_start3A_159 = tpu.memref_slice %arg6[%dma_start3A_156, %dma_start3A_157, %dma_start3A_158] : memref<2x128x256xf32, #tpu.memory_space<vmem>> -> memref<1x128x256xf32, #tpu.memory_space<vmem>>
    %dma_start3A_160 = tpu.memref_squeeze %dma_start3A_159 : memref<1x128x256xf32, #tpu.memory_space<vmem>> -> memref<128x256xf32, #tpu.memory_space<vmem>>
    %dma_start3A_161 = arith.constant 0 : i32
    %dma_start3A_162 = tpu.memref_slice %arg5[%dma_start3A_155, %dma_start3A_161] : memref<2x128xi32, #tpu.memory_space<vmem>> -> memref<1x128xi32, #tpu.memory_space<vmem>>
    %dma_start3A_163 = tpu.memref_squeeze %dma_start3A_162 : memref<1x128xi32, #tpu.memory_space<vmem>> -> memref<128xi32, #tpu.memory_space<vmem>>
    %dma_start3A_164 = arith.constant 0 : i32
    %dma_start3A_165 = arith.constant 0 : i32
    %dma_start3A_166 = tpu.memref_slice %arg2[%dma_start3A_164, %dma_start3A_165] : memref<4096x256xf32, #tpu.memory_space<hbm>> -> memref<4096x256xf32, #tpu.memory_space<hbm>>
    tpu.enqueue_indirect_dma source(%dma_start3A_166 : memref<4096x256xf32, #tpu.memory_space<hbm>>) target(%dma_start3A_160 : memref<128x256xf32, #tpu.memory_space<vmem>>) offsets(%dma_start3A_163 : memref<128xi32, #tpu.memory_space<vmem>>) semaphore(%arg8 : memref<!tpu.dma_semaphore, #tpu.memory_space<semaphore_mem>>)
    %add3A_167 = arith.constant 384 : i32
    %add3A_168 = arith.addi %mul3A_2, %add3A_167 : i32
    %dma_wait3A_169 = arith.constant 1 : i32
    %dma_wait3A_170 = arith.constant 1 : i32
    %dma_wait3A_171 = arith.constant 0 : i32
    %dma_wait3A_172 = arith.constant 0 : i32
    %dma_wait3A_173 = tpu.memref_slice %arg6[%dma_wait3A_170, %dma_wait3A_171, %dma_wait3A_172] : memref<2x128x256xf32, #tpu.memory_space<vmem>> -> memref<1x128x256xf32, #tpu.memory_space<vmem>>
    %dma_wait3A_174 = tpu.memref_squeeze %dma_wait3A_173 : memref<1x128x256xf32, #tpu.memory_space<vmem>> -> memref<128x256xf32, #tpu.memory_space<vmem>>
    %dma_wait3A_175 = arith.constant 0 : i32
    %dma_wait3A_176 = tpu.memref_slice %arg5[%dma_wait3A_169, %dma_wait3A_175] : memref<2x128xi32, #tpu.memory_space<vmem>> -> memref<1x128xi32, #tpu.memory_space<vmem>>
    %dma_wait3A_177 = tpu.memref_squeeze %dma_wait3A_176 : memref<1x128xi32, #tpu.memory_space<vmem>> -> memref<128xi32, #tpu.memory_space<vmem>>
    %dma_wait3A_178 = arith.constant 0 : i32
    %dma_wait3A_179 = arith.constant 0 : i32
    %dma_wait3A_180 = tpu.memref_slice %arg2[%dma_wait3A_178, %dma_wait3A_179] : memref<4096x256xf32, #tpu.memory_space<hbm>> -> memref<4096x256xf32, #tpu.memory_space<hbm>>
    tpu.wait_indirect_dma semaphore(%arg8 : memref<!tpu.dma_semaphore, #tpu.memory_space<semaphore_mem>>) src(%dma_wait3A_180 : memref<4096x256xf32, #tpu.memory_space<hbm>>) dst(%dma_wait3A_174 : memref<128x256xf32, #tpu.memory_space<vmem>>)
    %dma_start3A_181 = arith.constant 1 : i32
    %dma_start3A_182 = arith.constant 0 : i32
    %dma_start3A_183 = arith.constant 0 : i32
    %dma_start3A_184 = tpu.memref_slice %arg6[%dma_start3A_181, %dma_start3A_182, %dma_start3A_183] : memref<2x128x256xf32, #tpu.memory_space<vmem>> -> memref<1x128x256xf32, #tpu.memory_space<vmem>>
    %dma_start3A_185 = tpu.memref_squeeze %dma_start3A_184 : memref<1x128x256xf32, #tpu.memory_space<vmem>> -> memref<128x256xf32, #tpu.memory_space<vmem>>
    %dma_start3A_186 = arith.constant 0 : i32
    %dma_start3A_187 = tpu.memref_slice %arg4[%add3A_168, %dma_start3A_186] : memref<16384x256xf32, #tpu.memory_space<hbm>> -> memref<128x256xf32, #tpu.memory_space<hbm>>
    %dma_start3A_188 = arith.constant 0 : i32
    %dma_start3A_189 = tpu.memref_slice %arg4[%add3A_168, %dma_start3A_188] : memref<16384x256xf32, #tpu.memory_space<hbm>> -> memref<128x256xf32, #tpu.memory_space<hbm>>
    %dma_start3A_190 = arith.constant 0 : i32
    %dma_start3A_191 = arith.constant 0 : i32
    %dma_start3A_192 = tpu.memref_slice %arg6[%dma_start3A_181, %dma_start3A_190, %dma_start3A_191] : memref<2x128x256xf32, #tpu.memory_space<vmem>> -> memref<1x128x256xf32, #tpu.memory_space<vmem>>
    %dma_start3A_193 = tpu.memref_squeeze %dma_start3A_192 : memref<1x128x256xf32, #tpu.memory_space<vmem>> -> memref<128x256xf32, #tpu.memory_space<vmem>>
    tpu.enqueue_dma source(%dma_start3A_193 : memref<128x256xf32, #tpu.memory_space<vmem>>) target(%dma_start3A_189 : memref<128x256xf32, #tpu.memory_space<hbm>>) target_semaphore(%arg10 : memref<!tpu.dma_semaphore, #tpu.memory_space<semaphore_mem>>)
    %dma_wait3A_194 = arith.constant 1 : i32
    %dma_wait3A_195 = arith.constant 0 : i32
    %dma_wait3A_196 = arith.constant 0 : i32
    %dma_wait3A_197 = tpu.memref_slice %arg6[%dma_wait3A_194, %dma_wait3A_195, %dma_wait3A_196] : memref<2x128x256xf32, #tpu.memory_space<vmem>> -> memref<1x128x256xf32, #tpu.memory_space<vmem>>
    %dma_wait3A_198 = tpu.memref_squeeze %dma_wait3A_197 : memref<1x128x256xf32, #tpu.memory_space<vmem>> -> memref<128x256xf32, #tpu.memory_space<vmem>>
    %dma_wait3A_199 = arith.constant 0 : i32
    %dma_wait3A_200 = tpu.memref_slice %arg4[%add3A_168, %dma_wait3A_199] : memref<16384x256xf32, #tpu.memory_space<hbm>> -> memref<128x256xf32, #tpu.memory_space<hbm>>
    %dma_wait3A_201 = arith.constant 0 : i32
    %dma_wait3A_202 = tpu.memref_slice %arg4[%add3A_168, %dma_wait3A_201] : memref<16384x256xf32, #tpu.memory_space<hbm>> -> memref<128x256xf32, #tpu.memory_space<hbm>>
    %dma_wait3A_203 = arith.constant 0 : i32
    %dma_wait3A_204 = arith.constant 0 : i32
    %dma_wait3A_205 = tpu.memref_slice %arg6[%dma_wait3A_194, %dma_wait3A_203, %dma_wait3A_204] : memref<2x128x256xf32, #tpu.memory_space<vmem>> -> memref<1x128x256xf32, #tpu.memory_space<vmem>>
    %dma_wait3A_206 = tpu.memref_squeeze %dma_wait3A_205 : memref<1x128x256xf32, #tpu.memory_space<vmem>> -> memref<128x256xf32, #tpu.memory_space<vmem>>
    tpu.wait_dma2 semaphore(%arg10 : memref<!tpu.dma_semaphore, #tpu.memory_space<semaphore_mem>>) src(%dma_wait3A_206 : memref<128x256xf32, #tpu.memory_space<vmem>>) dst(%dma_wait3A_202 : memref<128x256xf32, #tpu.memory_space<hbm>>)
    return
  }
}

#map = affine_map<(d0, d1) -> (0, 0)>
#map1 = affine_map<(d0, d1) -> (0)>
module attributes {stable_mosaic.version = 14 : i64} {
  func.func @sc_gather(%arg0: i32, %arg1: i32, %arg2: memref<4096x256xf32, #tpu.memory_space<hbm>>, %arg3: memref<16384xi32, #tpu.memory_space<hbm>>, %arg4: memref<16384x256xf32, #tpu.memory_space<hbm>>, %arg5: memref<2x128xi32, #tpu.memory_space<vmem>>, %arg6: memref<2x128x256xf32, #tpu.memory_space<vmem>>, %arg7: memref<!tpu.dma_semaphore, #tpu.memory_space<semaphore_mem>>, %arg8: memref<!tpu.dma_semaphore, #tpu.memory_space<semaphore_mem>>, %arg9: memref<!tpu.dma_semaphore, #tpu.memory_space<semaphore_mem>>, %arg10: memref<!tpu.dma_semaphore, #tpu.memory_space<semaphore_mem>>) attributes {dimension_semantics = [#tpu.dimension_semantics<core_parallel>, #tpu.dimension_semantics<subcore_parallel>], iteration_bounds = array<i64: 2, 16>, scalar_prefetch = 0 : i64, scratch_operands = 6 : i64, tpu.core_type = #tpu.core_type<sc_vector_subcore>, window_params = [{transform_indices = #map}, {transform_indices = #map1}, {transform_indices = #map}]} {
    %mul3A = arith.constant 2 : i32
    %mul3A_0 = arith.muli %arg1, %mul3A : i32
    %add3A = arith.addi %mul3A_0, %arg0 : i32
    %mul3A_1 = arith.constant 512 : i32
    %mul3A_2 = arith.muli %add3A, %mul3A_1 : i32
    %add3A_3 = arith.constant 0 : i32
    %add3A_4 = arith.addi %mul3A_2, %add3A_3 : i32
    %run_scoped3A = arith.constant 0 : i32
    "tpu.region"() ({
      %run_scoped3A_207 = tpu.sem_alloc : memref<!tpu.dma_semaphore, #tpu.memory_space<semaphore_mem>>
      %dma_start3A_208 = arith.constant 0 : i32
      %dma_start3A_209 = tpu.memref_slice %arg5[%run_scoped3A, %dma_start3A_208] : memref<2x128xi32, #tpu.memory_space<vmem>> -> memref<1x128xi32, #tpu.memory_space<vmem>>
      %dma_start3A_210 = tpu.memref_squeeze %dma_start3A_209 : memref<1x128xi32, #tpu.memory_space<vmem>> -> memref<128xi32, #tpu.memory_space<vmem>>
      %dma_start3A_211 = tpu.memref_slice %arg3[%add3A_4] : memref<16384xi32, #tpu.memory_space<hbm>> -> memref<128xi32, #tpu.memory_space<hbm>>
      %dma_start3A_212 = arith.constant 0 : i32
      %dma_start3A_213 = tpu.memref_slice %arg5[%run_scoped3A, %dma_start3A_212] : memref<2x128xi32, #tpu.memory_space<vmem>> -> memref<1x128xi32, #tpu.memory_space<vmem>>
      %dma_start3A_214 = tpu.memref_squeeze %dma_start3A_213 : memref<1x128xi32, #tpu.memory_space<vmem>> -> memref<128xi32, #tpu.memory_space<vmem>>
      %dma_start3A_215 = tpu.memref_slice %arg3[%add3A_4] : memref<16384xi32, #tpu.memory_space<hbm>> -> memref<128xi32, #tpu.memory_space<hbm>>
      tpu.enqueue_dma source(%dma_start3A_215 : memref<128xi32, #tpu.memory_space<hbm>>) target(%dma_start3A_214 : memref<128xi32, #tpu.memory_space<vmem>>) target_semaphore(%run_scoped3A_207 : memref<!tpu.dma_semaphore, #tpu.memory_space<semaphore_mem>>)
      %dma_wait3A_216 = arith.constant 0 : i32
      %dma_wait3A_217 = tpu.memref_slice %arg5[%run_scoped3A, %dma_wait3A_216] : memref<2x128xi32, #tpu.memory_space<vmem>> -> memref<1x128xi32, #tpu.memory_space<vmem>>
      %dma_wait3A_218 = tpu.memref_squeeze %dma_wait3A_217 : memref<1x128xi32, #tpu.memory_space<vmem>> -> memref<128xi32, #tpu.memory_space<vmem>>
      %dma_wait3A_219 = tpu.memref_slice %arg3[%add3A_4] : memref<16384xi32, #tpu.memory_space<hbm>> -> memref<128xi32, #tpu.memory_space<hbm>>
      %dma_wait3A_220 = arith.constant 0 : i32
      %dma_wait3A_221 = tpu.memref_slice %arg5[%run_scoped3A, %dma_wait3A_220] : memref<2x128xi32, #tpu.memory_space<vmem>> -> memref<1x128xi32, #tpu.memory_space<vmem>>
      %dma_wait3A_222 = tpu.memref_squeeze %dma_wait3A_221 : memref<1x128xi32, #tpu.memory_space<vmem>> -> memref<128xi32, #tpu.memory_space<vmem>>
      %dma_wait3A_223 = tpu.memref_slice %arg3[%add3A_4] : memref<16384xi32, #tpu.memory_space<hbm>> -> memref<128xi32, #tpu.memory_space<hbm>>
      tpu.wait_dma2 semaphore(%run_scoped3A_207 : memref<!tpu.dma_semaphore, #tpu.memory_space<semaphore_mem>>) src(%dma_wait3A_223 : memref<128xi32, #tpu.memory_space<hbm>>) dst(%dma_wait3A_222 : memref<128xi32, #tpu.memory_space<vmem>>)
      tpu.yield
    }) : () -> ()
    %dma_start3A = arith.constant 0 : i32
    %dma_start3A_5 = arith.constant 0 : i32
    %dma_start3A_6 = arith.constant 0 : i32
    %dma_start3A_7 = arith.constant 0 : i32
    %dma_start3A_8 = tpu.memref_slice %arg6[%dma_start3A_5, %dma_start3A_6, %dma_start3A_7] : memref<2x128x256xf32, #tpu.memory_space<vmem>> -> memref<1x128x256xf32, #tpu.memory_space<vmem>>
    %dma_start3A_9 = tpu.memref_squeeze %dma_start3A_8 : memref<1x128x256xf32, #tpu.memory_space<vmem>> -> memref<128x256xf32, #tpu.memory_space<vmem>>
    %dma_start3A_10 = arith.constant 0 : i32
    %dma_start3A_11 = tpu.memref_slice %arg5[%dma_start3A, %dma_start3A_10] : memref<2x128xi32, #tpu.memory_space<vmem>> -> memref<1x128xi32, #tpu.memory_space<vmem>>
    %dma_start3A_12 = tpu.memref_squeeze %dma_start3A_11 : memref<1x128xi32, #tpu.memory_space<vmem>> -> memref<128xi32, #tpu.memory_space<vmem>>
    %dma_start3A_13 = arith.constant 0 : i32
    %dma_start3A_14 = arith.constant 0 : i32
    %dma_start3A_15 = tpu.memref_slice %arg2[%dma_start3A_13, %dma_start3A_14] : memref<4096x256xf32, #tpu.memory_space<hbm>> -> memref<4096x256xf32, #tpu.memory_space<hbm>>
    tpu.enqueue_indirect_dma source(%dma_start3A_15 : memref<4096x256xf32, #tpu.memory_space<hbm>>) target(%dma_start3A_9 : memref<128x256xf32, #tpu.memory_space<vmem>>) offsets(%dma_start3A_12 : memref<128xi32, #tpu.memory_space<vmem>>) semaphore(%arg7 : memref<!tpu.dma_semaphore, #tpu.memory_space<semaphore_mem>>)
    %add3A_16 = arith.constant 0 : i32
    %add3A_17 = arith.addi %mul3A_2, %add3A_16 : i32
    %dma_wait3A = arith.constant 0 : i32
    %dma_wait3A_18 = arith.constant 0 : i32
    %dma_wait3A_19 = arith.constant 0 : i32
    %dma_wait3A_20 = arith.constant 0 : i32
    %dma_wait3A_21 = tpu.memref_slice %arg6[%dma_wait3A_18, %dma_wait3A_19, %dma_wait3A_20] : memref<2x128x256xf32, #tpu.memory_space<vmem>> -> memref<1x128x256xf32, #tpu.memory_space<vmem>>
    %dma_wait3A_22 = tpu.memref_squeeze %dma_wait3A_21 : memref<1x128x256xf32, #tpu.memory_space<vmem>> -> memref<128x256xf32, #tpu.memory_space<vmem>>
    %dma_wait3A_23 = arith.constant 0 : i32
    %dma_wait3A_24 = tpu.memref_slice %arg5[%dma_wait3A, %dma_wait3A_23] : memref<2x128xi32, #tpu.memory_space<vmem>> -> memref<1x128xi32, #tpu.memory_space<vmem>>
    %dma_wait3A_25 = tpu.memref_squeeze %dma_wait3A_24 : memref<1x128xi32, #tpu.memory_space<vmem>> -> memref<128xi32, #tpu.memory_space<vmem>>
    %dma_wait3A_26 = arith.constant 0 : i32
    %dma_wait3A_27 = arith.constant 0 : i32
    %dma_wait3A_28 = tpu.memref_slice %arg2[%dma_wait3A_26, %dma_wait3A_27] : memref<4096x256xf32, #tpu.memory_space<hbm>> -> memref<4096x256xf32, #tpu.memory_space<hbm>>
    tpu.wait_indirect_dma semaphore(%arg7 : memref<!tpu.dma_semaphore, #tpu.memory_space<semaphore_mem>>) src(%dma_wait3A_28 : memref<4096x256xf32, #tpu.memory_space<hbm>>) dst(%dma_wait3A_22 : memref<128x256xf32, #tpu.memory_space<vmem>>)
    %dma_start3A_29 = arith.constant 0 : i32
    %dma_start3A_30 = arith.constant 0 : i32
    %dma_start3A_31 = arith.constant 0 : i32
    %dma_start3A_32 = tpu.memref_slice %arg6[%dma_start3A_29, %dma_start3A_30, %dma_start3A_31] : memref<2x128x256xf32, #tpu.memory_space<vmem>> -> memref<1x128x256xf32, #tpu.memory_space<vmem>>
    %dma_start3A_33 = tpu.memref_squeeze %dma_start3A_32 : memref<1x128x256xf32, #tpu.memory_space<vmem>> -> memref<128x256xf32, #tpu.memory_space<vmem>>
    %dma_start3A_34 = arith.constant 0 : i32
    %dma_start3A_35 = tpu.memref_slice %arg4[%add3A_17, %dma_start3A_34] : memref<16384x256xf32, #tpu.memory_space<hbm>> -> memref<128x256xf32, #tpu.memory_space<hbm>>
    %dma_start3A_36 = arith.constant 0 : i32
    %dma_start3A_37 = tpu.memref_slice %arg4[%add3A_17, %dma_start3A_36] : memref<16384x256xf32, #tpu.memory_space<hbm>> -> memref<128x256xf32, #tpu.memory_space<hbm>>
    %dma_start3A_38 = arith.constant 0 : i32
    %dma_start3A_39 = arith.constant 0 : i32
    %dma_start3A_40 = tpu.memref_slice %arg6[%dma_start3A_29, %dma_start3A_38, %dma_start3A_39] : memref<2x128x256xf32, #tpu.memory_space<vmem>> -> memref<1x128x256xf32, #tpu.memory_space<vmem>>
    %dma_start3A_41 = tpu.memref_squeeze %dma_start3A_40 : memref<1x128x256xf32, #tpu.memory_space<vmem>> -> memref<128x256xf32, #tpu.memory_space<vmem>>
    tpu.enqueue_dma source(%dma_start3A_41 : memref<128x256xf32, #tpu.memory_space<vmem>>) target(%dma_start3A_37 : memref<128x256xf32, #tpu.memory_space<hbm>>) target_semaphore(%arg9 : memref<!tpu.dma_semaphore, #tpu.memory_space<semaphore_mem>>)
    %add3A_42 = arith.constant 128 : i32
    %add3A_43 = arith.addi %mul3A_2, %add3A_42 : i32
    %run_scoped3A_44 = arith.constant 1 : i32
    "tpu.region"() ({
      %run_scoped3A_207 = tpu.sem_alloc : memref<!tpu.dma_semaphore, #tpu.memory_space<semaphore_mem>>
      %dma_start3A_208 = arith.constant 0 : i32
      %dma_start3A_209 = tpu.memref_slice %arg5[%run_scoped3A_44, %dma_start3A_208] : memref<2x128xi32, #tpu.memory_space<vmem>> -> memref<1x128xi32, #tpu.memory_space<vmem>>
      %dma_start3A_210 = tpu.memref_squeeze %dma_start3A_209 : memref<1x128xi32, #tpu.memory_space<vmem>> -> memref<128xi32, #tpu.memory_space<vmem>>
      %dma_start3A_211 = tpu.memref_slice %arg3[%add3A_43] : memref<16384xi32, #tpu.memory_space<hbm>> -> memref<128xi32, #tpu.memory_space<hbm>>
      %dma_start3A_212 = arith.constant 0 : i32
      %dma_start3A_213 = tpu.memref_slice %arg5[%run_scoped3A_44, %dma_start3A_212] : memref<2x128xi32, #tpu.memory_space<vmem>> -> memref<1x128xi32, #tpu.memory_space<vmem>>
      %dma_start3A_214 = tpu.memref_squeeze %dma_start3A_213 : memref<1x128xi32, #tpu.memory_space<vmem>> -> memref<128xi32, #tpu.memory_space<vmem>>
      %dma_start3A_215 = tpu.memref_slice %arg3[%add3A_43] : memref<16384xi32, #tpu.memory_space<hbm>> -> memref<128xi32, #tpu.memory_space<hbm>>
      tpu.enqueue_dma source(%dma_start3A_215 : memref<128xi32, #tpu.memory_space<hbm>>) target(%dma_start3A_214 : memref<128xi32, #tpu.memory_space<vmem>>) target_semaphore(%run_scoped3A_207 : memref<!tpu.dma_semaphore, #tpu.memory_space<semaphore_mem>>)
      %dma_wait3A_216 = arith.constant 0 : i32
      %dma_wait3A_217 = tpu.memref_slice %arg5[%run_scoped3A_44, %dma_wait3A_216] : memref<2x128xi32, #tpu.memory_space<vmem>> -> memref<1x128xi32, #tpu.memory_space<vmem>>
      %dma_wait3A_218 = tpu.memref_squeeze %dma_wait3A_217 : memref<1x128xi32, #tpu.memory_space<vmem>> -> memref<128xi32, #tpu.memory_space<vmem>>
      %dma_wait3A_219 = tpu.memref_slice %arg3[%add3A_43] : memref<16384xi32, #tpu.memory_space<hbm>> -> memref<128xi32, #tpu.memory_space<hbm>>
      %dma_wait3A_220 = arith.constant 0 : i32
      %dma_wait3A_221 = tpu.memref_slice %arg5[%run_scoped3A_44, %dma_wait3A_220] : memref<2x128xi32, #tpu.memory_space<vmem>> -> memref<1x128xi32, #tpu.memory_space<vmem>>
      %dma_wait3A_222 = tpu.memref_squeeze %dma_wait3A_221 : memref<1x128xi32, #tpu.memory_space<vmem>> -> memref<128xi32, #tpu.memory_space<vmem>>
      %dma_wait3A_223 = tpu.memref_slice %arg3[%add3A_43] : memref<16384xi32, #tpu.memory_space<hbm>> -> memref<128xi32, #tpu.memory_space<hbm>>
      tpu.wait_dma2 semaphore(%run_scoped3A_207 : memref<!tpu.dma_semaphore, #tpu.memory_space<semaphore_mem>>) src(%dma_wait3A_223 : memref<128xi32, #tpu.memory_space<hbm>>) dst(%dma_wait3A_222 : memref<128xi32, #tpu.memory_space<vmem>>)
      tpu.yield
    }) : () -> ()
    %dma_start3A_45 = arith.constant 1 : i32
    %dma_start3A_46 = arith.constant 1 : i32
    %dma_start3A_47 = arith.constant 0 : i32
    %dma_start3A_48 = arith.constant 0 : i32
    %dma_start3A_49 = tpu.memref_slice %arg6[%dma_start3A_46, %dma_start3A_47, %dma_start3A_48] : memref<2x128x256xf32, #tpu.memory_space<vmem>> -> memref<1x128x256xf32, #tpu.memory_space<vmem>>
    %dma_start3A_50 = tpu.memref_squeeze %dma_start3A_49 : memref<1x128x256xf32, #tpu.memory_space<vmem>> -> memref<128x256xf32, #tpu.memory_space<vmem>>
    %dma_start3A_51 = arith.constant 0 : i32
    %dma_start3A_52 = tpu.memref_slice %arg5[%dma_start3A_45, %dma_start3A_51] : memref<2x128xi32, #tpu.memory_space<vmem>> -> memref<1x128xi32, #tpu.memory_space<vmem>>
    %dma_start3A_53 = tpu.memref_squeeze %dma_start3A_52 : memref<1x128xi32, #tpu.memory_space<vmem>> -> memref<128xi32, #tpu.memory_space<vmem>>
    %dma_start3A_54 = arith.constant 0 : i32
    %dma_start3A_55 = arith.constant 0 : i32
    %dma_start3A_56 = tpu.memref_slice %arg2[%dma_start3A_54, %dma_start3A_55] : memref<4096x256xf32, #tpu.memory_space<hbm>> -> memref<4096x256xf32, #tpu.memory_space<hbm>>
    tpu.enqueue_indirect_dma source(%dma_start3A_56 : memref<4096x256xf32, #tpu.memory_space<hbm>>) target(%dma_start3A_50 : memref<128x256xf32, #tpu.memory_space<vmem>>) offsets(%dma_start3A_53 : memref<128xi32, #tpu.memory_space<vmem>>) semaphore(%arg8 : memref<!tpu.dma_semaphore, #tpu.memory_space<semaphore_mem>>)
    %add3A_57 = arith.constant 128 : i32
    %add3A_58 = arith.addi %mul3A_2, %add3A_57 : i32
    %dma_wait3A_59 = arith.constant 1 : i32
    %dma_wait3A_60 = arith.constant 1 : i32
    %dma_wait3A_61 = arith.constant 0 : i32
    %dma_wait3A_62 = arith.constant 0 : i32
    %dma_wait3A_63 = tpu.memref_slice %arg6[%dma_wait3A_60, %dma_wait3A_61, %dma_wait3A_62] : memref<2x128x256xf32, #tpu.memory_space<vmem>> -> memref<1x128x256xf32, #tpu.memory_space<vmem>>
    %dma_wait3A_64 = tpu.memref_squeeze %dma_wait3A_63 : memref<1x128x256xf32, #tpu.memory_space<vmem>> -> memref<128x256xf32, #tpu.memory_space<vmem>>
    %dma_wait3A_65 = arith.constant 0 : i32
    %dma_wait3A_66 = tpu.memref_slice %arg5[%dma_wait3A_59, %dma_wait3A_65] : memref<2x128xi32, #tpu.memory_space<vmem>> -> memref<1x128xi32, #tpu.memory_space<vmem>>
    %dma_wait3A_67 = tpu.memref_squeeze %dma_wait3A_66 : memref<1x128xi32, #tpu.memory_space<vmem>> -> memref<128xi32, #tpu.memory_space<vmem>>
    %dma_wait3A_68 = arith.constant 0 : i32
    %dma_wait3A_69 = arith.constant 0 : i32
    %dma_wait3A_70 = tpu.memref_slice %arg2[%dma_wait3A_68, %dma_wait3A_69] : memref<4096x256xf32, #tpu.memory_space<hbm>> -> memref<4096x256xf32, #tpu.memory_space<hbm>>
    tpu.wait_indirect_dma semaphore(%arg8 : memref<!tpu.dma_semaphore, #tpu.memory_space<semaphore_mem>>) src(%dma_wait3A_70 : memref<4096x256xf32, #tpu.memory_space<hbm>>) dst(%dma_wait3A_64 : memref<128x256xf32, #tpu.memory_space<vmem>>)
    %dma_start3A_71 = arith.constant 1 : i32
    %dma_start3A_72 = arith.constant 0 : i32
    %dma_start3A_73 = arith.constant 0 : i32
    %dma_start3A_74 = tpu.memref_slice %arg6[%dma_start3A_71, %dma_start3A_72, %dma_start3A_73] : memref<2x128x256xf32, #tpu.memory_space<vmem>> -> memref<1x128x256xf32, #tpu.memory_space<vmem>>
    %dma_start3A_75 = tpu.memref_squeeze %dma_start3A_74 : memref<1x128x256xf32, #tpu.memory_space<vmem>> -> memref<128x256xf32, #tpu.memory_space<vmem>>
    %dma_start3A_76 = arith.constant 0 : i32
    %dma_start3A_77 = tpu.memref_slice %arg4[%add3A_58, %dma_start3A_76] : memref<16384x256xf32, #tpu.memory_space<hbm>> -> memref<128x256xf32, #tpu.memory_space<hbm>>
    %dma_start3A_78 = arith.constant 0 : i32
    %dma_start3A_79 = tpu.memref_slice %arg4[%add3A_58, %dma_start3A_78] : memref<16384x256xf32, #tpu.memory_space<hbm>> -> memref<128x256xf32, #tpu.memory_space<hbm>>
    %dma_start3A_80 = arith.constant 0 : i32
    %dma_start3A_81 = arith.constant 0 : i32
    %dma_start3A_82 = tpu.memref_slice %arg6[%dma_start3A_71, %dma_start3A_80, %dma_start3A_81] : memref<2x128x256xf32, #tpu.memory_space<vmem>> -> memref<1x128x256xf32, #tpu.memory_space<vmem>>
    %dma_start3A_83 = tpu.memref_squeeze %dma_start3A_82 : memref<1x128x256xf32, #tpu.memory_space<vmem>> -> memref<128x256xf32, #tpu.memory_space<vmem>>
    tpu.enqueue_dma source(%dma_start3A_83 : memref<128x256xf32, #tpu.memory_space<vmem>>) target(%dma_start3A_79 : memref<128x256xf32, #tpu.memory_space<hbm>>) target_semaphore(%arg10 : memref<!tpu.dma_semaphore, #tpu.memory_space<semaphore_mem>>)
    %dma_wait3A_84 = arith.constant 0 : i32
    %dma_wait3A_85 = arith.constant 0 : i32
    %dma_wait3A_86 = arith.constant 0 : i32
    %dma_wait3A_87 = tpu.memref_slice %arg6[%dma_wait3A_84, %dma_wait3A_85, %dma_wait3A_86] : memref<2x128x256xf32, #tpu.memory_space<vmem>> -> memref<1x128x256xf32, #tpu.memory_space<vmem>>
    %dma_wait3A_88 = tpu.memref_squeeze %dma_wait3A_87 : memref<1x128x256xf32, #tpu.memory_space<vmem>> -> memref<128x256xf32, #tpu.memory_space<vmem>>
    %dma_wait3A_89 = arith.constant 0 : i32
    %dma_wait3A_90 = tpu.memref_slice %arg4[%add3A_17, %dma_wait3A_89] : memref<16384x256xf32, #tpu.memory_space<hbm>> -> memref<128x256xf32, #tpu.memory_space<hbm>>
    %dma_wait3A_91 = arith.constant 0 : i32
    %dma_wait3A_92 = tpu.memref_slice %arg4[%add3A_17, %dma_wait3A_91] : memref<16384x256xf32, #tpu.memory_space<hbm>> -> memref<128x256xf32, #tpu.memory_space<hbm>>
    %dma_wait3A_93 = arith.constant 0 : i32
    %dma_wait3A_94 = arith.constant 0 : i32
    %dma_wait3A_95 = tpu.memref_slice %arg6[%dma_wait3A_84, %dma_wait3A_93, %dma_wait3A_94] : memref<2x128x256xf32, #tpu.memory_space<vmem>> -> memref<1x128x256xf32, #tpu.memory_space<vmem>>
    %dma_wait3A_96 = tpu.memref_squeeze %dma_wait3A_95 : memref<1x128x256xf32, #tpu.memory_space<vmem>> -> memref<128x256xf32, #tpu.memory_space<vmem>>
    tpu.wait_dma2 semaphore(%arg9 : memref<!tpu.dma_semaphore, #tpu.memory_space<semaphore_mem>>) src(%dma_wait3A_96 : memref<128x256xf32, #tpu.memory_space<vmem>>) dst(%dma_wait3A_92 : memref<128x256xf32, #tpu.memory_space<hbm>>)
    %add3A_97 = arith.constant 256 : i32
    %add3A_98 = arith.addi %mul3A_2, %add3A_97 : i32
    %run_scoped3A_99 = arith.constant 0 : i32
    "tpu.region"() ({
      %run_scoped3A_207 = tpu.sem_alloc : memref<!tpu.dma_semaphore, #tpu.memory_space<semaphore_mem>>
      %dma_start3A_208 = arith.constant 0 : i32
      %dma_start3A_209 = tpu.memref_slice %arg5[%run_scoped3A_99, %dma_start3A_208] : memref<2x128xi32, #tpu.memory_space<vmem>> -> memref<1x128xi32, #tpu.memory_space<vmem>>
      %dma_start3A_210 = tpu.memref_squeeze %dma_start3A_209 : memref<1x128xi32, #tpu.memory_space<vmem>> -> memref<128xi32, #tpu.memory_space<vmem>>
      %dma_start3A_211 = tpu.memref_slice %arg3[%add3A_98] : memref<16384xi32, #tpu.memory_space<hbm>> -> memref<128xi32, #tpu.memory_space<hbm>>
      %dma_start3A_212 = arith.constant 0 : i32
      %dma_start3A_213 = tpu.memref_slice %arg5[%run_scoped3A_99, %dma_start3A_212] : memref<2x128xi32, #tpu.memory_space<vmem>> -> memref<1x128xi32, #tpu.memory_space<vmem>>
      %dma_start3A_214 = tpu.memref_squeeze %dma_start3A_213 : memref<1x128xi32, #tpu.memory_space<vmem>> -> memref<128xi32, #tpu.memory_space<vmem>>
      %dma_start3A_215 = tpu.memref_slice %arg3[%add3A_98] : memref<16384xi32, #tpu.memory_space<hbm>> -> memref<128xi32, #tpu.memory_space<hbm>>
      tpu.enqueue_dma source(%dma_start3A_215 : memref<128xi32, #tpu.memory_space<hbm>>) target(%dma_start3A_214 : memref<128xi32, #tpu.memory_space<vmem>>) target_semaphore(%run_scoped3A_207 : memref<!tpu.dma_semaphore, #tpu.memory_space<semaphore_mem>>)
      %dma_wait3A_216 = arith.constant 0 : i32
      %dma_wait3A_217 = tpu.memref_slice %arg5[%run_scoped3A_99, %dma_wait3A_216] : memref<2x128xi32, #tpu.memory_space<vmem>> -> memref<1x128xi32, #tpu.memory_space<vmem>>
      %dma_wait3A_218 = tpu.memref_squeeze %dma_wait3A_217 : memref<1x128xi32, #tpu.memory_space<vmem>> -> memref<128xi32, #tpu.memory_space<vmem>>
      %dma_wait3A_219 = tpu.memref_slice %arg3[%add3A_98] : memref<16384xi32, #tpu.memory_space<hbm>> -> memref<128xi32, #tpu.memory_space<hbm>>
      %dma_wait3A_220 = arith.constant 0 : i32
      %dma_wait3A_221 = tpu.memref_slice %arg5[%run_scoped3A_99, %dma_wait3A_220] : memref<2x128xi32, #tpu.memory_space<vmem>> -> memref<1x128xi32, #tpu.memory_space<vmem>>
      %dma_wait3A_222 = tpu.memref_squeeze %dma_wait3A_221 : memref<1x128xi32, #tpu.memory_space<vmem>> -> memref<128xi32, #tpu.memory_space<vmem>>
      %dma_wait3A_223 = tpu.memref_slice %arg3[%add3A_98] : memref<16384xi32, #tpu.memory_space<hbm>> -> memref<128xi32, #tpu.memory_space<hbm>>
      tpu.wait_dma2 semaphore(%run_scoped3A_207 : memref<!tpu.dma_semaphore, #tpu.memory_space<semaphore_mem>>) src(%dma_wait3A_223 : memref<128xi32, #tpu.memory_space<hbm>>) dst(%dma_wait3A_222 : memref<128xi32, #tpu.memory_space<vmem>>)
      tpu.yield
    }) : () -> ()
    %dma_start3A_100 = arith.constant 0 : i32
    %dma_start3A_101 = arith.constant 0 : i32
    %dma_start3A_102 = arith.constant 0 : i32
    %dma_start3A_103 = arith.constant 0 : i32
    %dma_start3A_104 = tpu.memref_slice %arg6[%dma_start3A_101, %dma_start3A_102, %dma_start3A_103] : memref<2x128x256xf32, #tpu.memory_space<vmem>> -> memref<1x128x256xf32, #tpu.memory_space<vmem>>
    %dma_start3A_105 = tpu.memref_squeeze %dma_start3A_104 : memref<1x128x256xf32, #tpu.memory_space<vmem>> -> memref<128x256xf32, #tpu.memory_space<vmem>>
    %dma_start3A_106 = arith.constant 0 : i32
    %dma_start3A_107 = tpu.memref_slice %arg5[%dma_start3A_100, %dma_start3A_106] : memref<2x128xi32, #tpu.memory_space<vmem>> -> memref<1x128xi32, #tpu.memory_space<vmem>>
    %dma_start3A_108 = tpu.memref_squeeze %dma_start3A_107 : memref<1x128xi32, #tpu.memory_space<vmem>> -> memref<128xi32, #tpu.memory_space<vmem>>
    %dma_start3A_109 = arith.constant 0 : i32
    %dma_start3A_110 = arith.constant 0 : i32
    %dma_start3A_111 = tpu.memref_slice %arg2[%dma_start3A_109, %dma_start3A_110] : memref<4096x256xf32, #tpu.memory_space<hbm>> -> memref<4096x256xf32, #tpu.memory_space<hbm>>
    tpu.enqueue_indirect_dma source(%dma_start3A_111 : memref<4096x256xf32, #tpu.memory_space<hbm>>) target(%dma_start3A_105 : memref<128x256xf32, #tpu.memory_space<vmem>>) offsets(%dma_start3A_108 : memref<128xi32, #tpu.memory_space<vmem>>) semaphore(%arg7 : memref<!tpu.dma_semaphore, #tpu.memory_space<semaphore_mem>>)
    %add3A_112 = arith.constant 256 : i32
    %add3A_113 = arith.addi %mul3A_2, %add3A_112 : i32
    %dma_wait3A_114 = arith.constant 0 : i32
    %dma_wait3A_115 = arith.constant 0 : i32
    %dma_wait3A_116 = arith.constant 0 : i32
    %dma_wait3A_117 = arith.constant 0 : i32
    %dma_wait3A_118 = tpu.memref_slice %arg6[%dma_wait3A_115, %dma_wait3A_116, %dma_wait3A_117] : memref<2x128x256xf32, #tpu.memory_space<vmem>> -> memref<1x128x256xf32, #tpu.memory_space<vmem>>
    %dma_wait3A_119 = tpu.memref_squeeze %dma_wait3A_118 : memref<1x128x256xf32, #tpu.memory_space<vmem>> -> memref<128x256xf32, #tpu.memory_space<vmem>>
    %dma_wait3A_120 = arith.constant 0 : i32
    %dma_wait3A_121 = tpu.memref_slice %arg5[%dma_wait3A_114, %dma_wait3A_120] : memref<2x128xi32, #tpu.memory_space<vmem>> -> memref<1x128xi32, #tpu.memory_space<vmem>>
    %dma_wait3A_122 = tpu.memref_squeeze %dma_wait3A_121 : memref<1x128xi32, #tpu.memory_space<vmem>> -> memref<128xi32, #tpu.memory_space<vmem>>
    %dma_wait3A_123 = arith.constant 0 : i32
    %dma_wait3A_124 = arith.constant 0 : i32
    %dma_wait3A_125 = tpu.memref_slice %arg2[%dma_wait3A_123, %dma_wait3A_124] : memref<4096x256xf32, #tpu.memory_space<hbm>> -> memref<4096x256xf32, #tpu.memory_space<hbm>>
    tpu.wait_indirect_dma semaphore(%arg7 : memref<!tpu.dma_semaphore, #tpu.memory_space<semaphore_mem>>) src(%dma_wait3A_125 : memref<4096x256xf32, #tpu.memory_space<hbm>>) dst(%dma_wait3A_119 : memref<128x256xf32, #tpu.memory_space<vmem>>)
    %dma_start3A_126 = arith.constant 0 : i32
    %dma_start3A_127 = arith.constant 0 : i32
    %dma_start3A_128 = arith.constant 0 : i32
    %dma_start3A_129 = tpu.memref_slice %arg6[%dma_start3A_126, %dma_start3A_127, %dma_start3A_128] : memref<2x128x256xf32, #tpu.memory_space<vmem>> -> memref<1x128x256xf32, #tpu.memory_space<vmem>>
    %dma_start3A_130 = tpu.memref_squeeze %dma_start3A_129 : memref<1x128x256xf32, #tpu.memory_space<vmem>> -> memref<128x256xf32, #tpu.memory_space<vmem>>
    %dma_start3A_131 = arith.constant 0 : i32
    %dma_start3A_132 = tpu.memref_slice %arg4[%add3A_113, %dma_start3A_131] : memref<16384x256xf32, #tpu.memory_space<hbm>> -> memref<128x256xf32, #tpu.memory_space<hbm>>
    %dma_start3A_133 = arith.constant 0 : i32
    %dma_start3A_134 = tpu.memref_slice %arg4[%add3A_113, %dma_start3A_133] : memref<16384x256xf32, #tpu.memory_space<hbm>> -> memref<128x256xf32, #tpu.memory_space<hbm>>
    %dma_start3A_135 = arith.constant 0 : i32
    %dma_start3A_136 = arith.constant 0 : i32
    %dma_start3A_137 = tpu.memref_slice %arg6[%dma_start3A_126, %dma_start3A_135, %dma_start3A_136] : memref<2x128x256xf32, #tpu.memory_space<vmem>> -> memref<1x128x256xf32, #tpu.memory_space<vmem>>
    %dma_start3A_138 = tpu.memref_squeeze %dma_start3A_137 : memref<1x128x256xf32, #tpu.memory_space<vmem>> -> memref<128x256xf32, #tpu.memory_space<vmem>>
    tpu.enqueue_dma source(%dma_start3A_138 : memref<128x256xf32, #tpu.memory_space<vmem>>) target(%dma_start3A_134 : memref<128x256xf32, #tpu.memory_space<hbm>>) target_semaphore(%arg9 : memref<!tpu.dma_semaphore, #tpu.memory_space<semaphore_mem>>)
    %dma_wait3A_139 = arith.constant 1 : i32
    %dma_wait3A_140 = arith.constant 0 : i32
    %dma_wait3A_141 = arith.constant 0 : i32
    %dma_wait3A_142 = tpu.memref_slice %arg6[%dma_wait3A_139, %dma_wait3A_140, %dma_wait3A_141] : memref<2x128x256xf32, #tpu.memory_space<vmem>> -> memref<1x128x256xf32, #tpu.memory_space<vmem>>
    %dma_wait3A_143 = tpu.memref_squeeze %dma_wait3A_142 : memref<1x128x256xf32, #tpu.memory_space<vmem>> -> memref<128x256xf32, #tpu.memory_space<vmem>>
    %dma_wait3A_144 = arith.constant 0 : i32
    %dma_wait3A_145 = tpu.memref_slice %arg4[%add3A_58, %dma_wait3A_144] : memref<16384x256xf32, #tpu.memory_space<hbm>> -> memref<128x256xf32, #tpu.memory_space<hbm>>
    %dma_wait3A_146 = arith.constant 0 : i32
    %dma_wait3A_147 = tpu.memref_slice %arg4[%add3A_58, %dma_wait3A_146] : memref<16384x256xf32, #tpu.memory_space<hbm>> -> memref<128x256xf32, #tpu.memory_space<hbm>>
    %dma_wait3A_148 = arith.constant 0 : i32
    %dma_wait3A_149 = arith.constant 0 : i32
    %dma_wait3A_150 = tpu.memref_slice %arg6[%dma_wait3A_139, %dma_wait3A_148, %dma_wait3A_149] : memref<2x128x256xf32, #tpu.memory_space<vmem>> -> memref<1x128x256xf32, #tpu.memory_space<vmem>>
    %dma_wait3A_151 = tpu.memref_squeeze %dma_wait3A_150 : memref<1x128x256xf32, #tpu.memory_space<vmem>> -> memref<128x256xf32, #tpu.memory_space<vmem>>
    tpu.wait_dma2 semaphore(%arg10 : memref<!tpu.dma_semaphore, #tpu.memory_space<semaphore_mem>>) src(%dma_wait3A_151 : memref<128x256xf32, #tpu.memory_space<vmem>>) dst(%dma_wait3A_147 : memref<128x256xf32, #tpu.memory_space<hbm>>)
    %add3A_152 = arith.constant 384 : i32
    %add3A_153 = arith.addi %mul3A_2, %add3A_152 : i32
    %run_scoped3A_154 = arith.constant 1 : i32
    "tpu.region"() ({
      %run_scoped3A_207 = tpu.sem_alloc : memref<!tpu.dma_semaphore, #tpu.memory_space<semaphore_mem>>
      %dma_start3A_208 = arith.constant 0 : i32
      %dma_start3A_209 = tpu.memref_slice %arg5[%run_scoped3A_154, %dma_start3A_208] : memref<2x128xi32, #tpu.memory_space<vmem>> -> memref<1x128xi32, #tpu.memory_space<vmem>>
      %dma_start3A_210 = tpu.memref_squeeze %dma_start3A_209 : memref<1x128xi32, #tpu.memory_space<vmem>> -> memref<128xi32, #tpu.memory_space<vmem>>
      %dma_start3A_211 = tpu.memref_slice %arg3[%add3A_153] : memref<16384xi32, #tpu.memory_space<hbm>> -> memref<128xi32, #tpu.memory_space<hbm>>
      %dma_start3A_212 = arith.constant 0 : i32
      %dma_start3A_213 = tpu.memref_slice %arg5[%run_scoped3A_154, %dma_start3A_212] : memref<2x128xi32, #tpu.memory_space<vmem>> -> memref<1x128xi32, #tpu.memory_space<vmem>>
      %dma_start3A_214 = tpu.memref_squeeze %dma_start3A_213 : memref<1x128xi32, #tpu.memory_space<vmem>> -> memref<128xi32, #tpu.memory_space<vmem>>
      %dma_start3A_215 = tpu.memref_slice %arg3[%add3A_153] : memref<16384xi32, #tpu.memory_space<hbm>> -> memref<128xi32, #tpu.memory_space<hbm>>
      tpu.enqueue_dma source(%dma_start3A_215 : memref<128xi32, #tpu.memory_space<hbm>>) target(%dma_start3A_214 : memref<128xi32, #tpu.memory_space<vmem>>) target_semaphore(%run_scoped3A_207 : memref<!tpu.dma_semaphore, #tpu.memory_space<semaphore_mem>>)
      %dma_wait3A_216 = arith.constant 0 : i32
      %dma_wait3A_217 = tpu.memref_slice %arg5[%run_scoped3A_154, %dma_wait3A_216] : memref<2x128xi32, #tpu.memory_space<vmem>> -> memref<1x128xi32, #tpu.memory_space<vmem>>
      %dma_wait3A_218 = tpu.memref_squeeze %dma_wait3A_217 : memref<1x128xi32, #tpu.memory_space<vmem>> -> memref<128xi32, #tpu.memory_space<vmem>>
      %dma_wait3A_219 = tpu.memref_slice %arg3[%add3A_153] : memref<16384xi32, #tpu.memory_space<hbm>> -> memref<128xi32, #tpu.memory_space<hbm>>
      %dma_wait3A_220 = arith.constant 0 : i32
      %dma_wait3A_221 = tpu.memref_slice %arg5[%run_scoped3A_154, %dma_wait3A_220] : memref<2x128xi32, #tpu.memory_space<vmem>> -> memref<1x128xi32, #tpu.memory_space<vmem>>
      %dma_wait3A_222 = tpu.memref_squeeze %dma_wait3A_221 : memref<1x128xi32, #tpu.memory_space<vmem>> -> memref<128xi32, #tpu.memory_space<vmem>>
      %dma_wait3A_223 = tpu.memref_slice %arg3[%add3A_153] : memref<16384xi32, #tpu.memory_space<hbm>> -> memref<128xi32, #tpu.memory_space<hbm>>
      tpu.wait_dma2 semaphore(%run_scoped3A_207 : memref<!tpu.dma_semaphore, #tpu.memory_space<semaphore_mem>>) src(%dma_wait3A_223 : memref<128xi32, #tpu.memory_space<hbm>>) dst(%dma_wait3A_222 : memref<128xi32, #tpu.memory_space<vmem>>)
      tpu.yield
    }) : () -> ()
    %dma_start3A_155 = arith.constant 1 : i32
    %dma_start3A_156 = arith.constant 1 : i32
    %dma_start3A_157 = arith.constant 0 : i32
    %dma_start3A_158 = arith.constant 0 : i32
    %dma_start3A_159 = tpu.memref_slice %arg6[%dma_start3A_156, %dma_start3A_157, %dma_start3A_158] : memref<2x128x256xf32, #tpu.memory_space<vmem>> -> memref<1x128x256xf32, #tpu.memory_space<vmem>>
    %dma_start3A_160 = tpu.memref_squeeze %dma_start3A_159 : memref<1x128x256xf32, #tpu.memory_space<vmem>> -> memref<128x256xf32, #tpu.memory_space<vmem>>
    %dma_start3A_161 = arith.constant 0 : i32
    %dma_start3A_162 = tpu.memref_slice %arg5[%dma_start3A_155, %dma_start3A_161] : memref<2x128xi32, #tpu.memory_space<vmem>> -> memref<1x128xi32, #tpu.memory_space<vmem>>
    %dma_start3A_163 = tpu.memref_squeeze %dma_start3A_162 : memref<1x128xi32, #tpu.memory_space<vmem>> -> memref<128xi32, #tpu.memory_space<vmem>>
    %dma_start3A_164 = arith.constant 0 : i32
    %dma_start3A_165 = arith.constant 0 : i32
    %dma_start3A_166 = tpu.memref_slice %arg2[%dma_start3A_164, %dma_start3A_165] : memref<4096x256xf32, #tpu.memory_space<hbm>> -> memref<4096x256xf32, #tpu.memory_space<hbm>>
    tpu.enqueue_indirect_dma source(%dma_start3A_166 : memref<4096x256xf32, #tpu.memory_space<hbm>>) target(%dma_start3A_160 : memref<128x256xf32, #tpu.memory_space<vmem>>) offsets(%dma_start3A_163 : memref<128xi32, #tpu.memory_space<vmem>>) semaphore(%arg8 : memref<!tpu.dma_semaphore, #tpu.memory_space<semaphore_mem>>)
    %add3A_167 = arith.constant 384 : i32
    %add3A_168 = arith.addi %mul3A_2, %add3A_167 : i32
    %dma_wait3A_169 = arith.constant 1 : i32
    %dma_wait3A_170 = arith.constant 1 : i32
    %dma_wait3A_171 = arith.constant 0 : i32
    %dma_wait3A_172 = arith.constant 0 : i32
    %dma_wait3A_173 = tpu.memref_slice %arg6[%dma_wait3A_170, %dma_wait3A_171, %dma_wait3A_172] : memref<2x128x256xf32, #tpu.memory_space<vmem>> -> memref<1x128x256xf32, #tpu.memory_space<vmem>>
    %dma_wait3A_174 = tpu.memref_squeeze %dma_wait3A_173 : memref<1x128x256xf32, #tpu.memory_space<vmem>> -> memref<128x256xf32, #tpu.memory_space<vmem>>
    %dma_wait3A_175 = arith.constant 0 : i32
    %dma_wait3A_176 = tpu.memref_slice %arg5[%dma_wait3A_169, %dma_wait3A_175] : memref<2x128xi32, #tpu.memory_space<vmem>> -> memref<1x128xi32, #tpu.memory_space<vmem>>
    %dma_wait3A_177 = tpu.memref_squeeze %dma_wait3A_176 : memref<1x128xi32, #tpu.memory_space<vmem>> -> memref<128xi32, #tpu.memory_space<vmem>>
    %dma_wait3A_178 = arith.constant 0 : i32
    %dma_wait3A_179 = arith.constant 0 : i32
    %dma_wait3A_180 = tpu.memref_slice %arg2[%dma_wait3A_178, %dma_wait3A_179] : memref<4096x256xf32, #tpu.memory_space<hbm>> -> memref<4096x256xf32, #tpu.memory_space<hbm>>
    tpu.wait_indirect_dma semaphore(%arg8 : memref<!tpu.dma_semaphore, #tpu.memory_space<semaphore_mem>>) src(%dma_wait3A_180 : memref<4096x256xf32, #tpu.memory_space<hbm>>) dst(%dma_wait3A_174 : memref<128x256xf32, #tpu.memory_space<vmem>>)
    %dma_start3A_181 = arith.constant 1 : i32
    %dma_start3A_182 = arith.constant 0 : i32
    %dma_start3A_183 = arith.constant 0 : i32
    %dma_start3A_184 = tpu.memref_slice %arg6[%dma_start3A_181, %dma_start3A_182, %dma_start3A_183] : memref<2x128x256xf32, #tpu.memory_space<vmem>> -> memref<1x128x256xf32, #tpu.memory_space<vmem>>
    %dma_start3A_185 = tpu.memref_squeeze %dma_start3A_184 : memref<1x128x256xf32, #tpu.memory_space<vmem>> -> memref<128x256xf32, #tpu.memory_space<vmem>>
    %dma_start3A_186 = arith.constant 0 : i32
    %dma_start3A_187 = tpu.memref_slice %arg4[%add3A_168, %dma_start3A_186] : memref<16384x256xf32, #tpu.memory_space<hbm>> -> memref<128x256xf32, #tpu.memory_space<hbm>>
    %dma_start3A_188 = arith.constant 0 : i32
    %dma_start3A_189 = tpu.memref_slice %arg4[%add3A_168, %dma_start3A_188] : memref<16384x256xf32, #tpu.memory_space<hbm>> -> memref<128x256xf32, #tpu.memory_space<hbm>>
    %dma_start3A_190 = arith.constant 0 : i32
    %dma_start3A_191 = arith.constant 0 : i32
    %dma_start3A_192 = tpu.memref_slice %arg6[%dma_start3A_181, %dma_start3A_190, %dma_start3A_191] : memref<2x128x256xf32, #tpu.memory_space<vmem>> -> memref<1x128x256xf32, #tpu.memory_space<vmem>>
    %dma_start3A_193 = tpu.memref_squeeze %dma_start3A_192 : memref<1x128x256xf32, #tpu.memory_space<vmem>> -> memref<128x256xf32, #tpu.memory_space<vmem>>
    tpu.enqueue_dma source(%dma_start3A_193 : memref<128x256xf32, #tpu.memory_space<vmem>>) target(%dma_start3A_189 : memref<128x256xf32, #tpu.memory_space<hbm>>) target_semaphore(%arg10 : memref<!tpu.dma_semaphore, #tpu.memory_space<semaphore_mem>>)
    %dma_wait3A_194 = arith.constant 1 : i32
    %dma_wait3A_195 = arith.constant 0 : i32
    %dma_wait3A_196 = arith.constant 0 : i32
    %dma_wait3A_197 = tpu.memref_slice %arg6[%dma_wait3A_194, %dma_wait3A_195, %dma_wait3A_196] : memref<2x128x256xf32, #tpu.memory_space<vmem>> -> memref<1x128x256xf32, #tpu.memory_space<vmem>>
    %dma_wait3A_198 = tpu.memref_squeeze %dma_wait3A_197 : memref<1x128x256xf32, #tpu.memory_space<vmem>> -> memref<128x256xf32, #tpu.memory_space<vmem>>
    %dma_wait3A_199 = arith.constant 0 : i32
    %dma_wait3A_200 = tpu.memref_slice %arg4[%add3A_168, %dma_wait3A_199] : memref<16384x256xf32, #tpu.memory_space<hbm>> -> memref<128x256xf32, #tpu.memory_space<hbm>>
    %dma_wait3A_201 = arith.constant 0 : i32
    %dma_wait3A_202 = tpu.memref_slice %arg4[%add3A_168, %dma_wait3A_201] : memref<16384x256xf32, #tpu.memory_space<hbm>> -> memref<128x256xf32, #tpu.memory_space<hbm>>
    %dma_wait3A_203 = arith.constant 0 : i32
    %dma_wait3A_204 = arith.constant 0 : i32
    %dma_wait3A_205 = tpu.memref_slice %arg6[%dma_wait3A_194, %dma_wait3A_203, %dma_wait3A_204] : memref<2x128x256xf32, #tpu.memory_space<vmem>> -> memref<1x128x256xf32, #tpu.memory_space<vmem>>
    %dma_wait3A_206 = tpu.memref_squeeze %dma_wait3A_205 : memref<1x128x256xf32, #tpu.memory_space<vmem>> -> memref<128x256xf32, #tpu.memory_space<vmem>>
    tpu.wait_dma2 semaphore(%arg10 : memref<!tpu.dma_semaphore, #tpu.memory_space<semaphore_mem>>) src(%dma_wait3A_206 : memref<128x256xf32, #tpu.memory_space<vmem>>) dst(%dma_wait3A_202 : memref<128x256xf32, #tpu.memory_space<hbm>>)
    return
  }
}

module attributes {stable_mosaic.version = 14 : i64} {
  func.func @_knn_body(%arg0: i32, %arg1: memref<4096x16xf32, #tpu.memory_space<vmem>>, %arg2: memref<256x16xf32, #tpu.memory_space<vmem>>, %arg3: memref<8x256xi32, #tpu.memory_space<vmem>>) attributes {dimension_semantics = [#tpu.dimension_semantics<arbitrary>], iteration_bounds = array<i64: 8>, scalar_prefetch = 0 : i64, scratch_operands = 0 : i64, tpu.core_type = #tpu.core_type<tc>, window_params = [{pipeline_mode = #tpu.pipeline_mode<synchronous>, transform_indices = @transform_0, window_bounds = array<i64: 4096, 16>}, {transform_indices = @transform_1, window_bounds = array<i64: 256, 16>}, {transform_indices = @transform_2, window_bounds = array<i64: 8, 256>}]} {
    %get3A = arith.constant 0 : index
    %get3A_0 = arith.constant 0 : index
    %get3A_1 = vector.load %arg1[%get3A, %get3A_0] : memref<4096x16xf32, #tpu.memory_space<vmem>>, vector<4096x16xf32>
    %get3A_2 = arith.constant 0 : index
    %get3A_3 = arith.constant 0 : index
    %get3A_4 = vector.load %arg2[%get3A_2, %get3A_3] : memref<256x16xf32, #tpu.memory_space<vmem>>, vector<256x16xf32>
    %dot_general3A = arith.constant dense<0.000000e+00> : vector<4096x256xf32>
    %dot_general3A_5 = tpu.matmul %get3A_1, %get3A_4, %dot_general3A {dimension_numbers = #tpu.dot_dimension_numbers<[1], [1], [0], [0], [0, 0, 1, 0], [], []>, transpose_lhs_hint = false} : vector<4096x16xf32>, vector<256x16xf32>, vector<4096x256xf32> -> vector<4096x256xf32>
    %mul3A = arith.mulf %get3A_1, %get3A_1 : vector<4096x16xf32>
    %reduce_sum3A = arith.constant dense<0.000000e+00> : vector<4096xf32>
    %reduce_sum3A_6 = vector.multi_reduction <add>, %mul3A, %reduce_sum3A [1] : vector<4096x16xf32> to vector<4096xf32>
    %broadcast_in_dim3A = vector.shape_cast %reduce_sum3A_6 : vector<4096xf32> to vector<4096x1xf32>
    %mul3A_7 = arith.constant 2.000000e+00 : f32
    %mul3A_8 = vector.broadcast %mul3A_7 : f32 to vector<4096x256xf32>
    %mul3A_9 = arith.mulf %mul3A_8, %dot_general3A_5 : vector<4096x256xf32>
    %sub3A = vector.broadcast %broadcast_in_dim3A : vector<4096x1xf32> to vector<4096x256xf32>
    %sub3A_10 = arith.subf %sub3A, %mul3A_9 : vector<4096x256xf32>
    %iota3A = tpu.iota {dimensions = array<i32: 0>} : vector<4096x256xi32>
    %argmin3A = tpu.reduce_index %sub3A_10 {axis = 0 : i32, kind = #tpu.reduction_kind<arg_min>} : vector<4096x256xf32> -> vector<256xi32>
    %reshape3A = vector.shape_cast %argmin3A : vector<256xi32> to vector<1x256xi32>
    %swap3A = arith.constant 0 : index
    %swap3A_11 = arith.constant 0 : index
    %swap3A_12 = vector.load %arg3[%swap3A, %swap3A_11] : memref<8x256xi32, #tpu.memory_space<vmem>>, vector<1x256xi32>
    tpu.vector_store %arg3[%swap3A, %swap3A_11], %reshape3A {strides = array<i32>} : memref<8x256xi32, #tpu.memory_space<vmem>>, vector<1x256xi32>,
    %eq3A = vector.broadcast %reshape3A : vector<1x256xi32> to vector<4096x256xi32>
    %eq3A_13 = arith.cmpi eq, %iota3A, %eq3A : vector<4096x256xi32>
    %jit3A = arith.constant 0x7F800000 : f32
    %broadcast_in_dim3A_14 = vector.broadcast %jit3A : f32 to vector<4096x256xf32>
    %select_n3A = arith.select %eq3A_13, %broadcast_in_dim3A_14, %sub3A_10 : vector<4096x256xi1>, vector<4096x256xf32>
    %argmin3A_15 = tpu.reduce_index %select_n3A {axis = 0 : i32, kind = #tpu.reduction_kind<arg_min>} : vector<4096x256xf32> -> vector<256xi32>
    %reshape3A_16 = vector.shape_cast %argmin3A_15 : vector<256xi32> to vector<1x256xi32>
    %swap3A_17 = arith.constant 1 : index
    %swap3A_18 = arith.constant 0 : index
    %swap3A_19 = vector.load %arg3[%swap3A_17, %swap3A_18] : memref<8x256xi32, #tpu.memory_space<vmem>>, vector<1x256xi32>
    tpu.vector_store %arg3[%swap3A_17, %swap3A_18], %reshape3A_16 {strides = array<i32>} : memref<8x256xi32, #tpu.memory_space<vmem>>, vector<1x256xi32>,
    %eq3A_20 = vector.broadcast %reshape3A_16 : vector<1x256xi32> to vector<4096x256xi32>
    %eq3A_21 = arith.cmpi eq, %iota3A, %eq3A_20 : vector<4096x256xi32>
    %jit3A_22 = arith.constant 0x7F800000 : f32
    %broadcast_in_dim3A_23 = vector.broadcast %jit3A_22 : f32 to vector<4096x256xf32>
    %select_n3A_24 = arith.select %eq3A_21, %broadcast_in_dim3A_23, %select_n3A : vector<4096x256xi1>, vector<4096x256xf32>
    %argmin3A_25 = tpu.reduce_index %select_n3A_24 {axis = 0 : i32, kind = #tpu.reduction_kind<arg_min>} : vector<4096x256xf32> -> vector<256xi32>
    %reshape3A_26 = vector.shape_cast %argmin3A_25 : vector<256xi32> to vector<1x256xi32>
    %swap3A_27 = arith.constant 2 : index
    %swap3A_28 = arith.constant 0 : index
    %swap3A_29 = vector.load %arg3[%swap3A_27, %swap3A_28] : memref<8x256xi32, #tpu.memory_space<vmem>>, vector<1x256xi32>
    tpu.vector_store %arg3[%swap3A_27, %swap3A_28], %reshape3A_26 {strides = array<i32>} : memref<8x256xi32, #tpu.memory_space<vmem>>, vector<1x256xi32>,
    %eq3A_30 = vector.broadcast %reshape3A_26 : vector<1x256xi32> to vector<4096x256xi32>
    %eq3A_31 = arith.cmpi eq, %iota3A, %eq3A_30 : vector<4096x256xi32>
    %jit3A_32 = arith.constant 0x7F800000 : f32
    %broadcast_in_dim3A_33 = vector.broadcast %jit3A_32 : f32 to vector<4096x256xf32>
    %select_n3A_34 = arith.select %eq3A_31, %broadcast_in_dim3A_33, %select_n3A_24 : vector<4096x256xi1>, vector<4096x256xf32>
    %argmin3A_35 = tpu.reduce_index %select_n3A_34 {axis = 0 : i32, kind = #tpu.reduction_kind<arg_min>} : vector<4096x256xf32> -> vector<256xi32>
    %reshape3A_36 = vector.shape_cast %argmin3A_35 : vector<256xi32> to vector<1x256xi32>
    %swap3A_37 = arith.constant 3 : index
    %swap3A_38 = arith.constant 0 : index
    %swap3A_39 = vector.load %arg3[%swap3A_37, %swap3A_38] : memref<8x256xi32, #tpu.memory_space<vmem>>, vector<1x256xi32>
    tpu.vector_store %arg3[%swap3A_37, %swap3A_38], %reshape3A_36 {strides = array<i32>} : memref<8x256xi32, #tpu.memory_space<vmem>>, vector<1x256xi32>,
    %eq3A_40 = vector.broadcast %reshape3A_36 : vector<1x256xi32> to vector<4096x256xi32>
    %eq3A_41 = arith.cmpi eq, %iota3A, %eq3A_40 : vector<4096x256xi32>
    %jit3A_42 = arith.constant 0x7F800000 : f32
    %broadcast_in_dim3A_43 = vector.broadcast %jit3A_42 : f32 to vector<4096x256xf32>
    %select_n3A_44 = arith.select %eq3A_41, %broadcast_in_dim3A_43, %select_n3A_34 : vector<4096x256xi1>, vector<4096x256xf32>
    %argmin3A_45 = tpu.reduce_index %select_n3A_44 {axis = 0 : i32, kind = #tpu.reduction_kind<arg_min>} : vector<4096x256xf32> -> vector<256xi32>
    %reshape3A_46 = vector.shape_cast %argmin3A_45 : vector<256xi32> to vector<1x256xi32>
    %swap3A_47 = arith.constant 4 : index
    %swap3A_48 = arith.constant 0 : index
    %swap3A_49 = vector.load %arg3[%swap3A_47, %swap3A_48] : memref<8x256xi32, #tpu.memory_space<vmem>>, vector<1x256xi32>
    tpu.vector_store %arg3[%swap3A_47, %swap3A_48], %reshape3A_46 {strides = array<i32>} : memref<8x256xi32, #tpu.memory_space<vmem>>, vector<1x256xi32>,
    %eq3A_50 = vector.broadcast %reshape3A_46 : vector<1x256xi32> to vector<4096x256xi32>
    %eq3A_51 = arith.cmpi eq, %iota3A, %eq3A_50 : vector<4096x256xi32>
    %jit3A_52 = arith.constant 0x7F800000 : f32
    %broadcast_in_dim3A_53 = vector.broadcast %jit3A_52 : f32 to vector<4096x256xf32>
    %select_n3A_54 = arith.select %eq3A_51, %broadcast_in_dim3A_53, %select_n3A_44 : vector<4096x256xi1>, vector<4096x256xf32>
    %argmin3A_55 = tpu.reduce_index %select_n3A_54 {axis = 0 : i32, kind = #tpu.reduction_kind<arg_min>} : vector<4096x256xf32> -> vector<256xi32>
    %reshape3A_56 = vector.shape_cast %argmin3A_55 : vector<256xi32> to vector<1x256xi32>
    %swap3A_57 = arith.constant 5 : index
    %swap3A_58 = arith.constant 0 : index
    %swap3A_59 = vector.load %arg3[%swap3A_57, %swap3A_58] : memref<8x256xi32, #tpu.memory_space<vmem>>, vector<1x256xi32>
    tpu.vector_store %arg3[%swap3A_57, %swap3A_58], %reshape3A_56 {strides = array<i32>} : memref<8x256xi32, #tpu.memory_space<vmem>>, vector<1x256xi32>,
    %eq3A_60 = vector.broadcast %reshape3A_56 : vector<1x256xi32> to vector<4096x256xi32>
    %eq3A_61 = arith.cmpi eq, %iota3A, %eq3A_60 : vector<4096x256xi32>
    %jit3A_62 = arith.constant 0x7F800000 : f32
    %broadcast_in_dim3A_63 = vector.broadcast %jit3A_62 : f32 to vector<4096x256xf32>
    %select_n3A_64 = arith.select %eq3A_61, %broadcast_in_dim3A_63, %select_n3A_54 : vector<4096x256xi1>, vector<4096x256xf32>
    %argmin3A_65 = tpu.reduce_index %select_n3A_64 {axis = 0 : i32, kind = #tpu.reduction_kind<arg_min>} : vector<4096x256xf32> -> vector<256xi32>
    %reshape3A_66 = vector.shape_cast %argmin3A_65 : vector<256xi32> to vector<1x256xi32>
    %swap3A_67 = arith.constant 6 : index
    %swap3A_68 = arith.constant 0 : index
    %swap3A_69 = vector.load %arg3[%swap3A_67, %swap3A_68] : memref<8x256xi32, #tpu.memory_space<vmem>>, vector<1x256xi32>
    tpu.vector_store %arg3[%swap3A_67, %swap3A_68], %reshape3A_66 {strides = array<i32>} : memref<8x256xi32, #tpu.memory_space<vmem>>, vector<1x256xi32>,
    %eq3A_70 = vector.broadcast %reshape3A_66 : vector<1x256xi32> to vector<4096x256xi32>
    %eq3A_71 = arith.cmpi eq, %iota3A, %eq3A_70 : vector<4096x256xi32>
    %jit3A_72 = arith.constant 0x7F800000 : f32
    %broadcast_in_dim3A_73 = vector.broadcast %jit3A_72 : f32 to vector<4096x256xf32>
    %select_n3A_74 = arith.select %eq3A_71, %broadcast_in_dim3A_73, %select_n3A_64 : vector<4096x256xi1>, vector<4096x256xf32>
    %argmin3A_75 = tpu.reduce_index %select_n3A_74 {axis = 0 : i32, kind = #tpu.reduction_kind<arg_min>} : vector<4096x256xf32> -> vector<256xi32>
    %reshape3A_76 = vector.shape_cast %argmin3A_75 : vector<256xi32> to vector<1x256xi32>
    %swap3A_77 = arith.constant 7 : index
    %swap3A_78 = arith.constant 0 : index
    %swap3A_79 = vector.load %arg3[%swap3A_77, %swap3A_78] : memref<8x256xi32, #tpu.memory_space<vmem>>, vector<1x256xi32>
    tpu.vector_store %arg3[%swap3A_77, %swap3A_78], %reshape3A_76 {strides = array<i32>} : memref<8x256xi32, #tpu.memory_space<vmem>>, vector<1x256xi32>,
    return
  }
  func.func @transform_0(%arg0: i32) -> (i32, i32) {
    %c0_i32 = arith.constant 0 : i32
    %c0_i32_0 = arith.constant 0 : i32
    %c0_i32_1 = arith.constant 0 : i32
    return %c0_i32, %c0_i32_0 : i32, i32
  }
  func.func @transform_1(%arg0: i32) -> (i32, i32) {
    %add3A = arith.constant 8 : i32
    %add3A_0 = arith.addi %arg0, %add3A : i32
    %c0_i32 = arith.constant 0 : i32
    %c0_i32_1 = arith.constant 0 : i32
    return %add3A_0, %c0_i32 : i32, i32
  }
  func.func @transform_2(%arg0: i32) -> (i32, i32) {
    %c0_i32 = arith.constant 0 : i32
    %c0_i32_0 = arith.constant 0 : i32
    return %c0_i32, %arg0 : i32, i32
  }
}

module attributes {stable_mosaic.version = 14 : i64} {
  func.func @_knn_body(%arg0: i32, %arg1: memref<4096x16xf32, #tpu.memory_space<vmem>>, %arg2: memref<256x16xf32, #tpu.memory_space<vmem>>, %arg3: memref<8x256xi32, #tpu.memory_space<vmem>>) attributes {dimension_semantics = [#tpu.dimension_semantics<arbitrary>], iteration_bounds = array<i64: 8>, scalar_prefetch = 0 : i64, scratch_operands = 0 : i64, tpu.core_type = #tpu.core_type<tc>, window_params = [{pipeline_mode = #tpu.pipeline_mode<synchronous>, transform_indices = @transform_0, window_bounds = array<i64: 4096, 16>}, {transform_indices = @transform_1, window_bounds = array<i64: 256, 16>}, {transform_indices = @transform_2, window_bounds = array<i64: 8, 256>}]} {
    %get3A = arith.constant 0 : index
    %get3A_0 = arith.constant 0 : index
    %get3A_1 = vector.load %arg1[%get3A, %get3A_0] : memref<4096x16xf32, #tpu.memory_space<vmem>>, vector<4096x16xf32>
    %get3A_2 = arith.constant 0 : index
    %get3A_3 = arith.constant 0 : index
    %get3A_4 = vector.load %arg2[%get3A_2, %get3A_3] : memref<256x16xf32, #tpu.memory_space<vmem>>, vector<256x16xf32>
    %dot_general3A = arith.constant dense<0.000000e+00> : vector<4096x256xf32>
    %dot_general3A_5 = tpu.matmul %get3A_1, %get3A_4, %dot_general3A {dimension_numbers = #tpu.dot_dimension_numbers<[1], [1], [0], [0], [0, 0, 1, 0], [], []>, transpose_lhs_hint = false} : vector<4096x16xf32>, vector<256x16xf32>, vector<4096x256xf32> -> vector<4096x256xf32>
    %mul3A = arith.mulf %get3A_1, %get3A_1 : vector<4096x16xf32>
    %reduce_sum3A = arith.constant dense<0.000000e+00> : vector<4096xf32>
    %reduce_sum3A_6 = vector.multi_reduction <add>, %mul3A, %reduce_sum3A [1] : vector<4096x16xf32> to vector<4096xf32>
    %broadcast_in_dim3A = vector.shape_cast %reduce_sum3A_6 : vector<4096xf32> to vector<4096x1xf32>
    %mul3A_7 = arith.constant 2.000000e+00 : f32
    %mul3A_8 = vector.broadcast %mul3A_7 : f32 to vector<4096x256xf32>
    %mul3A_9 = arith.mulf %mul3A_8, %dot_general3A_5 : vector<4096x256xf32>
    %sub3A = vector.broadcast %broadcast_in_dim3A : vector<4096x1xf32> to vector<4096x256xf32>
    %sub3A_10 = arith.subf %sub3A, %mul3A_9 : vector<4096x256xf32>
    %iota3A = tpu.iota {dimensions = array<i32: 0>} : vector<4096x256xi32>
    %argmin3A = tpu.reduce_index %sub3A_10 {axis = 0 : i32, kind = #tpu.reduction_kind<arg_min>} : vector<4096x256xf32> -> vector<256xi32>
    %reshape3A = vector.shape_cast %argmin3A : vector<256xi32> to vector<1x256xi32>
    %swap3A = arith.constant 0 : index
    %swap3A_11 = arith.constant 0 : index
    %swap3A_12 = vector.load %arg3[%swap3A, %swap3A_11] : memref<8x256xi32, #tpu.memory_space<vmem>>, vector<1x256xi32>
    tpu.vector_store %arg3[%swap3A, %swap3A_11], %reshape3A {strides = array<i32>} : memref<8x256xi32, #tpu.memory_space<vmem>>, vector<1x256xi32>,
    %eq3A = vector.broadcast %reshape3A : vector<1x256xi32> to vector<4096x256xi32>
    %eq3A_13 = arith.cmpi eq, %iota3A, %eq3A : vector<4096x256xi32>
    %jit3A = arith.constant 0x7F800000 : f32
    %broadcast_in_dim3A_14 = vector.broadcast %jit3A : f32 to vector<4096x256xf32>
    %select_n3A = arith.select %eq3A_13, %broadcast_in_dim3A_14, %sub3A_10 : vector<4096x256xi1>, vector<4096x256xf32>
    %argmin3A_15 = tpu.reduce_index %select_n3A {axis = 0 : i32, kind = #tpu.reduction_kind<arg_min>} : vector<4096x256xf32> -> vector<256xi32>
    %reshape3A_16 = vector.shape_cast %argmin3A_15 : vector<256xi32> to vector<1x256xi32>
    %swap3A_17 = arith.constant 1 : index
    %swap3A_18 = arith.constant 0 : index
    %swap3A_19 = vector.load %arg3[%swap3A_17, %swap3A_18] : memref<8x256xi32, #tpu.memory_space<vmem>>, vector<1x256xi32>
    tpu.vector_store %arg3[%swap3A_17, %swap3A_18], %reshape3A_16 {strides = array<i32>} : memref<8x256xi32, #tpu.memory_space<vmem>>, vector<1x256xi32>,
    %eq3A_20 = vector.broadcast %reshape3A_16 : vector<1x256xi32> to vector<4096x256xi32>
    %eq3A_21 = arith.cmpi eq, %iota3A, %eq3A_20 : vector<4096x256xi32>
    %jit3A_22 = arith.constant 0x7F800000 : f32
    %broadcast_in_dim3A_23 = vector.broadcast %jit3A_22 : f32 to vector<4096x256xf32>
    %select_n3A_24 = arith.select %eq3A_21, %broadcast_in_dim3A_23, %select_n3A : vector<4096x256xi1>, vector<4096x256xf32>
    %argmin3A_25 = tpu.reduce_index %select_n3A_24 {axis = 0 : i32, kind = #tpu.reduction_kind<arg_min>} : vector<4096x256xf32> -> vector<256xi32>
    %reshape3A_26 = vector.shape_cast %argmin3A_25 : vector<256xi32> to vector<1x256xi32>
    %swap3A_27 = arith.constant 2 : index
    %swap3A_28 = arith.constant 0 : index
    %swap3A_29 = vector.load %arg3[%swap3A_27, %swap3A_28] : memref<8x256xi32, #tpu.memory_space<vmem>>, vector<1x256xi32>
    tpu.vector_store %arg3[%swap3A_27, %swap3A_28], %reshape3A_26 {strides = array<i32>} : memref<8x256xi32, #tpu.memory_space<vmem>>, vector<1x256xi32>,
    %eq3A_30 = vector.broadcast %reshape3A_26 : vector<1x256xi32> to vector<4096x256xi32>
    %eq3A_31 = arith.cmpi eq, %iota3A, %eq3A_30 : vector<4096x256xi32>
    %jit3A_32 = arith.constant 0x7F800000 : f32
    %broadcast_in_dim3A_33 = vector.broadcast %jit3A_32 : f32 to vector<4096x256xf32>
    %select_n3A_34 = arith.select %eq3A_31, %broadcast_in_dim3A_33, %select_n3A_24 : vector<4096x256xi1>, vector<4096x256xf32>
    %argmin3A_35 = tpu.reduce_index %select_n3A_34 {axis = 0 : i32, kind = #tpu.reduction_kind<arg_min>} : vector<4096x256xf32> -> vector<256xi32>
    %reshape3A_36 = vector.shape_cast %argmin3A_35 : vector<256xi32> to vector<1x256xi32>
    %swap3A_37 = arith.constant 3 : index
    %swap3A_38 = arith.constant 0 : index
    %swap3A_39 = vector.load %arg3[%swap3A_37, %swap3A_38] : memref<8x256xi32, #tpu.memory_space<vmem>>, vector<1x256xi32>
    tpu.vector_store %arg3[%swap3A_37, %swap3A_38], %reshape3A_36 {strides = array<i32>} : memref<8x256xi32, #tpu.memory_space<vmem>>, vector<1x256xi32>,
    %eq3A_40 = vector.broadcast %reshape3A_36 : vector<1x256xi32> to vector<4096x256xi32>
    %eq3A_41 = arith.cmpi eq, %iota3A, %eq3A_40 : vector<4096x256xi32>
    %jit3A_42 = arith.constant 0x7F800000 : f32
    %broadcast_in_dim3A_43 = vector.broadcast %jit3A_42 : f32 to vector<4096x256xf32>
    %select_n3A_44 = arith.select %eq3A_41, %broadcast_in_dim3A_43, %select_n3A_34 : vector<4096x256xi1>, vector<4096x256xf32>
    %argmin3A_45 = tpu.reduce_index %select_n3A_44 {axis = 0 : i32, kind = #tpu.reduction_kind<arg_min>} : vector<4096x256xf32> -> vector<256xi32>
    %reshape3A_46 = vector.shape_cast %argmin3A_45 : vector<256xi32> to vector<1x256xi32>
    %swap3A_47 = arith.constant 4 : index
    %swap3A_48 = arith.constant 0 : index
    %swap3A_49 = vector.load %arg3[%swap3A_47, %swap3A_48] : memref<8x256xi32, #tpu.memory_space<vmem>>, vector<1x256xi32>
    tpu.vector_store %arg3[%swap3A_47, %swap3A_48], %reshape3A_46 {strides = array<i32>} : memref<8x256xi32, #tpu.memory_space<vmem>>, vector<1x256xi32>,
    %eq3A_50 = vector.broadcast %reshape3A_46 : vector<1x256xi32> to vector<4096x256xi32>
    %eq3A_51 = arith.cmpi eq, %iota3A, %eq3A_50 : vector<4096x256xi32>
    %jit3A_52 = arith.constant 0x7F800000 : f32
    %broadcast_in_dim3A_53 = vector.broadcast %jit3A_52 : f32 to vector<4096x256xf32>
    %select_n3A_54 = arith.select %eq3A_51, %broadcast_in_dim3A_53, %select_n3A_44 : vector<4096x256xi1>, vector<4096x256xf32>
    %argmin3A_55 = tpu.reduce_index %select_n3A_54 {axis = 0 : i32, kind = #tpu.reduction_kind<arg_min>} : vector<4096x256xf32> -> vector<256xi32>
    %reshape3A_56 = vector.shape_cast %argmin3A_55 : vector<256xi32> to vector<1x256xi32>
    %swap3A_57 = arith.constant 5 : index
    %swap3A_58 = arith.constant 0 : index
    %swap3A_59 = vector.load %arg3[%swap3A_57, %swap3A_58] : memref<8x256xi32, #tpu.memory_space<vmem>>, vector<1x256xi32>
    tpu.vector_store %arg3[%swap3A_57, %swap3A_58], %reshape3A_56 {strides = array<i32>} : memref<8x256xi32, #tpu.memory_space<vmem>>, vector<1x256xi32>,
    %eq3A_60 = vector.broadcast %reshape3A_56 : vector<1x256xi32> to vector<4096x256xi32>
    %eq3A_61 = arith.cmpi eq, %iota3A, %eq3A_60 : vector<4096x256xi32>
    %jit3A_62 = arith.constant 0x7F800000 : f32
    %broadcast_in_dim3A_63 = vector.broadcast %jit3A_62 : f32 to vector<4096x256xf32>
    %select_n3A_64 = arith.select %eq3A_61, %broadcast_in_dim3A_63, %select_n3A_54 : vector<4096x256xi1>, vector<4096x256xf32>
    %argmin3A_65 = tpu.reduce_index %select_n3A_64 {axis = 0 : i32, kind = #tpu.reduction_kind<arg_min>} : vector<4096x256xf32> -> vector<256xi32>
    %reshape3A_66 = vector.shape_cast %argmin3A_65 : vector<256xi32> to vector<1x256xi32>
    %swap3A_67 = arith.constant 6 : index
    %swap3A_68 = arith.constant 0 : index
    %swap3A_69 = vector.load %arg3[%swap3A_67, %swap3A_68] : memref<8x256xi32, #tpu.memory_space<vmem>>, vector<1x256xi32>
    tpu.vector_store %arg3[%swap3A_67, %swap3A_68], %reshape3A_66 {strides = array<i32>} : memref<8x256xi32, #tpu.memory_space<vmem>>, vector<1x256xi32>,
    %eq3A_70 = vector.broadcast %reshape3A_66 : vector<1x256xi32> to vector<4096x256xi32>
    %eq3A_71 = arith.cmpi eq, %iota3A, %eq3A_70 : vector<4096x256xi32>
    %jit3A_72 = arith.constant 0x7F800000 : f32
    %broadcast_in_dim3A_73 = vector.broadcast %jit3A_72 : f32 to vector<4096x256xf32>
    %select_n3A_74 = arith.select %eq3A_71, %broadcast_in_dim3A_73, %select_n3A_64 : vector<4096x256xi1>, vector<4096x256xf32>
    %argmin3A_75 = tpu.reduce_index %select_n3A_74 {axis = 0 : i32, kind = #tpu.reduction_kind<arg_min>} : vector<4096x256xf32> -> vector<256xi32>
    %reshape3A_76 = vector.shape_cast %argmin3A_75 : vector<256xi32> to vector<1x256xi32>
    %swap3A_77 = arith.constant 7 : index
    %swap3A_78 = arith.constant 0 : index
    %swap3A_79 = vector.load %arg3[%swap3A_77, %swap3A_78] : memref<8x256xi32, #tpu.memory_space<vmem>>, vector<1x256xi32>
    tpu.vector_store %arg3[%swap3A_77, %swap3A_78], %reshape3A_76 {strides = array<i32>} : memref<8x256xi32, #tpu.memory_space<vmem>>, vector<1x256xi32>,
    return
  }
  func.func @transform_0(%arg0: i32) -> (i32, i32) {
    %c0_i32 = arith.constant 0 : i32
    %c0_i32_0 = arith.constant 0 : i32
    %c0_i32_1 = arith.constant 0 : i32
    return %c0_i32, %c0_i32_0 : i32, i32
  }
  func.func @transform_1(%arg0: i32) -> (i32, i32) {
    %add3A = arith.constant 0 : i32
    %add3A_0 = arith.addi %arg0, %add3A : i32
    %c0_i32 = arith.constant 0 : i32
    %c0_i32_1 = arith.constant 0 : i32
    return %add3A_0, %c0_i32 : i32, i32
  }
  func.func @transform_2(%arg0: i32) -> (i32, i32) {
    %c0_i32 = arith.constant 0 : i32
    %c0_i32_0 = arith.constant 0 : i32
    return %c0_i32, %arg0 : i32, i32
  }
}

module attributes {stable_mosaic.version = 14 : i64} {
  func.func @_fused_body(%arg0: i32, %arg1: memref<8x512x256xf32, #tpu.memory_space<vmem>>, %arg2: memref<512x128xf32, #tpu.memory_space<vmem>>, %arg3: memref<128x384xf32, #tpu.memory_space<vmem>>, %arg4: memref<24x128xf32, #tpu.memory_space<vmem>>, %arg5: memref<1x128xf32, #tpu.memory_space<vmem>>, %arg6: memref<1x128xf32, #tpu.memory_space<vmem>>, %arg7: memref<1x128xf32, #tpu.memory_space<vmem>>, %arg8: memref<128x128xf32, #tpu.memory_space<vmem>>, %arg9: memref<1x128xf32, #tpu.memory_space<vmem>>, %arg10: memref<24x128xf32, #tpu.memory_space<vmem>>, %arg11: memref<1x128xf32, #tpu.memory_space<vmem>>, %arg12: memref<1x128xf32, #tpu.memory_space<vmem>>, %arg13: memref<1x128xf32, #tpu.memory_space<vmem>>, %arg14: memref<128x128xf32, #tpu.memory_space<vmem>>, %arg15: memref<1x128xf32, #tpu.memory_space<vmem>>, %arg16: memref<24x128xf32, #tpu.memory_space<vmem>>, %arg17: memref<1x128xf32, #tpu.memory_space<vmem>>, %arg18: memref<1x128xf32, #tpu.memory_space<vmem>>, %arg19: memref<1x128xf32, #tpu.memory_space<vmem>>, %arg20: memref<128x128xf32, #tpu.memory_space<vmem>>, %arg21: memref<1x128xf32, #tpu.memory_space<vmem>>, %arg22: memref<16x128xf32, #tpu.memory_space<vmem>>, %arg23: memref<1x128xf32, #tpu.memory_space<vmem>>, %arg24: memref<128x128xf32, #tpu.memory_space<vmem>>, %arg25: memref<1x128xf32, #tpu.memory_space<vmem>>, %arg26: memref<128x128xf32, #tpu.memory_space<vmem>>, %arg27: memref<1x128xf32, #tpu.memory_space<vmem>>, %arg28: memref<512x128xf32, #tpu.memory_space<vmem>>) attributes {dimension_semantics = [#tpu.dimension_semantics<arbitrary>], iteration_bounds = array<i64: 4>, scalar_prefetch = 0 : i64, scratch_operands = 0 : i64, tpu.core_type = #tpu.core_type<tc>, window_params = [{transform_indices = @transform_0, window_bounds = array<i64: 8, 512, 256>}, {transform_indices = @transform_1, window_bounds = array<i64: 512, 128>}, {pipeline_mode = #tpu.pipeline_mode<synchronous>, transform_indices = @transform_2, window_bounds = array<i64: 128, 384>}, {pipeline_mode = #tpu.pipeline_mode<synchronous>, transform_indices = @transform_3, window_bounds = array<i64: 24, 128>}, {pipeline_mode = #tpu.pipeline_mode<synchronous>, transform_indices = @transform_4, window_bounds = array<i64: 1, 128>}, {pipeline_mode = #tpu.pipeline_mode<synchronous>, transform_indices = @transform_5, window_bounds = array<i64: 1, 128>}, {pipeline_mode = #tpu.pipeline_mode<synchronous>, transform_indices = @transform_6, window_bounds = array<i64: 1, 128>}, {pipeline_mode = #tpu.pipeline_mode<synchronous>, transform_indices = @transform_7, window_bounds = array<i64: 128, 128>}, {pipeline_mode = #tpu.pipeline_mode<synchronous>, transform_indices = @transform_8, window_bounds = array<i64: 1, 128>}, {pipeline_mode = #tpu.pipeline_mode<synchronous>, transform_indices = @transform_9, window_bounds = array<i64: 24, 128>}, {pipeline_mode = #tpu.pipeline_mode<synchronous>, transform_indices = @transform_10, window_bounds = array<i64: 1, 128>}, {pipeline_mode = #tpu.pipeline_mode<synchronous>, transform_indices = @transform_11, window_bounds = array<i64: 1, 128>}, {pipeline_mode = #tpu.pipeline_mode<synchronous>, transform_indices = @transform_12, window_bounds = array<i64: 1, 128>}, {pipeline_mode = #tpu.pipeline_mode<synchronous>, transform_indices = @transform_13, window_bounds = array<i64: 128, 128>}, {pipeline_mode = #tpu.pipeline_mode<synchronous>, transform_indices = @transform_14, window_bounds = array<i64: 1, 128>}, {pipeline_mode = #tpu.pipeline_mode<synchronous>, transform_indices = @transform_15, window_bounds = array<i64: 24, 128>}, {pipeline_mode = #tpu.pipeline_mode<synchronous>, transform_indices = @transform_16, window_bounds = array<i64: 1, 128>}, {pipeline_mode = #tpu.pipeline_mode<synchronous>, transform_indices = @transform_17, window_bounds = array<i64: 1, 128>}, {pipeline_mode = #tpu.pipeline_mode<synchronous>, transform_indices = @transform_18, window_bounds = array<i64: 1, 128>}, {pipeline_mode = #tpu.pipeline_mode<synchronous>, transform_indices = @transform_19, window_bounds = array<i64: 128, 128>}, {pipeline_mode = #tpu.pipeline_mode<synchronous>, transform_indices = @transform_20, window_bounds = array<i64: 1, 128>}, {pipeline_mode = #tpu.pipeline_mode<synchronous>, transform_indices = @transform_21, window_bounds = array<i64: 16, 128>}, {pipeline_mode = #tpu.pipeline_mode<synchronous>, transform_indices = @transform_22, window_bounds = array<i64: 1, 128>}, {pipeline_mode = #tpu.pipeline_mode<synchronous>, transform_indices = @transform_23, window_bounds = array<i64: 128, 128>}, {pipeline_mode = #tpu.pipeline_mode<synchronous>, transform_indices = @transform_24, window_bounds = array<i64: 1, 128>}, {pipeline_mode = #tpu.pipeline_mode<synchronous>, transform_indices = @transform_25, window_bounds = array<i64: 128, 128>}, {pipeline_mode = #tpu.pipeline_mode<synchronous>, transform_indices = @transform_26, window_bounds = array<i64: 1, 128>}, {transform_indices = @transform_27, window_bounds = array<i64: 512, 128>}]} {
    %get3A = arith.constant 0 : index
    %get3A_0 = arith.constant 0 : index
    %get3A_1 = arith.constant 0 : index
    %get3A_2 = vector.load %arg1[%get3A, %get3A_0, %get3A_1] : memref<8x512x256xf32, #tpu.memory_space<vmem>>, vector<8x512x256xf32>
    %slice3A = vector.extract_strided_slice %get3A_2 {offsets = [0, 0, 0], sizes = [8, 512, 128], strides = [1, 1, 1]} : vector<8x512x256xf32> to vector<8x512x128xf32>
    %get3A_3 = arith.constant 0 : index
    %get3A_4 = arith.constant 0 : index
    %get3A_5 = vector.load %arg2[%get3A_3, %get3A_4] : memref<512x128xf32, #tpu.memory_space<vmem>>, vector<512x128xf32>
    %slice3A_6 = vector.extract_strided_slice %get3A_2 {offsets = [0, 0, 128], sizes = [8, 512, 16], strides = [1, 1, 1]} : vector<8x512x256xf32> to vector<8x512x16xf32>
    %get3A_7 = arith.constant 0 : index
    %get3A_8 = arith.constant 0 : index
    %get3A_9 = vector.load %arg3[%get3A_7, %get3A_8] : memref<128x384xf32, #tpu.memory_space<vmem>>, vector<128x384xf32>
    %iota3A = tpu.iota {dimensions = array<i32: 0>} : vector<128x24xi32>
    %iota3A_10 = tpu.iota {dimensions = array<i32: 1>} : vector<128x24xi32>
    %jit3A = arith.constant 16 : i32
    %div3A = vector.broadcast %jit3A : i32 to vector<128x24xi32>
    %div3A_11 = arith.divsi %iota3A, %div3A : vector<128x24xi32>
    %sign3A = arith.constant 0 : i32
    %sign3A_12 = vector.broadcast %sign3A : i32 to vector<128x24xi32>
    %sign3A_13 = arith.cmpi sgt, %iota3A, %sign3A_12 : vector<128x24xi32>
    %sign3A_14 = arith.extui %sign3A_13 : vector<128x24xi1> to vector<128x24xi32>
    %sign3A_15 = arith.constant 0 : i32
    %sign3A_16 = vector.broadcast %sign3A_15 : i32 to vector<128x24xi32>
    %sign3A_17 = arith.cmpi slt, %iota3A, %sign3A_16 : vector<128x24xi32>
    %sign3A_18 = arith.extui %sign3A_17 : vector<128x24xi1> to vector<128x24xi32>
    %sign3A_19 = arith.subi %sign3A_14, %sign3A_18 : vector<128x24xi32>
    %sign3A_20 = arith.constant 0 : i32
    %sign3A_21 = arith.cmpi sgt, %jit3A, %sign3A_20 : i32
    %sign3A_22 = arith.extui %sign3A_21 : i1 to i32
    %sign3A_23 = arith.constant 0 : i32
    %sign3A_24 = arith.cmpi slt, %jit3A, %sign3A_23 : i32
    %sign3A_25 = arith.extui %sign3A_24 : i1 to i32
    %sign3A_26 = arith.subi %sign3A_22, %sign3A_25 : i32
    %ne3A = vector.broadcast %sign3A_26 : i32 to vector<128x24xi32>
    %ne3A_27 = arith.cmpi ne, %sign3A_19, %ne3A : vector<128x24xi32>
    %rem3A = vector.broadcast %jit3A : i32 to vector<128x24xi32>
    %rem3A_28 = arith.remsi %iota3A, %rem3A : vector<128x24xi32>
    %ne3A_29 = arith.constant 0 : i32
    %ne3A_30 = vector.broadcast %ne3A_29 : i32 to vector<128x24xi32>
    %ne3A_31 = arith.cmpi ne, %rem3A_28, %ne3A_30 : vector<128x24xi32>
    %and3A = arith.andi %ne3A_27, %ne3A_31 : vector<128x24xi1>
    %sub3A = arith.constant 1 : i32
    %sub3A_32 = vector.broadcast %sub3A : i32 to vector<128x24xi32>
    %sub3A_33 = arith.subi %div3A_11, %sub3A_32 : vector<128x24xi32>
    %select_n3A = arith.select %and3A, %sub3A_33, %div3A_11 : vector<128x24xi1>, vector<128x24xi32>
    %jit3A_34 = arith.constant 3 : i32
    %div3A_35 = vector.broadcast %jit3A_34 : i32 to vector<128x24xi32>
    %div3A_36 = arith.divsi %iota3A_10, %div3A_35 : vector<128x24xi32>
    %sign3A_37 = arith.constant 0 : i32
    %sign3A_38 = vector.broadcast %sign3A_37 : i32 to vector<128x24xi32>
    %sign3A_39 = arith.cmpi sgt, %iota3A_10, %sign3A_38 : vector<128x24xi32>
    %sign3A_40 = arith.extui %sign3A_39 : vector<128x24xi1> to vector<128x24xi32>
    %sign3A_41 = arith.constant 0 : i32
    %sign3A_42 = vector.broadcast %sign3A_41 : i32 to vector<128x24xi32>
    %sign3A_43 = arith.cmpi slt, %iota3A_10, %sign3A_42 : vector<128x24xi32>
    %sign3A_44 = arith.extui %sign3A_43 : vector<128x24xi1> to vector<128x24xi32>
    %sign3A_45 = arith.subi %sign3A_40, %sign3A_44 : vector<128x24xi32>
    %sign3A_46 = arith.constant 0 : i32
    %sign3A_47 = arith.cmpi sgt, %jit3A_34, %sign3A_46 : i32
    %sign3A_48 = arith.extui %sign3A_47 : i1 to i32
    %sign3A_49 = arith.constant 0 : i32
    %sign3A_50 = arith.cmpi slt, %jit3A_34, %sign3A_49 : i32
    %sign3A_51 = arith.extui %sign3A_50 : i1 to i32
    %sign3A_52 = arith.subi %sign3A_48, %sign3A_51 : i32
    %ne3A_53 = vector.broadcast %sign3A_52 : i32 to vector<128x24xi32>
    %ne3A_54 = arith.cmpi ne, %sign3A_45, %ne3A_53 : vector<128x24xi32>
    %rem3A_55 = vector.broadcast %jit3A_34 : i32 to vector<128x24xi32>
    %rem3A_56 = arith.remsi %iota3A_10, %rem3A_55 : vector<128x24xi32>
    %ne3A_57 = arith.constant 0 : i32
    %ne3A_58 = vector.broadcast %ne3A_57 : i32 to vector<128x24xi32>
    %ne3A_59 = arith.cmpi ne, %rem3A_56, %ne3A_58 : vector<128x24xi32>
    %and3A_60 = arith.andi %ne3A_54, %ne3A_59 : vector<128x24xi1>
    %sub3A_61 = arith.constant 1 : i32
    %sub3A_62 = vector.broadcast %sub3A_61 : i32 to vector<128x24xi32>
    %sub3A_63 = arith.subi %div3A_36, %sub3A_62 : vector<128x24xi32>
    %select_n3A_64 = arith.select %and3A_60, %sub3A_63, %div3A_36 : vector<128x24xi1>, vector<128x24xi32>
    %eq3A = arith.cmpi eq, %select_n3A, %select_n3A_64 : vector<128x24xi32>
    %jit3A_65 = arith.constant 16 : i32
    %eq3A_66 = arith.constant 0 : i32
    %eq3A_67 = arith.cmpi eq, %jit3A_65, %eq3A_66 : i32
    %jit3A_68 = arith.constant 1 : i32
    %select_n3A_69 = arith.select %eq3A_67, %jit3A_68, %jit3A_65 : i32
    %rem3A_70 = vector.broadcast %select_n3A_69 : i32 to vector<128x24xi32>
    %rem3A_71 = arith.remsi %iota3A, %rem3A_70 : vector<128x24xi32>
    %ne3A_72 = arith.constant 0 : i32
    %ne3A_73 = vector.broadcast %ne3A_72 : i32 to vector<128x24xi32>
    %ne3A_74 = arith.cmpi ne, %rem3A_71, %ne3A_73 : vector<128x24xi32>
    %lt3A = arith.constant 0 : i32
    %lt3A_75 = vector.broadcast %lt3A : i32 to vector<128x24xi32>
    %lt3A_76 = arith.cmpi slt, %rem3A_71, %lt3A_75 : vector<128x24xi32>
    %lt3A_77 = arith.constant 0 : i32
    %lt3A_78 = arith.cmpi slt, %select_n3A_69, %lt3A_77 : i32
    %ne3A_79 = vector.broadcast %lt3A_78 : i1 to vector<128x24xi1>
    %ne3A_80 = vector.broadcast %ne3A_79 : vector<128x24xi1> to vector<128x24xi1>
    %ne3A_81 = arith.xori %lt3A_76, %ne3A_80 : vector<128x24xi1>
    %and3A_82 = arith.andi %ne3A_81, %ne3A_74 : vector<128x24xi1>
    %add3A = vector.broadcast %select_n3A_69 : i32 to vector<128x24xi32>
    %add3A_83 = arith.addi %rem3A_71, %add3A : vector<128x24xi32>
    %select_n3A_84 = arith.select %and3A_82, %add3A_83, %rem3A_71 : vector<128x24xi1>, vector<128x24xi32>
    %jit3A_85 = arith.constant 3 : i32
    %eq3A_86 = arith.constant 0 : i32
    %eq3A_87 = arith.cmpi eq, %jit3A_85, %eq3A_86 : i32
    %jit3A_88 = arith.constant 1 : i32
    %select_n3A_89 = arith.select %eq3A_87, %jit3A_88, %jit3A_85 : i32
    %rem3A_90 = vector.broadcast %select_n3A_89 : i32 to vector<128x24xi32>
    %rem3A_91 = arith.remsi %iota3A_10, %rem3A_90 : vector<128x24xi32>
    %ne3A_92 = arith.constant 0 : i32
    %ne3A_93 = vector.broadcast %ne3A_92 : i32 to vector<128x24xi32>
    %ne3A_94 = arith.cmpi ne, %rem3A_91, %ne3A_93 : vector<128x24xi32>
    %lt3A_95 = arith.constant 0 : i32
    %lt3A_96 = vector.broadcast %lt3A_95 : i32 to vector<128x24xi32>
    %lt3A_97 = arith.cmpi slt, %rem3A_91, %lt3A_96 : vector<128x24xi32>
    %lt3A_98 = arith.constant 0 : i32
    %lt3A_99 = arith.cmpi slt, %select_n3A_89, %lt3A_98 : i32
    %ne3A_100 = vector.broadcast %lt3A_99 : i1 to vector<128x24xi1>
    %ne3A_101 = vector.broadcast %ne3A_100 : vector<128x24xi1> to vector<128x24xi1>
    %ne3A_102 = arith.xori %lt3A_97, %ne3A_101 : vector<128x24xi1>
    %and3A_103 = arith.andi %ne3A_102, %ne3A_94 : vector<128x24xi1>
    %add3A_104 = vector.broadcast %select_n3A_89 : i32 to vector<128x24xi32>
    %add3A_105 = arith.addi %rem3A_91, %add3A_104 : vector<128x24xi32>
    %select_n3A_106 = arith.select %and3A_103, %add3A_105, %rem3A_91 : vector<128x24xi1>, vector<128x24xi32>
    %eq3A_107 = arith.cmpi eq, %select_n3A_84, %select_n3A_106 : vector<128x24xi32>
    %and3A_108 = arith.andi %eq3A, %eq3A_107 : vector<128x24xi1>
    %convert_element_type3A = arith.extui %and3A_108 : vector<128x24xi1> to vector<128x24xi32>
    %convert_element_type3A_109 = arith.sitofp %convert_element_type3A : vector<128x24xi32> to vector<128x24xf32>
    %iota3A_110 = tpu.iota {dimensions = array<i32: 0>} : vector<16x24xi32>
    %iota3A_111 = tpu.iota {dimensions = array<i32: 1>} : vector<16x24xi32>
    %jit3A_112 = arith.constant 3 : i32
    %eq3A_113 = arith.constant 0 : i32
    %eq3A_114 = arith.cmpi eq, %jit3A_112, %eq3A_113 : i32
    %jit3A_115 = arith.constant 1 : i32
    %select_n3A_116 = arith.select %eq3A_114, %jit3A_115, %jit3A_112 : i32
    %rem3A_117 = vector.broadcast %select_n3A_116 : i32 to vector<16x24xi32>
    %rem3A_118 = arith.remsi %iota3A_111, %rem3A_117 : vector<16x24xi32>
    %ne3A_119 = arith.constant 0 : i32
    %ne3A_120 = vector.broadcast %ne3A_119 : i32 to vector<16x24xi32>
    %ne3A_121 = arith.cmpi ne, %rem3A_118, %ne3A_120 : vector<16x24xi32>
    %lt3A_122 = arith.constant 0 : i32
    %lt3A_123 = vector.broadcast %lt3A_122 : i32 to vector<16x24xi32>
    %lt3A_124 = arith.cmpi slt, %rem3A_118, %lt3A_123 : vector<16x24xi32>
    %lt3A_125 = arith.constant 0 : i32
    %lt3A_126 = arith.cmpi slt, %select_n3A_116, %lt3A_125 : i32
    %ne3A_127 = vector.broadcast %lt3A_126 : i1 to vector<16x24xi1>
    %ne3A_128 = vector.broadcast %ne3A_127 : vector<16x24xi1> to vector<16x24xi1>
    %ne3A_129 = arith.xori %lt3A_124, %ne3A_128 : vector<16x24xi1>
    %and3A_130 = arith.andi %ne3A_129, %ne3A_121 : vector<16x24xi1>
    %add3A_131 = vector.broadcast %select_n3A_116 : i32 to vector<16x24xi32>
    %add3A_132 = arith.addi %rem3A_118, %add3A_131 : vector<16x24xi32>
    %select_n3A_133 = arith.select %and3A_130, %add3A_132, %rem3A_118 : vector<16x24xi1>, vector<16x24xi32>
    %eq3A_134 = arith.cmpi eq, %iota3A_110, %select_n3A_133 : vector<16x24xi32>
    %lt3A_135 = arith.constant 3 : i32
    %lt3A_136 = vector.broadcast %lt3A_135 : i32 to vector<16x24xi32>
    %lt3A_137 = arith.cmpi slt, %iota3A_110, %lt3A_136 : vector<16x24xi32>
    %and3A_138 = arith.andi %eq3A_134, %lt3A_137 : vector<16x24xi1>
    %convert_element_type3A_139 = arith.extui %and3A_138 : vector<16x24xi1> to vector<16x24xi32>
    %convert_element_type3A_140 = arith.sitofp %convert_element_type3A_139 : vector<16x24xi32> to vector<16x24xf32>
    %iota3A_141 = tpu.iota {dimensions = array<i32: 0>} : vector<128x8xi32>
    %iota3A_142 = tpu.iota {dimensions = array<i32: 1>} : vector<128x8xi32>
    %jit3A_143 = arith.constant 16 : i32
    %div3A_144 = vector.broadcast %jit3A_143 : i32 to vector<128x8xi32>
    %div3A_145 = arith.divsi %iota3A_141, %div3A_144 : vector<128x8xi32>
    %sign3A_146 = arith.constant 0 : i32
    %sign3A_147 = vector.broadcast %sign3A_146 : i32 to vector<128x8xi32>
    %sign3A_148 = arith.cmpi sgt, %iota3A_141, %sign3A_147 : vector<128x8xi32>
    %sign3A_149 = arith.extui %sign3A_148 : vector<128x8xi1> to vector<128x8xi32>
    %sign3A_150 = arith.constant 0 : i32
    %sign3A_151 = vector.broadcast %sign3A_150 : i32 to vector<128x8xi32>
    %sign3A_152 = arith.cmpi slt, %iota3A_141, %sign3A_151 : vector<128x8xi32>
    %sign3A_153 = arith.extui %sign3A_152 : vector<128x8xi1> to vector<128x8xi32>
    %sign3A_154 = arith.subi %sign3A_149, %sign3A_153 : vector<128x8xi32>
    %sign3A_155 = arith.constant 0 : i32
    %sign3A_156 = arith.cmpi sgt, %jit3A_143, %sign3A_155 : i32
    %sign3A_157 = arith.extui %sign3A_156 : i1 to i32
    %sign3A_158 = arith.constant 0 : i32
    %sign3A_159 = arith.cmpi slt, %jit3A_143, %sign3A_158 : i32
    %sign3A_160 = arith.extui %sign3A_159 : i1 to i32
    %sign3A_161 = arith.subi %sign3A_157, %sign3A_160 : i32
    %ne3A_162 = vector.broadcast %sign3A_161 : i32 to vector<128x8xi32>
    %ne3A_163 = arith.cmpi ne, %sign3A_154, %ne3A_162 : vector<128x8xi32>
    %rem3A_164 = vector.broadcast %jit3A_143 : i32 to vector<128x8xi32>
    %rem3A_165 = arith.remsi %iota3A_141, %rem3A_164 : vector<128x8xi32>
    %ne3A_166 = arith.constant 0 : i32
    %ne3A_167 = vector.broadcast %ne3A_166 : i32 to vector<128x8xi32>
    %ne3A_168 = arith.cmpi ne, %rem3A_165, %ne3A_167 : vector<128x8xi32>
    %and3A_169 = arith.andi %ne3A_163, %ne3A_168 : vector<128x8xi1>
    %sub3A_170 = arith.constant 1 : i32
    %sub3A_171 = vector.broadcast %sub3A_170 : i32 to vector<128x8xi32>
    %sub3A_172 = arith.subi %div3A_145, %sub3A_171 : vector<128x8xi32>
    %select_n3A_173 = arith.select %and3A_169, %sub3A_172, %div3A_145 : vector<128x8xi1>, vector<128x8xi32>
    %eq3A_174 = arith.cmpi eq, %select_n3A_173, %iota3A_142 : vector<128x8xi32>
    %convert_element_type3A_175 = arith.extui %eq3A_174 : vector<128x8xi1> to vector<128x8xi32>
    %convert_element_type3A_176 = arith.sitofp %convert_element_type3A_175 : vector<128x8xi32> to vector<128x8xf32>
    %iota3A_177 = tpu.iota {dimensions = array<i32: 0>} : vector<8x128xi32>
    %iota3A_178 = tpu.iota {dimensions = array<i32: 1>} : vector<8x128xi32>
    %jit3A_179 = arith.constant 16 : i32
    %div3A_180 = vector.broadcast %jit3A_179 : i32 to vector<8x128xi32>
    %div3A_181 = arith.divsi %iota3A_178, %div3A_180 : vector<8x128xi32>
    %sign3A_182 = arith.constant 0 : i32
    %sign3A_183 = vector.broadcast %sign3A_182 : i32 to vector<8x128xi32>
    %sign3A_184 = arith.cmpi sgt, %iota3A_178, %sign3A_183 : vector<8x128xi32>
    %sign3A_185 = arith.extui %sign3A_184 : vector<8x128xi1> to vector<8x128xi32>
    %sign3A_186 = arith.constant 0 : i32
    %sign3A_187 = vector.broadcast %sign3A_186 : i32 to vector<8x128xi32>
    %sign3A_188 = arith.cmpi slt, %iota3A_178, %sign3A_187 : vector<8x128xi32>
    %sign3A_189 = arith.extui %sign3A_188 : vector<8x128xi1> to vector<8x128xi32>
    %sign3A_190 = arith.subi %sign3A_185, %sign3A_189 : vector<8x128xi32>
    %sign3A_191 = arith.constant 0 : i32
    %sign3A_192 = arith.cmpi sgt, %jit3A_179, %sign3A_191 : i32
    %sign3A_193 = arith.extui %sign3A_192 : i1 to i32
    %sign3A_194 = arith.constant 0 : i32
    %sign3A_195 = arith.cmpi slt, %jit3A_179, %sign3A_194 : i32
    %sign3A_196 = arith.extui %sign3A_195 : i1 to i32
    %sign3A_197 = arith.subi %sign3A_193, %sign3A_196 : i32
    %ne3A_198 = vector.broadcast %sign3A_197 : i32 to vector<8x128xi32>
    %ne3A_199 = arith.cmpi ne, %sign3A_190, %ne3A_198 : vector<8x128xi32>
    %rem3A_200 = vector.broadcast %jit3A_179 : i32 to vector<8x128xi32>
    %rem3A_201 = arith.remsi %iota3A_178, %rem3A_200 : vector<8x128xi32>
    %ne3A_202 = arith.constant 0 : i32
    %ne3A_203 = vector.broadcast %ne3A_202 : i32 to vector<8x128xi32>
    %ne3A_204 = arith.cmpi ne, %rem3A_201, %ne3A_203 : vector<8x128xi32>
    %and3A_205 = arith.andi %ne3A_199, %ne3A_204 : vector<8x128xi1>
    %sub3A_206 = arith.constant 1 : i32
    %sub3A_207 = vector.broadcast %sub3A_206 : i32 to vector<8x128xi32>
    %sub3A_208 = arith.subi %div3A_181, %sub3A_207 : vector<8x128xi32>
    %select_n3A_209 = arith.select %and3A_205, %sub3A_208, %div3A_181 : vector<8x128xi1>, vector<8x128xi32>
    %eq3A_210 = arith.cmpi eq, %iota3A_177, %select_n3A_209 : vector<8x128xi32>
    %convert_element_type3A_211 = arith.extui %eq3A_210 : vector<8x128xi1> to vector<8x128xi32>
    %convert_element_type3A_212 = arith.sitofp %convert_element_type3A_211 : vector<8x128xi32> to vector<8x128xf32>
    %sqrt3A = arith.constant 1.000010e+00 : f32
    %sqrt3A_213 = math.sqrt %sqrt3A : f32
    %div3A_214 = arith.constant 1.000000e+00 : f32
    %div3A_215 = arith.divf %div3A_214, %sqrt3A_213 : f32
    %reshape3A = vector.shape_cast %slice3A : vector<8x512x128xf32> to vector<4096x128xf32>
    %dot_general3A = arith.constant dense<0.000000e+00> : vector<4096x384xf32>
    %dot_general3A_216 = tpu.matmul %reshape3A, %get3A_9, %dot_general3A {dimension_numbers = #tpu.dot_dimension_numbers<[1], [0], [0], [1], [0, 0, 1, 1], [], []>, transpose_lhs_hint = false} : vector<4096x128xf32>, vector<128x384xf32>, vector<4096x384xf32> -> vector<4096x384xf32>
    %slice3A_217 = vector.extract_strided_slice %dot_general3A_216 {offsets = [0, 128], sizes = [4096, 128], strides = [1, 1]} : vector<4096x384xf32> to vector<4096x128xf32>
    %slice3A_218 = vector.extract_strided_slice %dot_general3A_216 {offsets = [0, 256], sizes = [4096, 128], strides = [1, 1]} : vector<4096x384xf32> to vector<4096x128xf32>
    %dot_general3A_219 = arith.constant dense<0.000000e+00> : vector<512x384xf32>
    %dot_general3A_220 = tpu.matmul %get3A_5, %get3A_9, %dot_general3A_219 {dimension_numbers = #tpu.dot_dimension_numbers<[1], [0], [0], [1], [0, 0, 1, 1], [], []>, transpose_lhs_hint = false} : vector<512x128xf32>, vector<128x384xf32>, vector<512x384xf32> -> vector<512x384xf32>
    %slice3A_221 = vector.extract_strided_slice %dot_general3A_220 {offsets = [0, 0], sizes = [512, 128], strides = [1, 1]} : vector<512x384xf32> to vector<512x128xf32>
    %slice3A_222 = vector.extract_strided_slice %dot_general3A_220 {offsets = [0, 128], sizes = [512, 128], strides = [1, 1]} : vector<512x384xf32> to vector<512x128xf32>
    %slice3A_223 = vector.extract_strided_slice %slice3A_6 {offsets = [0, 0, 0], sizes = [1, 512, 16], strides = [1, 1, 1]} : vector<8x512x16xf32> to vector<1x512x16xf32>
    %squeeze3A = vector.shape_cast %slice3A_223 : vector<1x512x16xf32> to vector<512x16xf32>
    %slice3A_224 = vector.extract_strided_slice %slice3A_6 {offsets = [1, 0, 0], sizes = [1, 512, 16], strides = [1, 1, 1]} : vector<8x512x16xf32> to vector<1x512x16xf32>
    %squeeze3A_225 = vector.shape_cast %slice3A_224 : vector<1x512x16xf32> to vector<512x16xf32>
    %slice3A_226 = vector.extract_strided_slice %slice3A_6 {offsets = [2, 0, 0], sizes = [1, 512, 16], strides = [1, 1, 1]} : vector<8x512x16xf32> to vector<1x512x16xf32>
    %squeeze3A_227 = vector.shape_cast %slice3A_226 : vector<1x512x16xf32> to vector<512x16xf32>
    %slice3A_228 = vector.extract_strided_slice %slice3A_6 {offsets = [3, 0, 0], sizes = [1, 512, 16], strides = [1, 1, 1]} : vector<8x512x16xf32> to vector<1x512x16xf32>
    %squeeze3A_229 = vector.shape_cast %slice3A_228 : vector<1x512x16xf32> to vector<512x16xf32>
    %slice3A_230 = vector.extract_strided_slice %slice3A_6 {offsets = [4, 0, 0], sizes = [1, 512, 16], strides = [1, 1, 1]} : vector<8x512x16xf32> to vector<1x512x16xf32>
    %squeeze3A_231 = vector.shape_cast %slice3A_230 : vector<1x512x16xf32> to vector<512x16xf32>
    %slice3A_232 = vector.extract_strided_slice %slice3A_6 {offsets = [5, 0, 0], sizes = [1, 512, 16], strides = [1, 1, 1]} : vector<8x512x16xf32> to vector<1x512x16xf32>
    %squeeze3A_233 = vector.shape_cast %slice3A_232 : vector<1x512x16xf32> to vector<512x16xf32>
    %slice3A_234 = vector.extract_strided_slice %slice3A_6 {offsets = [6, 0, 0], sizes = [1, 512, 16], strides = [1, 1, 1]} : vector<8x512x16xf32> to vector<1x512x16xf32>
    %squeeze3A_235 = vector.shape_cast %slice3A_234 : vector<1x512x16xf32> to vector<512x16xf32>
    %slice3A_236 = vector.extract_strided_slice %slice3A_6 {offsets = [7, 0, 0], sizes = [1, 512, 16], strides = [1, 1, 1]} : vector<8x512x16xf32> to vector<1x512x16xf32>
    %squeeze3A_237 = vector.shape_cast %slice3A_236 : vector<1x512x16xf32> to vector<512x16xf32>
    %concatenate3A = tpu.concatenate %squeeze3A, %squeeze3A_225, %squeeze3A_227, %squeeze3A_229, %squeeze3A_231, %squeeze3A_233, %squeeze3A_235, %squeeze3A_237 in 1 : vector<512x16xf32>, vector<512x16xf32>, vector<512x16xf32>, vector<512x16xf32>, vector<512x16xf32>, vector<512x16xf32>, vector<512x16xf32>, vector<512x16xf32> -> vector<512x128xf32>
    %reshape3A_238 = vector.shape_cast %slice3A_6 : vector<8x512x16xf32> to vector<4096x16xf32>
    %dot_general3A_239 = arith.constant dense<0.000000e+00> : vector<4096x24xf32>
    %dot_general3A_240 = tpu.matmul %reshape3A_238, %convert_element_type3A_140, %dot_general3A_239 {dimension_numbers = #tpu.dot_dimension_numbers<[1], [0], [0], [1], [0, 0, 1, 1], [], []>, transpose_lhs_hint = false} : vector<4096x16xf32>, vector<16x24xf32>, vector<4096x24xf32> -> vector<4096x24xf32>
    %get3A_241 = arith.constant 0 : index
    %get3A_242 = arith.constant 0 : index
    %get3A_243 = vector.load %arg4[%get3A_241, %get3A_242] : memref<24x128xf32, #tpu.memory_space<vmem>>, vector<24x128xf32>
    %dot_general3A_244 = arith.constant dense<0.000000e+00> : vector<128x128xf32>
    %dot_general3A_245 = tpu.matmul %convert_element_type3A_109, %get3A_243, %dot_general3A_244 {dimension_numbers = #tpu.dot_dimension_numbers<[1], [0], [0], [1], [0, 0, 1, 1], [], []>, transpose_lhs_hint = false} : vector<128x24xf32>, vector<24x128xf32>, vector<128x128xf32> -> vector<128x128xf32>
    %dot_general3A_246 = arith.constant dense<0.000000e+00> : vector<4096x128xf32>
    %dot_general3A_247 = tpu.matmul %dot_general3A_240, %get3A_243, %dot_general3A_246 {dimension_numbers = #tpu.dot_dimension_numbers<[1], [0], [0], [1], [0, 0, 1, 1], [], []>, transpose_lhs_hint = false} : vector<4096x24xf32>, vector<24x128xf32>, vector<4096x128xf32> -> vector<4096x128xf32>
    %dot_general3A_248 = arith.constant dense<0.000000e+00> : vector<512x128xf32>
    %dot_general3A_249 = tpu.matmul %concatenate3A, %dot_general3A_245, %dot_general3A_248 {dimension_numbers = #tpu.dot_dimension_numbers<[1], [0], [0], [1], [0, 0, 1, 1], [], []>, transpose_lhs_hint = false} : vector<512x128xf32>, vector<128x128xf32>, vector<512x128xf32> -> vector<512x128xf32>
    %broadcast_in_dim3A = vector.shape_cast %dot_general3A_249 : vector<512x128xf32> to vector<1x512x128xf32>
    %broadcast_in_dim3A_250 = vector.shape_cast %broadcast_in_dim3A : vector<1x512x128xf32> to vector<1x512x128xf32>
    %broadcast_in_dim3A_251 = vector.broadcast %broadcast_in_dim3A_250 : vector<1x512x128xf32> to vector<8x512x128xf32>
    %reshape3A_252 = vector.shape_cast %broadcast_in_dim3A_251 : vector<8x512x128xf32> to vector<4096x128xf32>
    %sub3A_253 = arith.subf %dot_general3A_247, %reshape3A_252 : vector<4096x128xf32>
    %get3A_254 = arith.constant 0 : index
    %get3A_255 = arith.constant 0 : index
    %get3A_256 = vector.load %arg5[%get3A_254, %get3A_255] : memref<1x128xf32, #tpu.memory_space<vmem>>, vector<1x128xf32>
    %add3A_257 = vector.broadcast %get3A_256 : vector<1x128xf32> to vector<4096x128xf32>
    %add3A_258 = arith.addf %sub3A_253, %add3A_257 : vector<4096x128xf32>
    %get3A_259 = arith.constant 0 : index
    %get3A_260 = arith.constant 0 : index
    %get3A_261 = vector.load %arg6[%get3A_259, %get3A_260] : memref<1x128xf32, #tpu.memory_space<vmem>>, vector<1x128xf32>
    %mul3A = vector.broadcast %div3A_215 : f32 to vector<1x128xf32>
    %mul3A_262 = arith.mulf %get3A_261, %mul3A : vector<1x128xf32>
    %mul3A_263 = vector.broadcast %mul3A_262 : vector<1x128xf32> to vector<4096x128xf32>
    %mul3A_264 = arith.mulf %add3A_258, %mul3A_263 : vector<4096x128xf32>
    %get3A_265 = arith.constant 0 : index
    %get3A_266 = arith.constant 0 : index
    %get3A_267 = vector.load %arg7[%get3A_265, %get3A_266] : memref<1x128xf32, #tpu.memory_space<vmem>>, vector<1x128xf32>
    %add3A_268 = vector.broadcast %get3A_267 : vector<1x128xf32> to vector<4096x128xf32>
    %add3A_269 = arith.addf %mul3A_264, %add3A_268 : vector<4096x128xf32>
    %max3A = arith.constant 0.000000e+00 : f32
    %max3A_270 = vector.broadcast %max3A : f32 to vector<4096x128xf32>
    %max3A_271 = arith.maximumf %add3A_269, %max3A_270 : vector<4096x128xf32>
    %get3A_272 = arith.constant 0 : index
    %get3A_273 = arith.constant 0 : index
    %get3A_274 = vector.load %arg8[%get3A_272, %get3A_273] : memref<128x128xf32, #tpu.memory_space<vmem>>, vector<128x128xf32>
    %dot_general3A_275 = arith.constant dense<0.000000e+00> : vector<4096x128xf32>
    %dot_general3A_276 = tpu.matmul %max3A_271, %get3A_274, %dot_general3A_275 {dimension_numbers = #tpu.dot_dimension_numbers<[1], [0], [0], [1], [0, 0, 1, 1], [], []>, transpose_lhs_hint = false} : vector<4096x128xf32>, vector<128x128xf32>, vector<4096x128xf32> -> vector<4096x128xf32>
    %get3A_277 = arith.constant 0 : index
    %get3A_278 = arith.constant 0 : index
    %get3A_279 = vector.load %arg9[%get3A_277, %get3A_278] : memref<1x128xf32, #tpu.memory_space<vmem>>, vector<1x128xf32>
    %add3A_280 = vector.broadcast %get3A_279 : vector<1x128xf32> to vector<4096x128xf32>
    %add3A_281 = arith.addf %dot_general3A_276, %add3A_280 : vector<4096x128xf32>
    %get3A_282 = arith.constant 0 : index
    %get3A_283 = arith.constant 0 : index
    %get3A_284 = vector.load %arg10[%get3A_282, %get3A_283] : memref<24x128xf32, #tpu.memory_space<vmem>>, vector<24x128xf32>
    %dot_general3A_285 = arith.constant dense<0.000000e+00> : vector<128x128xf32>
    %dot_general3A_286 = tpu.matmul %convert_element_type3A_109, %get3A_284, %dot_general3A_285 {dimension_numbers = #tpu.dot_dimension_numbers<[1], [0], [0], [1], [0, 0, 1, 1], [], []>, transpose_lhs_hint = false} : vector<128x24xf32>, vector<24x128xf32>, vector<128x128xf32> -> vector<128x128xf32>
    %dot_general3A_287 = arith.constant dense<0.000000e+00> : vector<4096x128xf32>
    %dot_general3A_288 = tpu.matmul %dot_general3A_240, %get3A_284, %dot_general3A_287 {dimension_numbers = #tpu.dot_dimension_numbers<[1], [0], [0], [1], [0, 0, 1, 1], [], []>, transpose_lhs_hint = false} : vector<4096x24xf32>, vector<24x128xf32>, vector<4096x128xf32> -> vector<4096x128xf32>
    %dot_general3A_289 = arith.constant dense<0.000000e+00> : vector<512x128xf32>
    %dot_general3A_290 = tpu.matmul %concatenate3A, %dot_general3A_286, %dot_general3A_289 {dimension_numbers = #tpu.dot_dimension_numbers<[1], [0], [0], [1], [0, 0, 1, 1], [], []>, transpose_lhs_hint = false} : vector<512x128xf32>, vector<128x128xf32>, vector<512x128xf32> -> vector<512x128xf32>
    %broadcast_in_dim3A_291 = vector.shape_cast %dot_general3A_290 : vector<512x128xf32> to vector<1x512x128xf32>
    %broadcast_in_dim3A_292 = vector.shape_cast %broadcast_in_dim3A_291 : vector<1x512x128xf32> to vector<1x512x128xf32>
    %broadcast_in_dim3A_293 = vector.broadcast %broadcast_in_dim3A_292 : vector<1x512x128xf32> to vector<8x512x128xf32>
    %reshape3A_294 = vector.shape_cast %broadcast_in_dim3A_293 : vector<8x512x128xf32> to vector<4096x128xf32>
    %sub3A_295 = arith.subf %dot_general3A_288, %reshape3A_294 : vector<4096x128xf32>
    %get3A_296 = arith.constant 0 : index
    %get3A_297 = arith.constant 0 : index
    %get3A_298 = vector.load %arg11[%get3A_296, %get3A_297] : memref<1x128xf32, #tpu.memory_space<vmem>>, vector<1x128xf32>
    %add3A_299 = vector.broadcast %get3A_298 : vector<1x128xf32> to vector<4096x128xf32>
    %add3A_300 = arith.addf %sub3A_295, %add3A_299 : vector<4096x128xf32>
    %get3A_301 = arith.constant 0 : index
    %get3A_302 = arith.constant 0 : index
    %get3A_303 = vector.load %arg12[%get3A_301, %get3A_302] : memref<1x128xf32, #tpu.memory_space<vmem>>, vector<1x128xf32>
    %mul3A_304 = vector.broadcast %div3A_215 : f32 to vector<1x128xf32>
    %mul3A_305 = arith.mulf %get3A_303, %mul3A_304 : vector<1x128xf32>
    %mul3A_306 = vector.broadcast %mul3A_305 : vector<1x128xf32> to vector<4096x128xf32>
    %mul3A_307 = arith.mulf %add3A_300, %mul3A_306 : vector<4096x128xf32>
    %get3A_308 = arith.constant 0 : index
    %get3A_309 = arith.constant 0 : index
    %get3A_310 = vector.load %arg13[%get3A_308, %get3A_309] : memref<1x128xf32, #tpu.memory_space<vmem>>, vector<1x128xf32>
    %add3A_311 = vector.broadcast %get3A_310 : vector<1x128xf32> to vector<4096x128xf32>
    %add3A_312 = arith.addf %mul3A_307, %add3A_311 : vector<4096x128xf32>
    %max3A_313 = arith.constant 0.000000e+00 : f32
    %max3A_314 = vector.broadcast %max3A_313 : f32 to vector<4096x128xf32>
    %max3A_315 = arith.maximumf %add3A_312, %max3A_314 : vector<4096x128xf32>
    %get3A_316 = arith.constant 0 : index
    %get3A_317 = arith.constant 0 : index
    %get3A_318 = vector.load %arg14[%get3A_316, %get3A_317] : memref<128x128xf32, #tpu.memory_space<vmem>>, vector<128x128xf32>
    %dot_general3A_319 = arith.constant dense<0.000000e+00> : vector<4096x128xf32>
    %dot_general3A_320 = tpu.matmul %max3A_315, %get3A_318, %dot_general3A_319 {dimension_numbers = #tpu.dot_dimension_numbers<[1], [0], [0], [1], [0, 0, 1, 1], [], []>, transpose_lhs_hint = false} : vector<4096x128xf32>, vector<128x128xf32>, vector<4096x128xf32> -> vector<4096x128xf32>
    %get3A_321 = arith.constant 0 : index
    %get3A_322 = arith.constant 0 : index
    %get3A_323 = vector.load %arg15[%get3A_321, %get3A_322] : memref<1x128xf32, #tpu.memory_space<vmem>>, vector<1x128xf32>
    %add3A_324 = vector.broadcast %get3A_323 : vector<1x128xf32> to vector<4096x128xf32>
    %add3A_325 = arith.addf %dot_general3A_320, %add3A_324 : vector<4096x128xf32>
    %get3A_326 = arith.constant 0 : index
    %get3A_327 = arith.constant 0 : index
    %get3A_328 = vector.load %arg16[%get3A_326, %get3A_327] : memref<24x128xf32, #tpu.memory_space<vmem>>, vector<24x128xf32>
    %dot_general3A_329 = arith.constant dense<0.000000e+00> : vector<128x128xf32>
    %dot_general3A_330 = tpu.matmul %convert_element_type3A_109, %get3A_328, %dot_general3A_329 {dimension_numbers = #tpu.dot_dimension_numbers<[1], [0], [0], [1], [0, 0, 1, 1], [], []>, transpose_lhs_hint = false} : vector<128x24xf32>, vector<24x128xf32>, vector<128x128xf32> -> vector<128x128xf32>
    %dot_general3A_331 = arith.constant dense<0.000000e+00> : vector<4096x128xf32>
    %dot_general3A_332 = tpu.matmul %dot_general3A_240, %get3A_328, %dot_general3A_331 {dimension_numbers = #tpu.dot_dimension_numbers<[1], [0], [0], [1], [0, 0, 1, 1], [], []>, transpose_lhs_hint = false} : vector<4096x24xf32>, vector<24x128xf32>, vector<4096x128xf32> -> vector<4096x128xf32>
    %dot_general3A_333 = arith.constant dense<0.000000e+00> : vector<512x128xf32>
    %dot_general3A_334 = tpu.matmul %concatenate3A, %dot_general3A_330, %dot_general3A_333 {dimension_numbers = #tpu.dot_dimension_numbers<[1], [0], [0], [1], [0, 0, 1, 1], [], []>, transpose_lhs_hint = false} : vector<512x128xf32>, vector<128x128xf32>, vector<512x128xf32> -> vector<512x128xf32>
    %broadcast_in_dim3A_335 = vector.shape_cast %dot_general3A_334 : vector<512x128xf32> to vector<1x512x128xf32>
    %broadcast_in_dim3A_336 = vector.shape_cast %broadcast_in_dim3A_335 : vector<1x512x128xf32> to vector<1x512x128xf32>
    %broadcast_in_dim3A_337 = vector.broadcast %broadcast_in_dim3A_336 : vector<1x512x128xf32> to vector<8x512x128xf32>
    %reshape3A_338 = vector.shape_cast %broadcast_in_dim3A_337 : vector<8x512x128xf32> to vector<4096x128xf32>
    %sub3A_339 = arith.subf %dot_general3A_332, %reshape3A_338 : vector<4096x128xf32>
    %get3A_340 = arith.constant 0 : index
    %get3A_341 = arith.constant 0 : index
    %get3A_342 = vector.load %arg17[%get3A_340, %get3A_341] : memref<1x128xf32, #tpu.memory_space<vmem>>, vector<1x128xf32>
    %add3A_343 = vector.broadcast %get3A_342 : vector<1x128xf32> to vector<4096x128xf32>
    %add3A_344 = arith.addf %sub3A_339, %add3A_343 : vector<4096x128xf32>
    %get3A_345 = arith.constant 0 : index
    %get3A_346 = arith.constant 0 : index
    %get3A_347 = vector.load %arg18[%get3A_345, %get3A_346] : memref<1x128xf32, #tpu.memory_space<vmem>>, vector<1x128xf32>
    %mul3A_348 = vector.broadcast %div3A_215 : f32 to vector<1x128xf32>
    %mul3A_349 = arith.mulf %get3A_347, %mul3A_348 : vector<1x128xf32>
    %mul3A_350 = vector.broadcast %mul3A_349 : vector<1x128xf32> to vector<4096x128xf32>
    %mul3A_351 = arith.mulf %add3A_344, %mul3A_350 : vector<4096x128xf32>
    %get3A_352 = arith.constant 0 : index
    %get3A_353 = arith.constant 0 : index
    %get3A_354 = vector.load %arg19[%get3A_352, %get3A_353] : memref<1x128xf32, #tpu.memory_space<vmem>>, vector<1x128xf32>
    %add3A_355 = vector.broadcast %get3A_354 : vector<1x128xf32> to vector<4096x128xf32>
    %add3A_356 = arith.addf %mul3A_351, %add3A_355 : vector<4096x128xf32>
    %max3A_357 = arith.constant 0.000000e+00 : f32
    %max3A_358 = vector.broadcast %max3A_357 : f32 to vector<4096x128xf32>
    %max3A_359 = arith.maximumf %add3A_356, %max3A_358 : vector<4096x128xf32>
    %get3A_360 = arith.constant 0 : index
    %get3A_361 = arith.constant 0 : index
    %get3A_362 = vector.load %arg20[%get3A_360, %get3A_361] : memref<128x128xf32, #tpu.memory_space<vmem>>, vector<128x128xf32>
    %dot_general3A_363 = arith.constant dense<0.000000e+00> : vector<4096x128xf32>
    %dot_general3A_364 = tpu.matmul %max3A_359, %get3A_362, %dot_general3A_363 {dimension_numbers = #tpu.dot_dimension_numbers<[1], [0], [0], [1], [0, 0, 1, 1], [], []>, transpose_lhs_hint = false} : vector<4096x128xf32>, vector<128x128xf32>, vector<4096x128xf32> -> vector<4096x128xf32>
    %get3A_365 = arith.constant 0 : index
    %get3A_366 = arith.constant 0 : index
    %get3A_367 = vector.load %arg21[%get3A_365, %get3A_366] : memref<1x128xf32, #tpu.memory_space<vmem>>, vector<1x128xf32>
    %add3A_368 = vector.broadcast %get3A_367 : vector<1x128xf32> to vector<4096x128xf32>
    %add3A_369 = arith.addf %dot_general3A_364, %add3A_368 : vector<4096x128xf32>
    %slice3A_370 = vector.extract_strided_slice %slice3A_6 {offsets = [0, 0, 0], sizes = [1, 512, 16], strides = [1, 1, 1]} : vector<8x512x16xf32> to vector<1x512x16xf32>
    %squeeze3A_371 = vector.shape_cast %slice3A_370 : vector<1x512x16xf32> to vector<512x16xf32>
    %broadcast_in_dim3A_372 = vector.shape_cast %squeeze3A_371 : vector<512x16xf32> to vector<1x512x16xf32>
    %broadcast_in_dim3A_373 = vector.shape_cast %broadcast_in_dim3A_372 : vector<1x512x16xf32> to vector<1x512x16xf32>
    %broadcast_in_dim3A_374 = vector.broadcast %broadcast_in_dim3A_373 : vector<1x512x16xf32> to vector<8x512x16xf32>
    %reshape3A_375 = vector.shape_cast %broadcast_in_dim3A_374 : vector<8x512x16xf32> to vector<4096x16xf32>
    %reshape3A_376 = vector.shape_cast %slice3A_6 : vector<8x512x16xf32> to vector<4096x16xf32>
    %sub3A_377 = arith.subf %reshape3A_375, %reshape3A_376 : vector<4096x16xf32>
    %get3A_378 = arith.constant 0 : index
    %get3A_379 = arith.constant 0 : index
    %get3A_380 = vector.load %arg22[%get3A_378, %get3A_379] : memref<16x128xf32, #tpu.memory_space<vmem>>, vector<16x128xf32>
    %dot_general3A_381 = arith.constant dense<0.000000e+00> : vector<4096x128xf32>
    %dot_general3A_382 = tpu.matmul %sub3A_377, %get3A_380, %dot_general3A_381 {dimension_numbers = #tpu.dot_dimension_numbers<[1], [0], [0], [1], [0, 0, 1, 1], [], []>, transpose_lhs_hint = false} : vector<4096x16xf32>, vector<16x128xf32>, vector<4096x128xf32> -> vector<4096x128xf32>
    %get3A_383 = arith.constant 0 : index
    %get3A_384 = arith.constant 0 : index
    %get3A_385 = vector.load %arg23[%get3A_383, %get3A_384] : memref<1x128xf32, #tpu.memory_space<vmem>>, vector<1x128xf32>
    %add3A_386 = vector.broadcast %get3A_385 : vector<1x128xf32> to vector<4096x128xf32>
    %add3A_387 = arith.addf %dot_general3A_382, %add3A_386 : vector<4096x128xf32>
    %get3A_388 = arith.constant 0 : index
    %get3A_389 = arith.constant 0 : index
    %get3A_390 = vector.load %arg24[%get3A_388, %get3A_389] : memref<128x128xf32, #tpu.memory_space<vmem>>, vector<128x128xf32>
    %dot_general3A_391 = arith.constant dense<0.000000e+00> : vector<4096x128xf32>
    %dot_general3A_392 = tpu.matmul %add3A_387, %get3A_390, %dot_general3A_391 {dimension_numbers = #tpu.dot_dimension_numbers<[1], [0], [0], [1], [0, 0, 1, 1], [], []>, transpose_lhs_hint = false} : vector<4096x128xf32>, vector<128x128xf32>, vector<4096x128xf32> -> vector<4096x128xf32>
    %get3A_393 = arith.constant 0 : index
    %get3A_394 = arith.constant 0 : index
    %get3A_395 = vector.load %arg25[%get3A_393, %get3A_394] : memref<1x128xf32, #tpu.memory_space<vmem>>, vector<1x128xf32>
    %add3A_396 = vector.broadcast %get3A_395 : vector<1x128xf32> to vector<4096x128xf32>
    %add3A_397 = arith.addf %dot_general3A_392, %add3A_396 : vector<4096x128xf32>
    %broadcast_in_dim3A_398 = vector.shape_cast %slice3A_221 : vector<512x128xf32> to vector<1x512x128xf32>
    %broadcast_in_dim3A_399 = vector.shape_cast %broadcast_in_dim3A_398 : vector<1x512x128xf32> to vector<1x512x128xf32>
    %broadcast_in_dim3A_400 = vector.broadcast %broadcast_in_dim3A_399 : vector<1x512x128xf32> to vector<8x512x128xf32>
    %reshape3A_401 = vector.shape_cast %broadcast_in_dim3A_400 : vector<8x512x128xf32> to vector<4096x128xf32>
    %broadcast_in_dim3A_402 = vector.shape_cast %slice3A_222 : vector<512x128xf32> to vector<1x512x128xf32>
    %broadcast_in_dim3A_403 = vector.shape_cast %broadcast_in_dim3A_402 : vector<1x512x128xf32> to vector<1x512x128xf32>
    %broadcast_in_dim3A_404 = vector.broadcast %broadcast_in_dim3A_403 : vector<1x512x128xf32> to vector<8x512x128xf32>
    %reshape3A_405 = vector.shape_cast %broadcast_in_dim3A_404 : vector<8x512x128xf32> to vector<4096x128xf32>
    %add3A_406 = arith.addf %slice3A_217, %add3A_281 : vector<4096x128xf32>
    %mul3A_407 = arith.mulf %add3A_406, %reshape3A_401 : vector<4096x128xf32>
    %mul3A_408 = arith.mulf %add3A_325, %reshape3A_405 : vector<4096x128xf32>
    %add3A_409 = arith.addf %mul3A_407, %mul3A_408 : vector<4096x128xf32>
    %dot_general3A_410 = arith.constant dense<0.000000e+00> : vector<4096x8xf32>
    %dot_general3A_411 = tpu.matmul %add3A_409, %convert_element_type3A_176, %dot_general3A_410 {dimension_numbers = #tpu.dot_dimension_numbers<[1], [0], [0], [1], [0, 0, 1, 1], [], []>, transpose_lhs_hint = false} : vector<4096x128xf32>, vector<128x8xf32>, vector<4096x8xf32> -> vector<4096x8xf32>
    %mul3A_412 = arith.mulf %add3A_397, %reshape3A_401 : vector<4096x128xf32>
    %dot_general3A_413 = arith.constant dense<0.000000e+00> : vector<4096x8xf32>
    %dot_general3A_414 = tpu.matmul %mul3A_412, %convert_element_type3A_176, %dot_general3A_413 {dimension_numbers = #tpu.dot_dimension_numbers<[1], [0], [0], [1], [0, 0, 1, 1], [], []>, transpose_lhs_hint = false} : vector<4096x128xf32>, vector<128x8xf32>, vector<4096x8xf32> -> vector<4096x8xf32>
    %reshape3A_415 = vector.shape_cast %dot_general3A_411 : vector<4096x8xf32> to vector<8x512x8xf32>
    %mul3A_416 = arith.constant 2.500000e-01 : f32
    %mul3A_417 = vector.broadcast %mul3A_416 : f32 to vector<8x512x8xf32>
    %mul3A_418 = arith.mulf %reshape3A_415, %mul3A_417 : vector<8x512x8xf32>
    %reduce_max3A = arith.constant dense<0xFF800000> : vector<512x8xf32>
    %reduce_max3A_419 = vector.multi_reduction <maximumf>, %mul3A_418, %reduce_max3A [0] : vector<8x512x8xf32> to vector<512x8xf32>
    %broadcast_in_dim3A_420 = vector.shape_cast %reduce_max3A_419 : vector<512x8xf32> to vector<1x512x8xf32>
    %sub3A_421 = vector.broadcast %broadcast_in_dim3A_420 : vector<1x512x8xf32> to vector<8x512x8xf32>
    %sub3A_422 = arith.subf %mul3A_418, %sub3A_421 : vector<8x512x8xf32>
    %exp3A = math.exp %sub3A_422 : vector<8x512x8xf32>
    %reduce_sum3A = arith.constant dense<0.000000e+00> : vector<512x8xf32>
    %reduce_sum3A_423 = vector.multi_reduction <add>, %exp3A, %reduce_sum3A [0] : vector<8x512x8xf32> to vector<512x8xf32>
    %broadcast_in_dim3A_424 = vector.shape_cast %reduce_sum3A_423 : vector<512x8xf32> to vector<1x512x8xf32>
    %div3A_425 = vector.broadcast %broadcast_in_dim3A_424 : vector<1x512x8xf32> to vector<8x512x8xf32>
    %div3A_426 = arith.divf %exp3A, %div3A_425 : vector<8x512x8xf32>
    %reshape3A_427 = vector.shape_cast %dot_general3A_414 : vector<4096x8xf32> to vector<8x512x8xf32>
    %add3A_428 = arith.addf %div3A_426, %reshape3A_427 : vector<8x512x8xf32>
    %mul3A_429 = arith.constant 0.353553385 : f32
    %mul3A_430 = vector.broadcast %mul3A_429 : f32 to vector<8x512x8xf32>
    %mul3A_431 = arith.mulf %add3A_428, %mul3A_430 : vector<8x512x8xf32>
    %reshape3A_432 = vector.shape_cast %mul3A_431 : vector<8x512x8xf32> to vector<4096x8xf32>
    %dot_general3A_433 = arith.constant dense<0.000000e+00> : vector<4096x128xf32>
    %dot_general3A_434 = tpu.matmul %reshape3A_432, %convert_element_type3A_212, %dot_general3A_433 {dimension_numbers = #tpu.dot_dimension_numbers<[1], [0], [0], [1], [0, 0, 1, 1], [], []>, transpose_lhs_hint = false} : vector<4096x8xf32>, vector<8x128xf32>, vector<4096x128xf32> -> vector<4096x128xf32>
    %add3A_435 = arith.addf %slice3A_218, %add3A_369 : vector<4096x128xf32>
    %mul3A_436 = arith.mulf %add3A_435, %dot_general3A_434 : vector<4096x128xf32>
    %reshape3A_437 = vector.shape_cast %mul3A_436 : vector<4096x128xf32> to vector<8x512x128xf32>
    %reduce_sum3A_438 = arith.constant dense<0.000000e+00> : vector<512x128xf32>
    %reduce_sum3A_439 = vector.multi_reduction <add>, %reshape3A_437, %reduce_sum3A_438 [0] : vector<8x512x128xf32> to vector<512x128xf32>
    %get3A_440 = arith.constant 0 : index
    %get3A_441 = arith.constant 0 : index
    %get3A_442 = vector.load %arg26[%get3A_440, %get3A_441] : memref<128x128xf32, #tpu.memory_space<vmem>>, vector<128x128xf32>
    %dot_general3A_443 = arith.constant dense<0.000000e+00> : vector<512x128xf32>
    %dot_general3A_444 = tpu.matmul %reduce_sum3A_439, %get3A_442, %dot_general3A_443 {dimension_numbers = #tpu.dot_dimension_numbers<[1], [0], [0], [1], [0, 0, 1, 1], [], []>, transpose_lhs_hint = false} : vector<512x128xf32>, vector<128x128xf32>, vector<512x128xf32> -> vector<512x128xf32>
    %get3A_445 = arith.constant 0 : index
    %get3A_446 = arith.constant 0 : index
    %get3A_447 = vector.load %arg27[%get3A_445, %get3A_446] : memref<1x128xf32, #tpu.memory_space<vmem>>, vector<1x128xf32>
    %add3A_448 = vector.broadcast %get3A_447 : vector<1x128xf32> to vector<512x128xf32>
    %add3A_449 = arith.addf %dot_general3A_444, %add3A_448 : vector<512x128xf32>
    %swap3A = arith.constant 0 : index
    %swap3A_450 = arith.constant 0 : index
    %swap3A_451 = vector.load %arg28[%swap3A, %swap3A_450] : memref<512x128xf32, #tpu.memory_space<vmem>>, vector<512x128xf32>
    tpu.vector_store %arg28[%swap3A, %swap3A_450], %add3A_449 {strides = array<i32>} : memref<512x128xf32, #tpu.memory_space<vmem>>, vector<512x128xf32>,
    return
  }
  func.func @transform_0(%arg0: i32) -> (i32, i32, i32) {
    %c0_i32 = arith.constant 0 : i32
    %c0_i32_0 = arith.constant 0 : i32
    %c0_i32_1 = arith.constant 0 : i32
    return %c0_i32, %arg0, %c0_i32_0 : i32, i32, i32
  }
  func.func @transform_1(%arg0: i32) -> (i32, i32) {
    %c0_i32 = arith.constant 0 : i32
    %c0_i32_0 = arith.constant 0 : i32
    return %arg0, %c0_i32 : i32, i32
  }
  func.func @transform_2(%arg0: i32) -> (i32, i32) {
    %c0_i32 = arith.constant 0 : i32
    %c0_i32_0 = arith.constant 0 : i32
    %c0_i32_1 = arith.constant 0 : i32
    return %c0_i32, %c0_i32_0 : i32, i32
  }
  func.func @transform_3(%arg0: i32) -> (i32, i32) {
    %c0_i32 = arith.constant 0 : i32
    %c0_i32_0 = arith.constant 0 : i32
    %c0_i32_1 = arith.constant 0 : i32
    return %c0_i32, %c0_i32_0 : i32, i32
  }
  func.func @transform_4(%arg0: i32) -> (i32, i32) {
    %c0_i32 = arith.constant 0 : i32
    %c0_i32_0 = arith.constant 0 : i32
    %c0_i32_1 = arith.constant 0 : i32
    return %c0_i32, %c0_i32_0 : i32, i32
  }
  func.func @transform_5(%arg0: i32) -> (i32, i32) {
    %c0_i32 = arith.constant 0 : i32
    %c0_i32_0 = arith.constant 0 : i32
    %c0_i32_1 = arith.constant 0 : i32
    return %c0_i32, %c0_i32_0 : i32, i32
  }
  func.func @transform_6(%arg0: i32) -> (i32, i32) {
    %c0_i32 = arith.constant 0 : i32
    %c0_i32_0 = arith.constant 0 : i32
    %c0_i32_1 = arith.constant 0 : i32
    return %c0_i32, %c0_i32_0 : i32, i32
  }
  func.func @transform_7(%arg0: i32) -> (i32, i32) {
    %c0_i32 = arith.constant 0 : i32
    %c0_i32_0 = arith.constant 0 : i32
    %c0_i32_1 = arith.constant 0 : i32
    return %c0_i32, %c0_i32_0 : i32, i32
  }
  func.func @transform_8(%arg0: i32) -> (i32, i32) {
    %c0_i32 = arith.constant 0 : i32
    %c0_i32_0 = arith.constant 0 : i32
    %c0_i32_1 = arith.constant 0 : i32
    return %c0_i32, %c0_i32_0 : i32, i32
  }
  func.func @transform_9(%arg0: i32) -> (i32, i32) {
    %c0_i32 = arith.constant 0 : i32
    %c0_i32_0 = arith.constant 0 : i32
    %c0_i32_1 = arith.constant 0 : i32
    return %c0_i32, %c0_i32_0 : i32, i32
  }
  func.func @transform_10(%arg0: i32) -> (i32, i32) {
    %c0_i32 = arith.constant 0 : i32
    %c0_i32_0 = arith.constant 0 : i32
    %c0_i32_1 = arith.constant 0 : i32
    return %c0_i32, %c0_i32_0 : i32, i32
  }
  func.func @transform_11(%arg0: i32) -> (i32, i32) {
    %c0_i32 = arith.constant 0 : i32
    %c0_i32_0 = arith.constant 0 : i32
    %c0_i32_1 = arith.constant 0 : i32
    return %c0_i32, %c0_i32_0 : i32, i32
  }
  func.func @transform_12(%arg0: i32) -> (i32, i32) {
    %c0_i32 = arith.constant 0 : i32
    %c0_i32_0 = arith.constant 0 : i32
    %c0_i32_1 = arith.constant 0 : i32
    return %c0_i32, %c0_i32_0 : i32, i32
  }
  func.func @transform_13(%arg0: i32) -> (i32, i32) {
    %c0_i32 = arith.constant 0 : i32
    %c0_i32_0 = arith.constant 0 : i32
    %c0_i32_1 = arith.constant 0 : i32
    return %c0_i32, %c0_i32_0 : i32, i32
  }
  func.func @transform_14(%arg0: i32) -> (i32, i32) {
    %c0_i32 = arith.constant 0 : i32
    %c0_i32_0 = arith.constant 0 : i32
    %c0_i32_1 = arith.constant 0 : i32
    return %c0_i32, %c0_i32_0 : i32, i32
  }
  func.func @transform_15(%arg0: i32) -> (i32, i32) {
    %c0_i32 = arith.constant 0 : i32
    %c0_i32_0 = arith.constant 0 : i32
    %c0_i32_1 = arith.constant 0 : i32
    return %c0_i32, %c0_i32_0 : i32, i32
  }
  func.func @transform_16(%arg0: i32) -> (i32, i32) {
    %c0_i32 = arith.constant 0 : i32
    %c0_i32_0 = arith.constant 0 : i32
    %c0_i32_1 = arith.constant 0 : i32
    return %c0_i32, %c0_i32_0 : i32, i32
  }
  func.func @transform_17(%arg0: i32) -> (i32, i32) {
    %c0_i32 = arith.constant 0 : i32
    %c0_i32_0 = arith.constant 0 : i32
    %c0_i32_1 = arith.constant 0 : i32
    return %c0_i32, %c0_i32_0 : i32, i32
  }
  func.func @transform_18(%arg0: i32) -> (i32, i32) {
    %c0_i32 = arith.constant 0 : i32
    %c0_i32_0 = arith.constant 0 : i32
    %c0_i32_1 = arith.constant 0 : i32
    return %c0_i32, %c0_i32_0 : i32, i32
  }
  func.func @transform_19(%arg0: i32) -> (i32, i32) {
    %c0_i32 = arith.constant 0 : i32
    %c0_i32_0 = arith.constant 0 : i32
    %c0_i32_1 = arith.constant 0 : i32
    return %c0_i32, %c0_i32_0 : i32, i32
  }
  func.func @transform_20(%arg0: i32) -> (i32, i32) {
    %c0_i32 = arith.constant 0 : i32
    %c0_i32_0 = arith.constant 0 : i32
    %c0_i32_1 = arith.constant 0 : i32
    return %c0_i32, %c0_i32_0 : i32, i32
  }
  func.func @transform_21(%arg0: i32) -> (i32, i32) {
    %c0_i32 = arith.constant 0 : i32
    %c0_i32_0 = arith.constant 0 : i32
    %c0_i32_1 = arith.constant 0 : i32
    return %c0_i32, %c0_i32_0 : i32, i32
  }
  func.func @transform_22(%arg0: i32) -> (i32, i32) {
    %c0_i32 = arith.constant 0 : i32
    %c0_i32_0 = arith.constant 0 : i32
    %c0_i32_1 = arith.constant 0 : i32
    return %c0_i32, %c0_i32_0 : i32, i32
  }
  func.func @transform_23(%arg0: i32) -> (i32, i32) {
    %c0_i32 = arith.constant 0 : i32
    %c0_i32_0 = arith.constant 0 : i32
    %c0_i32_1 = arith.constant 0 : i32
    return %c0_i32, %c0_i32_0 : i32, i32
  }
  func.func @transform_24(%arg0: i32) -> (i32, i32) {
    %c0_i32 = arith.constant 0 : i32
    %c0_i32_0 = arith.constant 0 : i32
    %c0_i32_1 = arith.constant 0 : i32
    return %c0_i32, %c0_i32_0 : i32, i32
  }
  func.func @transform_25(%arg0: i32) -> (i32, i32) {
    %c0_i32 = arith.constant 0 : i32
    %c0_i32_0 = arith.constant 0 : i32
    %c0_i32_1 = arith.constant 0 : i32
    return %c0_i32, %c0_i32_0 : i32, i32
  }
  func.func @transform_26(%arg0: i32) -> (i32, i32) {
    %c0_i32 = arith.constant 0 : i32
    %c0_i32_0 = arith.constant 0 : i32
    %c0_i32_1 = arith.constant 0 : i32
    return %c0_i32, %c0_i32_0 : i32, i32
  }
  func.func @transform_27(%arg0: i32) -> (i32, i32) {
    %c0_i32 = arith.constant 0 : i32
    %c0_i32_0 = arith.constant 0 : i32
    return %arg0, %c0_i32 : i32, i32
  }
}

</mosaic_0001>

<sc_bundles>
// kernel: kernel.11.cloned.1.call-start
scs
__scs_entry_jumppad:
0x0: {  	(pc) =	sbr.rel $0x88, $3  }
0x1: {  	(tag) =	ssettag $0x0;
	lr =	simm.s32 $0x1  }
0x2: {  	[smem:$0x3F86] =	sst lr;
	_ =	strace $0xD0000000  }
0x3: {  	_ = 	snop  }
0x4: {  	_ = 	snop  }
0x5: {  	_ = 	snop  }
0x6: {  	_ = 	snop  }
0x7: {  	_ = 	snop  }
__scs_overlays_trampoline_lowered:
0x8: {  	[smem:$0x3F95] =	sst s0  }
0x9: {  	[smem:$0x3F96] =	sst s1  }
0xa: {  	[smem:$0x3F97] =	sst s2  }
0xb: {  	[smem:$0x3F98] =	sst s3  }
0xc: {  	[smem:$0x3F99] =	sst s4  }
0xd: {  	[smem:$0x3F9A] =	sst s5  }
0xe: {  	[smem:$0x3F9B] =	sst s6  }
0xf: {  	[smem:$0x3F9C] =	sst s7  }
0x10: {  	[smem:$0x3F9D] =	sst s8  }
0x11: {  	[smem:$0x3F9E] =	sst s9;
	s0 =	simm.s32 @!p0 $0x0  }
0x12: {  	s1 =	sld [smem:$0x3F84];
	s0 =	simm.s32 @p0 $0x1  }
0x13: {  	[smem:$0x3F9F] =	sst s0;
	s0 =	simm.s32 @!p1 $0x0  }
0x14: {  	s2 =	sld [smem:$0x3F83];
	s0 =	simm.s32 @p1 $0x1  }
0x15: {  	[smem:$0x3FA0] =	sst s0;
	s0 =	simm.s32 @!p2 $0x0  }
0x16: {  	s3 =	sld [smem:$0x3FDB];
	s0 =	simm.s32 @p2 $0x1  }
0x17: {  	s4 =	simm.s32 $0x1BF5;
	[smem:$0x3FA2] =	sst s0  }
0x18: {  	s0 =	sld [smem:$0x3F85];
	_ =	swait.ge [sflag:s4], $0x0  }
0x19: {  	s7 =	sld [smem:$0x3F86]  }
0x1a: {  	s8 =	sadd.s32 $0xFFFFE003, lr  }
0x1b: {  	s9 =	sadd.s32 $0xFFFFFEF7, lr;
	s5 =	simm.s32 $0xFFFFFFFF;
	p2 =	slt.u32 s8, $0xFFFFF086  }
0x1c: {  	p1 =	slt.u32 s9, $0xF7A;
	s5 =	simm.s32 @!p2 $0x0  }
0x1d: {  	s5 =	simm.s32 @p1 $0x1;
	p0 =	seq.s32 s7, s2  }
0x1e: {  	s7 =	smul.u32 @!p0 $0xF7A, s2;
	p2 =	seq.s32 @!p0 s5, $0x0  }
0x1f: {  	s9 =	smul.u32 $0xF7A, s1;
	s8 =	simm.s32 @!p0 $0x1BF5;
	p2 =	por !p2, p0  }
0x20: {  	[sflag:s8] =	ssyncset.s32 @!p0 $0xFFFFF086;
	s6 =	sadd.s32 @!p0 s3, s7;
	s7 =	simm.s32 @!p0 $0x108  }
0x21: {  	s3 =	sadd.s32 s3, s9;
	s6 =	sadd.s32 @!p0 $0x88, s6;
	s7 =	simm.s32 @p2 $0x1082  }
0x22: {  	[simem:s7], [sflag:s8] =	dma.local @!p0 [hbm:s6], $0xF7A  }
0x23: {  	s9 =	sor.u32 $0xD0000000, s2;
	s6 =	simm.s32 $0x108;
	_ =	swait.ge @!p0 [sflag:s8], $0x0  }
0x24: {  	s3 =	sadd.s32 $0x88, s3;
	s6 =	simm.s32 @!p1 $0x1082;
	[sflag:s4] =	ssyncset.s32 $0xFFFFF086  }
0x25: {  	[simem:s6], [sflag:s4] =	dma.local [hbm:s3], $0xF7A  }
0x26: {  	[smem:$0x3F86] =	sst s1;
	(tag) =	ssettag s2;
	_ =	strace s9  }
0x27: {  	s1 =	sld [smem:$0x3F96]  }
0x28: {  	s2 =	sld [smem:$0x3F97]  }
0x29: {  	s4 =	sld [smem:$0x3F99]  }
0x2a: {  	p0 =	seq.s32 s5, $0x0;
	s5 =	sld [smem:$0x3F9A]  }
0x2b: {  	s6 =	sld [smem:$0x3F9B]  }
0x2c: {  	s7 =	sld [smem:$0x3F9C]  }
0x2d: {  	s3 =	simm.s32 $0x108;
	s8 =	sld [smem:$0x3F9D]  }
0x2e: {  	s3 =	simm.s32 @!p0 $0x1082;
	s9 =	sld [smem:$0x3F9E]  }
0x2f: {  	lr =	sadd.s32 s0, s3;
	s0 =	sld [smem:$0x3F95]  }
0x30: {  	s3 =	sld [smem:$0x3F98]  }
0x31: {  	[smem:$0x3FA1] =	sst s10  }
0x32: {  	s10 =	sld [smem:$0x3F9F];
	_ =	sdelay $0x3  }
0x33: {  	p0 =	seq.s32 s10, $0x1;
	s10 =	sld [smem:$0x3FA1];
	_ =	sdelay $0x3  }
0x34: {  	[smem:$0x3FA1] =	sst s10  }
0x35: {  	s10 =	sld [smem:$0x3FA0];
	_ =	sdelay $0x3  }
0x36: {  	p1 =	seq.s32 s10, $0x1;
	s10 =	sld [smem:$0x3FA1];
	_ =	sdelay $0x3  }
0x37: {  	[smem:$0x3FA1] =	sst s10  }
0x38: {  	s10 =	sld [smem:$0x3FA2]  }
0x39: {  	_ = 	snop;
	(pc) =	sbr.ind lr, $3  }
0x3a: {  	_ = 	snop  }
0x3b: {  	_ = 	snop  }
0x3c: {  	p2 =	seq.s32 s10, $0x1;
	s10 =	sld [smem:$0x3FA1]  }
0x3d: {  	_ =	shalt  }
0x3e: {  	_ =	shalt  }
0x3f: {  	_ =	shalt  }
0x40: {  	_ =	shalt  }
0x41: {  	_ =	shalt  }
0x42: {  	_ =	shalt  }
0x43: {  	_ =	shalt  }
0x44: {  	_ =	shalt  }
0x45: {  	_ =	shalt  }
0x46: {  	_ =	shalt  }
0x47: {  	_ =	shalt  }
0x48: {  	_ =	shalt  }
0x49: {  	_ =	shalt  }
0x4a: {  	_ =	shalt  }
0x4b: {  	_ =	shalt  }
0x4c: {  	_ =	shalt  }
0x4d: {  	_ =	shalt  }
0x4e: {  	_ =	shalt  }
0x4f: {  	_ =	shalt  }
0x50: {  	_ =	shalt  }
0x51: {  	_ =	shalt  }
0x52: {  	_ =	shalt  }
0x53: {  	_ =	shalt  }
0x54: {  	_ =	shalt  }
0x55: {  	_ =	shalt  }
0x56: {  	_ =	shalt  }
0x57: {  	_ =	shalt  }
0x58: {  	_ =	shalt  }
0x59: {  	_ =	shalt  }
0x5a: {  	_ =	shalt  }
0x5b: {  	_ =	shalt  }
0x5c: {  	_ =	shalt  }
0x5d: {  	_ =	shalt  }
0x5e: {  	_ =	shalt  }
0x5f: {  	_ =	shalt  }
0x60: {  	_ =	shalt  }
0x61: {  	_ =	shalt  }
0x62: {  	_ =	shalt  }
0x63: {  	_ =	shalt  }
0x64: {  	_ =	shalt  }
0x65: {  	_ =	shalt  }
0x66: {  	_ =	shalt  }
0x67: {  	_ =	shalt  }
0x68: {  	_ =	shalt  }
0x69: {  	_ =	shalt  }
0x6a: {  	_ =	shalt  }
0x6b: {  	_ =	shalt  }
0x6c: {  	_ =	shalt  }
0x6d: {  	_ =	shalt  }
0x6e: {  	_ =	shalt  }
0x6f: {  	_ =	shalt  }
0x70: {  	_ =	shalt  }
0x71: {  	_ =	shalt  }
0x72: {  	_ =	shalt  }
0x73: {  	_ =	shalt  }
0x74: {  	_ =	shalt  }
0x75: {  	_ =	shalt  }
0x76: {  	_ =	shalt  }
0x77: {  	_ =	shalt  }
0x78: {  	_ =	shalt  }
0x79: {  	_ =	shalt  }
0x7a: {  	_ =	shalt  }
0x7b: {  	_ =	shalt  }
0x7c: {  	_ =	shalt  }
0x7d: {  	_ =	shalt  }
0x7e: {  	_ =	shalt  }
0x7f: {  	_ =	shalt  }
0x80: {  	_ =	shalt  }
0x81: {  	_ =	shalt  }
0x82: {  	_ =	shalt  }
0x83: {  	_ =	shalt  }
0x84: {  	_ =	shalt  }
0x85: {  	_ =	shalt  }
0x86: {  	_ =	shalt  }
0x87: {  	_ =	shalt  }
.Lfunc_end0:
.L_simem_size_0:
called_computation.1_lowered:
.L_overlay_start_0:
0x88: {  	s2 =	sld [smem:$0x3FD9]  }
0x89: {  	s3 =	sld [smem:$0x3FFE];
	_ =	sdelay $0x1  }
0x8a: {  	s1 =	srdreg.scid  }
0x8b: {  	s0 =	sand.u32 $0x1, s1  }
0x8c: {  	s17 =	sshll.u32 s0, $0xA;
	s2 =	sadd.s32 s3, s2  }
0x8d: {  	s2 =	sadd.s32 s2, s17  }
0x8e: {  	[smem:$0x3FAD] =	sst s2  }
0x8f: {  	_ = 	snop  }
0x90: {  	s2 =	sld [smem:$0x3FD0];
	(tm) =	ssettm $0x1  }
0x91: {  	s18 =	sld [smem:$0x3FFB];
	_ =	sdelay $0x3  }
0x92: {  	_ =	strace s18  }
0x93: {  	s3 =	sld [smem:$0x3FFC];
	_ =	sdelay $0x3  }
0x94: {  	_ =	strace s3  }
0x95: {  	s3 =	sld [smem:$0x3FFD];
	_ =	sdelay $0x3  }
0x96: {  	_ =	strace s3  }
0x97: {  	_ =	strace $0x8FFFFFFF  }
0x98: {  	s19 =	sld [smem:$0x3FDB];
	_ =	sdelay $0x1  }
0x99: {  	s4 =	simm.s32 $_scs_section_size  }
0x9a: {  	s5 =	simm.s32 $_size__tile_overlayer_lowered;
	s6 =	simm.s32 $_tile_overlayer_lowered  }
0x9b: {  	s22 =	simm.s32 $0x1BFF;
	s21 =	sshll.u32 s6, $0x1;
	s3 =	sadd.s32 s4, s19  }
0x9c: {  	s7 =	simm.s32 $0x0;
	s20 =	sshll.u32 s5, $0x1;
	s5 =	sadd.s32 s21, s3  }
0x9d: {  	[timem:s7], [sflag:s22] =	dma.local [hbm:s5], s20  }
0x9e: {  	_ =	swait.ge [sflag:s22], s20  }
0x9f: {  	s4 =	ssub.s32 $0x0, s20;
	[sflag:s22] =	ssyncset.done $0x0  }
0xa0: {  	[sflag:s22] =	ssyncadd.s32 s4;
	_ =	sdelay $0x1  }
0xa1: {  	s23 =	simm.s32 $0x1B8B  }
0xa2: {  	_ =	swait.ge [sflag:s23], $0x1  }
0xa3: {  	[sflag:s23] =	ssyncset.done $0x0  }
0xa4: {  	s25 =	simm.s32 $0x1B8E;
	s24 =	sld [smem:$0x3FFE];
	[sflag:s23] =	ssyncadd.s32 $0xFFFFFFFF  }
0xa5: {  	s26 =	simm.s32 $execute0_lowered;
	[smem:$0x3FD2] =	sst s25  }
0xa6: {  	s5 =	sshll.u32 s26, $0x1;
	_ =	strace $0x80000046;
	[dreg:$0x1] =	wrdreg $0xFFFFFFFF  }
0xa7: {  	s28 =	simm.s32 $_size_execute0_lowered;
	s3 =	sadd.s32 s3, s5;
	[dreg:$0x0] =	wrdreg $0x0  }
0xa8: {  	s5 =	sshll.u32 s28, $0x1;
	[dreg:$0x2] =	wrdreg s3  }
0xa9: {  	[dreg:$0x3] =	wrdreg s5  }
0xaa: {  	[dreg:$0x4] =	wrdreg $0xC0  }
0xab: {  	_ =	task [dreg:s7], $0x5FFFF  }
0xac: {  	[dreg:$0x1] =	wrdreg $0xFFFFFFFF  }
0xad: {  	[dreg:$0x0] =	wrdreg $0x60  }
0xae: {  	[dreg:$0x2] =	wrdreg s24  }
0xaf: {  	[dreg:$0x3] =	wrdreg s2  }
0xb0: {  	[dreg:$0x4] =	wrdreg $0xA  }
0xb1: {  	_ =	task.clear_ibuf [dreg:s7], $0x5FFFF;
	_ =	strace $0x90000046  }
0xb2: {  	s29 =	simm.s32 $0xA;
	_ =	strace $0x80000048  }
0xb3: {  	_ =	swait.ge [sflag:s29], $0x1  }
0xb4: {  	[sflag:s29] =	ssyncadd.s32 $0xFFFFFFFF  }
0xb5: {  	_ =	strace $0x90000048  }
0xb6: {  	_ =	sfence  }
0xb7: {  	s30 =	sld [smem:$0x0];
	_ =	sdelay $0x2  }
0xb8: {  	s31 =	sshll.u32 s1, $0xD;
	s1 =	sshrl.u32 s1, $0x2  }
0xb9: {  	s3 =	sand.u32 $0x4000, s31;
	s1 =	sadd.s32 s1, s30  }
0xba: {  	s0 =	sor.u32 s3, s0;
	s1 =	sshll.u32 s1, $0x11  }
0xbb: {  	s0 =	sor.u32 s1, s0  }
0xbc: {  	s0 =	sadd.s32 $0x8F2B, s0  }
0xbd: {  	[sflag:s0] =	ssyncadd.remote.s32 $0x1  }
0xbe: {  	_ =	sfence.sel $0xFFFF  }
0xbf: {  	[dreg:$0x0] =	wrdreg $0xFFFFFFFF;
	(pc) =	sbr.abs _section_cstart, $3  }
0xc0: {  	[dreg:$0x1] =	wrdreg $0xFFFFFFFF  }
0xc1: {  	_ =	task.clear_ibuf [dreg:s7], $0x2FFFF;
	_ =	strace $0x9FFFFFFF  }
0xc2: {  	(tm) =	ssettm $0x7FFFFFFF  }
0xc3: {  	_ =	shalt  }
tec
execute0_lowered:
.L_overlay_start_1:
0x0: {  	(tag) =	ssettag $0x1  }
0x1: {  	s0 =	rddreg [dreg:$0x0]  }
0x2: {  	s1 =	rddreg [dreg:$0x1]  }
0x3: {  	s2 =	srdreg.scid;
	s4 =	stileid.u32  }
0x4: {  	s10 =	simm.s32 $0x2;
	s28 =	simm.s32 $0x3900;
	s29 =	simm.s32 $0x4100  }
0x5: {  	s30 =	simm.s32 $0x4900;
	s31 =	simm.s32 $0x5100;
	s9 =	simm.s32 $0x7900  }
0x6: {  	s3 =	sand.u32 $0x1, s2;
	s2 =	simm.s32 $0x0;
	s4 =	sshll.u32 s4, $0xA  }
0x7: {  	s11 =	sadd.s32 $0x24000, s0;
	s5 =	sshll.u32 s3, $0x9;
	[smem:$0x7FF] =	sst s2  }
0x8: {  	s18 =	ssub.s32 $0x2, s3;
	s4 =	sor.u32 s5, s4;
	_ =	strace $0x80000047  }
0x9: {  	s24 =	sshrl.u32 s18, $0x1;
	s5 =	simm.s32 $0x5;
	s6 =	sshrl.u32 s4, $0x3  }
0xa: {  	s7 =	sshll.u32 s4, $0x5;
	s8 =	sor.u32 $0x80, s4;
	s17 =	sor.u32 $0x100, s4  }
0xb: {  	s4 =	sor.u32 $0x180, s4;
	s26 =	ssub.s32 s18, s24;
	s24 =	simm.s32 $0x100  }
0xc: {  	s6 =	sadd.s32 s1, s6;
	s12 =	sadd.s32 s11, s7;
	s13 =	sshrl.u32 s8, $0x3  }
0xd: {  	s15 =	sshll.u32 s8, $0x5;
	s19 =	sshrl.u32 s17, $0x3;
	s20 =	sshll.u32 s17, $0x5  }
0xe: {  	s22 =	sshrl.u32 s4, $0x3;
	s23 =	sshll.u32 s4, $0x5;
	s4 =	smax.u32 s26, $0x1  }
0xf: {  	s26 =	simm.s32 $0x3100;
	s7 =	simm.s32 $0x6900;
	[dreg:$0x3] =	wrdreg s6  }
0x10: {  	s8 =	simm.s32 $0x7100;
	[dreg:$0x4] =	wrdreg s12;
	s14 =	sadd.s32 s1, s13  }
0x11: {  	s16 =	sadd.s32 s11, s15;
	s3 =	sadd.s32 s1, s19;
	s21 =	sadd.s32 s11, s20  }
0x12: {  	s1 =	sadd.s32 s1, s22;
	s25 =	sadd.s32 s11, s23;
	[dreg:$0x5] =	wrdreg s14  }
0x13: {  	s19 =	simm.s32 $0x900;
	s20 =	simm.s32 $0x1100;
	[dreg:$0x6] =	wrdreg s16  }
0x14: {  	s23 =	simm.s32 $0x2100;
	s6 =	simm.s32 $0x5900;
	[dreg:$0x7] =	wrdreg s3  }
0x15: {  	s22 =	simm.s32 $0x8100;
	s12 =	simm.s32 $0x9900;
	[dreg:$0x8] =	wrdreg s21  }
0x16: {  	v2 =	vlaneseq.u32;
	s13 =	simm.s32 $0xA100;
	s15 =	simm.s32 $0xA900;
	[dreg:$0x9] =	wrdreg s1  }
0x17: {  	vm0 =	vmmov $0xffff;
	v1 =	vshrl.u32 v2, $0x3;
	s3 =	sadd.s32 $0x4000, s0;
	[dreg:$0xa] =	wrdreg s25;
	s16 =	simm.s32 $0x4  }
0x18: {  	v0 =	vand.u32 $0x7, v2;
	v2 =	vor.u32 $0x8, v2;
	v1 =	vmul.u32 $0x8, v1;
	s21 =	simm.s32 $0x1900;
	s25 =	simm.s32 $0x2900;
	s1 =	simm.s32 $0x6100  }
.LBB2_1:
0x19: {  	s17 =	rddreg [dreg:$0x3]  }
0x1a: {  	[tilespmem:s2], [sflag:$0x5] =	stream.linear.gather [hbm4b:s17+s2], $0x80, $0x38;
	[tilespmem:$0x10100] =	vst v63  }
0x1b: {  	_ =	swait.ge [sflag:s5], $0x80  }
0x1c: {  	[sflag:s5] =	ssyncset.done $0x0  }
0x1d: {  	[sflag:s5] =	ssyncadd.s32 $0xFFFFFF80  }
0x1e: {  	v3 =	vld [tilespmem:$0x0];
	_ =	sdelay $0x4  }
0x1f: {  	v4 =	vshll.u32 v3, $0x1  }
0x20: {  	v3 =	vand.u32 $0x7, v3;
	v4 =	vand.u32 $0xFFFFFFF0, v4  }
0x21: {  	v3 =	vor.u32 v3, v4  }
0x22: {  	v4 =	vperm.xlane v3, v0;
	_ =	sdelay $0x1  }
0x23: {  	v3 =	vperm.xlane v3, v2;
	v4 =	vadd.s32 v1, v4;
	_ =	sdelay $0x1  }
0x24: {  	v3 =	vadd.s32 v1, v3;
	_ =	sdelay $0x2  }
0x25: {  	[tilespmem:s24], [sflag:$0x1] =	stream.indirect_vreg.gather [hbm4b:s3+s2], $0x80, v4, vm0, $0xb8;
	[tilespmem:$0x10100] =	vst v63  }
0x26: {  	_ = 	snop  }
0x27: {  	[tilespmem:s19], [sflag:$0x1] =	stream.indirect_vreg.gather [hbm4b:s3+s2], $0x80, v3, vm0, $0xb8;
	[tilespmem:$0x10100] =	vst v63  }
0x28: {  	v3 =	vld [tilespmem:$0x10];
	_ =	sdelay $0x4  }
0x29: {  	v33 =	vshll.u32 v3, $0x1  }
0x2a: {  	v3 =	vand.u32 $0x7, v3;
	v4 =	vand.u32 $0xFFFFFFF0, v33  }
0x2b: {  	v3 =	vor.u32 v3, v4  }
0x2c: {  	v4 =	vperm.xlane v3, v0;
	_ =	sdelay $0x1  }
0x2d: {  	v3 =	vperm.xlane v3, v2;
	v4 =	vadd.s32 v1, v4;
	_ =	sdelay $0x1  }
0x2e: {  	v3 =	vadd.s32 v1, v3;
	_ =	sdelay $0x2  }
0x2f: {  	[tilespmem:s20], [sflag:$0x1] =	stream.indirect_vreg.gather [hbm4b:s3+s2], $0x80, v4, vm0, $0xb8;
	[tilespmem:$0x10100] =	vst v63  }
0x30: {  	_ = 	snop  }
0x31: {  	[tilespmem:s21], [sflag:$0x1] =	stream.indirect_vreg.gather [hbm4b:s3+s2], $0x80, v3, vm0, $0xb8;
	[tilespmem:$0x10100] =	vst v63  }
0x32: {  	v3 =	vld [tilespmem:$0x20];
	_ =	sdelay $0x4  }
0x33: {  	v34 =	vshll.u32 v3, $0x1  }
0x34: {  	v3 =	vand.u32 $0x7, v3;
	v4 =	vand.u32 $0xFFFFFFF0, v34  }
0x35: {  	v3 =	vor.u32 v3, v4  }
0x36: {  	v4 =	vperm.xlane v3, v0;
	_ =	sdelay $0x1  }
0x37: {  	v3 =	vperm.xlane v3, v2;
	v4 =	vadd.s32 v1, v4;
	_ =	sdelay $0x1  }
0x38: {  	v3 =	vadd.s32 v1, v3;
	_ =	sdelay $0x2  }
0x39: {  	[tilespmem:s23], [sflag:$0x1] =	stream.indirect_vreg.gather [hbm4b:s3+s2], $0x80, v4, vm0, $0xb8;
	[tilespmem:$0x10100] =	vst v63  }
0x3a: {  	_ = 	snop  }
0x3b: {  	[tilespmem:s25], [sflag:$0x1] =	stream.indirect_vreg.gather [hbm4b:s3+s2], $0x80, v3, vm0, $0xb8;
	[tilespmem:$0x10100] =	vst v63  }
0x3c: {  	v3 =	vld [tilespmem:$0x30];
	_ =	sdelay $0x4  }
0x3d: {  	v35 =	vshll.u32 v3, $0x1  }
0x3e: {  	v3 =	vand.u32 $0x7, v3;
	v4 =	vand.u32 $0xFFFFFFF0, v35  }
0x3f: {  	v3 =	vor.u32 v3, v4  }
0x40: {  	v4 =	vperm.xlane v3, v0;
	_ =	sdelay $0x1  }
0x41: {  	v3 =	vperm.xlane v3, v2;
	v4 =	vadd.s32 v1, v4;
	_ =	sdelay $0x1  }
0x42: {  	v3 =	vadd.s32 v1, v3;
	_ =	sdelay $0x2  }
0x43: {  	[tilespmem:s26], [sflag:$0x1] =	stream.indirect_vreg.gather [hbm4b:s3+s2], $0x80, v4, vm0, $0xb8;
	[tilespmem:$0x10100] =	vst v63  }
0x44: {  	_ = 	snop  }
0x45: {  	[tilespmem:s28], [sflag:$0x1] =	stream.indirect_vreg.gather [hbm4b:s3+s2], $0x80, v3, vm0, $0xb8;
	[tilespmem:$0x10100] =	vst v63  }
0x46: {  	v3 =	vld [tilespmem:$0x40];
	_ =	sdelay $0x4  }
0x47: {  	v36 =	vshll.u32 v3, $0x1  }
0x48: {  	v3 =	vand.u32 $0x7, v3;
	v4 =	vand.u32 $0xFFFFFFF0, v36  }
0x49: {  	v3 =	vor.u32 v3, v4  }
0x4a: {  	v4 =	vperm.xlane v3, v0;
	_ =	sdelay $0x1  }
0x4b: {  	v3 =	vperm.xlane v3, v2;
	v4 =	vadd.s32 v1, v4;
	_ =	sdelay $0x1  }
0x4c: {  	v3 =	vadd.s32 v1, v3;
	_ =	sdelay $0x2  }
0x4d: {  	[tilespmem:s29], [sflag:$0x1] =	stream.indirect_vreg.gather [hbm4b:s3+s2], $0x80, v4, vm0, $0xb8;
	[tilespmem:$0x10100] =	vst v63  }
0x4e: {  	_ = 	snop  }
0x4f: {  	[tilespmem:s30], [sflag:$0x1] =	stream.indirect_vreg.gather [hbm4b:s3+s2], $0x80, v3, vm0, $0xb8;
	[tilespmem:$0x10100] =	vst v63  }
0x50: {  	v3 =	vld [tilespmem:$0x50];
	_ =	sdelay $0x4  }
0x51: {  	v37 =	vshll.u32 v3, $0x1  }
0x52: {  	v3 =	vand.u32 $0x7, v3;
	v4 =	vand.u32 $0xFFFFFFF0, v37  }
0x53: {  	v3 =	vor.u32 v3, v4  }
0x54: {  	v4 =	vperm.xlane v3, v0;
	_ =	sdelay $0x1  }
0x55: {  	v3 =	vperm.xlane v3, v2;
	v4 =	vadd.s32 v1, v4;
	_ =	sdelay $0x1  }
0x56: {  	v3 =	vadd.s32 v1, v3;
	_ =	sdelay $0x2  }
0x57: {  	[tilespmem:s31], [sflag:$0x1] =	stream.indirect_vreg.gather [hbm4b:s3+s2], $0x80, v4, vm0, $0xb8;
	[tilespmem:$0x10100] =	vst v63  }
0x58: {  	_ = 	snop  }
0x59: {  	[tilespmem:s6], [sflag:$0x1] =	stream.indirect_vreg.gather [hbm4b:s3+s2], $0x80, v3, vm0, $0xb8;
	[tilespmem:$0x10100] =	vst v63  }
0x5a: {  	v3 =	vld [tilespmem:$0x60];
	_ =	sdelay $0x4  }
0x5b: {  	v38 =	vshll.u32 v3, $0x1  }
0x5c: {  	v3 =	vand.u32 $0x7, v3;
	v4 =	vand.u32 $0xFFFFFFF0, v38  }
0x5d: {  	v3 =	vor.u32 v3, v4  }
0x5e: {  	v4 =	vperm.xlane v3, v0;
	_ =	sdelay $0x1  }
0x5f: {  	v3 =	vperm.xlane v3, v2;
	v4 =	vadd.s32 v1, v4;
	_ =	sdelay $0x1  }
0x60: {  	v3 =	vadd.s32 v1, v3;
	_ =	sdelay $0x2  }
0x61: {  	[tilespmem:s1], [sflag:$0x1] =	stream.indirect_vreg.gather [hbm4b:s3+s2], $0x80, v4, vm0, $0xb8;
	[tilespmem:$0x10100] =	vst v63  }
0x62: {  	_ = 	snop  }
0x63: {  	[tilespmem:s7], [sflag:$0x1] =	stream.indirect_vreg.gather [hbm4b:s3+s2], $0x80, v3, vm0, $0xb8;
	[tilespmem:$0x10100] =	vst v63  }
0x64: {  	v3 =	vld [tilespmem:$0x70];
	_ =	sdelay $0x4  }
0x65: {  	v39 =	vshll.u32 v3, $0x1  }
0x66: {  	v3 =	vand.u32 $0x7, v3;
	v4 =	vand.u32 $0xFFFFFFF0, v39  }
0x67: {  	v3 =	vor.u32 v3, v4  }
0x68: {  	v4 =	vperm.xlane v3, v0;
	_ =	sdelay $0x1  }
0x69: {  	v3 =	vperm.xlane v3, v2;
	v4 =	vadd.s32 v1, v4;
	_ =	sdelay $0x1  }
0x6a: {  	v3 =	vadd.s32 v1, v3;
	_ =	sdelay $0x2  }
0x6b: {  	[tilespmem:s8], [sflag:$0x1] =	stream.indirect_vreg.gather [hbm4b:s3+s2], $0x80, v4, vm0, $0xb8;
	[tilespmem:$0x10100] =	vst v63  }
0x6c: {  	s0 =	simm.s32 $0x1  }
0x6d: {  	[tilespmem:s9], [sflag:$0x1] =	stream.indirect_vreg.gather [hbm4b:s3+s2], $0x80, v3, vm0, $0xb8;
	[tilespmem:$0x10100] =	vst v63  }
0x6e: {  	_ =	swait.ge [sflag:s0], $0x8000  }
0x6f: {  	[sflag:s0] =	ssyncset.done $0x0  }
0x70: {  	s14 =	rddreg [dreg:$0x4];
	[sflag:s0] =	ssyncadd.s32 $0xFFFF8000  }
0x71: {  	[hbm4b:s14+s2] =	stream.linear.scatter [tilespmem:s24], [sflag:$0x3], $0x8000, $0x38;
	[tilespmem:$0x10100] =	vst v63  }
0x72: {  	s11 =	simm.s32 $0x80;
	s18 =	rddreg [dreg:$0x5]  }
0x73: {  	[tilespmem:s11], [sflag:$0x5] =	stream.linear.gather [hbm4b:s18+s2], $0x80, $0x38;
	[tilespmem:$0x10100] =	vst v63  }
0x74: {  	_ =	swait.ge [sflag:s5], $0x80  }
0x75: {  	[sflag:s5] =	ssyncset.done $0x0  }
0x76: {  	[sflag:s5] =	ssyncadd.s32 $0xFFFFFF80  }
0x77: {  	v3 =	vld [tilespmem:$0x80];
	_ =	sdelay $0x4  }
0x78: {  	v40 =	vshll.u32 v3, $0x1  }
0x79: {  	v3 =	vand.u32 $0x7, v3;
	v4 =	vand.u32 $0xFFFFFFF0, v40  }
0x7a: {  	v3 =	vor.u32 v3, v4  }
0x7b: {  	v4 =	vperm.xlane v3, v0;
	_ =	sdelay $0x1  }
0x7c: {  	v3 =	vperm.xlane v3, v2;
	v4 =	vadd.s32 v1, v4;
	_ =	sdelay $0x1  }
0x7d: {  	v3 =	vadd.s32 v1, v3;
	_ =	sdelay $0x2  }
0x7e: {  	[tilespmem:s22], [sflag:$0x2] =	stream.indirect_vreg.gather [hbm4b:s3+s2], $0x80, v4, vm0, $0xb8;
	[tilespmem:$0x10100] =	vst v63  }
0x7f: {  	s18 =	simm.s32 $0x8900  }
0x80: {  	[tilespmem:s18], [sflag:$0x2] =	stream.indirect_vreg.gather [hbm4b:s3+s2], $0x80, v3, vm0, $0xb8;
	[tilespmem:$0x10100] =	vst v63  }
0x81: {  	v3 =	vld [tilespmem:$0x90];
	_ =	sdelay $0x4  }
0x82: {  	v41 =	vshll.u32 v3, $0x1  }
0x83: {  	v3 =	vand.u32 $0x7, v3;
	v4 =	vand.u32 $0xFFFFFFF0, v41  }
0x84: {  	v3 =	vor.u32 v3, v4  }
0x85: {  	v4 =	vperm.xlane v3, v0;
	_ =	sdelay $0x1  }
0x86: {  	v3 =	vperm.xlane v3, v2;
	v4 =	vadd.s32 v1, v4;
	_ =	sdelay $0x1  }
0x87: {  	v3 =	vadd.s32 v1, v3;
	_ =	sdelay $0x1  }
0x88: {  	s11 =	simm.s32 $0x9100  }
0x89: {  	[tilespmem:s11], [sflag:$0x2] =	stream.indirect_vreg.gather [hbm4b:s3+s2], $0x80, v4, vm0, $0xb8;
	[tilespmem:$0x10100] =	vst v63  }
0x8a: {  	_ = 	snop  }
0x8b: {  	[tilespmem:s12], [sflag:$0x2] =	stream.indirect_vreg.gather [hbm4b:s3+s2], $0x80, v3, vm0, $0xb8;
	[tilespmem:$0x10100] =	vst v63  }
0x8c: {  	v3 =	vld [tilespmem:$0xA0];
	_ =	sdelay $0x4  }
0x8d: {  	v42 =	vshll.u32 v3, $0x1  }
0x8e: {  	v3 =	vand.u32 $0x7, v3;
	v4 =	vand.u32 $0xFFFFFFF0, v42  }
0x8f: {  	v3 =	vor.u32 v3, v4  }
0x90: {  	v4 =	vperm.xlane v3, v0;
	_ =	sdelay $0x1  }
0x91: {  	v3 =	vperm.xlane v3, v2;
	v4 =	vadd.s32 v1, v4;
	_ =	sdelay $0x1  }
0x92: {  	v3 =	vadd.s32 v1, v3;
	_ =	sdelay $0x2  }
0x93: {  	[tilespmem:s13], [sflag:$0x2] =	stream.indirect_vreg.gather [hbm4b:s3+s2], $0x80, v4, vm0, $0xb8;
	[tilespmem:$0x10100] =	vst v63  }
0x94: {  	_ = 	snop  }
0x95: {  	[tilespmem:s15], [sflag:$0x2] =	stream.indirect_vreg.gather [hbm4b:s3+s2], $0x80, v3, vm0, $0xb8;
	[tilespmem:$0x10100] =	vst v63  }
0x96: {  	v3 =	vld [tilespmem:$0xB0];
	_ =	sdelay $0x4  }
0x97: {  	v43 =	vshll.u32 v3, $0x1  }
0x98: {  	v3 =	vand.u32 $0x7, v3;
	v4 =	vand.u32 $0xFFFFFFF0, v43  }
0x99: {  	v3 =	vor.u32 v3, v4  }
0x9a: {  	v4 =	vperm.xlane v3, v0;
	_ =	sdelay $0x1  }
0x9b: {  	v3 =	vperm.xlane v3, v2;
	v4 =	vadd.s32 v1, v4;
	_ =	sdelay $0x1  }
0x9c: {  	v3 =	vadd.s32 v1, v3;
	_ =	sdelay $0x1  }
0x9d: {  	s14 =	simm.s32 $0xB100  }
0x9e: {  	[tilespmem:s14], [sflag:$0x2] =	stream.indirect_vreg.gather [hbm4b:s3+s2], $0x80, v4, vm0, $0xb8;
	[tilespmem:$0x10100] =	vst v63  }
0x9f: {  	s17 =	simm.s32 $0xB900  }
0xa0: {  	[tilespmem:s17], [sflag:$0x2] =	stream.indirect_vreg.gather [hbm4b:s3+s2], $0x80, v3, vm0, $0xb8;
	[tilespmem:$0x10100] =	vst v63  }
0xa1: {  	v3 =	vld [tilespmem:$0xC0];
	_ =	sdelay $0x4  }
0xa2: {  	v44 =	vshll.u32 v3, $0x1  }
0xa3: {  	v3 =	vand.u32 $0x7, v3;
	v4 =	vand.u32 $0xFFFFFFF0, v44  }
0xa4: {  	v3 =	vor.u32 v3, v4  }
0xa5: {  	v4 =	vperm.xlane v3, v0;
	_ =	sdelay $0x1  }
0xa6: {  	v3 =	vperm.xlane v3, v2;
	v4 =	vadd.s32 v1, v4;
	_ =	sdelay $0x1  }
0xa7: {  	v3 =	vadd.s32 v1, v3;
	_ =	sdelay $0x1  }
0xa8: {  	s17 =	simm.s32 $0xC100  }
0xa9: {  	[tilespmem:s17], [sflag:$0x2] =	stream.indirect_vreg.gather [hbm4b:s3+s2], $0x80, v4, vm0, $0xb8;
	[tilespmem:$0x10100] =	vst v63  }
0xaa: {  	s17 =	simm.s32 $0xC900  }
0xab: {  	[tilespmem:s17], [sflag:$0x2] =	stream.indirect_vreg.gather [hbm4b:s3+s2], $0x80, v3, vm0, $0xb8;
	[tilespmem:$0x10100] =	vst v63  }
0xac: {  	v3 =	vld [tilespmem:$0xD0];
	_ =	sdelay $0x4  }
0xad: {  	v45 =	vshll.u32 v3, $0x1  }
0xae: {  	v3 =	vand.u32 $0x7, v3;
	v4 =	vand.u32 $0xFFFFFFF0, v45  }
0xaf: {  	v3 =	vor.u32 v3, v4  }
0xb0: {  	v4 =	vperm.xlane v3, v0;
	_ =	sdelay $0x1  }
0xb1: {  	v3 =	vperm.xlane v3, v2;
	v4 =	vadd.s32 v1, v4;
	_ =	sdelay $0x1  }
0xb2: {  	v3 =	vadd.s32 v1, v3;
	_ =	sdelay $0x1  }
0xb3: {  	s17 =	simm.s32 $0xD100  }
0xb4: {  	[tilespmem:s17], [sflag:$0x2] =	stream.indirect_vreg.gather [hbm4b:s3+s2], $0x80, v4, vm0, $0xb8;
	[tilespmem:$0x10100] =	vst v63  }
0xb5: {  	s17 =	simm.s32 $0xD900  }
0xb6: {  	[tilespmem:s17], [sflag:$0x2] =	stream.indirect_vreg.gather [hbm4b:s3+s2], $0x80, v3, vm0, $0xb8;
	[tilespmem:$0x10100] =	vst v63  }
0xb7: {  	v3 =	vld [tilespmem:$0xE0];
	_ =	sdelay $0x4  }
0xb8: {  	v46 =	vshll.u32 v3, $0x1  }
0xb9: {  	v3 =	vand.u32 $0x7, v3;
	v4 =	vand.u32 $0xFFFFFFF0, v46  }
0xba: {  	v3 =	vor.u32 v3, v4  }
0xbb: {  	v4 =	vperm.xlane v3, v0;
	_ =	sdelay $0x1  }
0xbc: {  	v3 =	vperm.xlane v3, v2;
	v4 =	vadd.s32 v1, v4;
	_ =	sdelay $0x1  }
0xbd: {  	v3 =	vadd.s32 v1, v3;
	_ =	sdelay $0x1  }
0xbe: {  	s17 =	simm.s32 $0xE100  }
0xbf: {  	[tilespmem:s17], [sflag:$0x2] =	stream.indirect_vreg.gather [hbm4b:s3+s2], $0x80, v4, vm0, $0xb8;
	[tilespmem:$0x10100] =	vst v63  }
0xc0: {  	s17 =	simm.s32 $0xE900  }
0xc1: {  	[tilespmem:s17], [sflag:$0x2] =	stream.indirect_vreg.gather [hbm4b:s3+s2], $0x80, v3, vm0, $0xb8;
	[tilespmem:$0x10100] =	vst v63  }
0xc2: {  	v3 =	vld [tilespmem:$0xF0];
	_ =	sdelay $0x4  }
0xc3: {  	v47 =	vshll.u32 v3, $0x1  }
0xc4: {  	v3 =	vand.u32 $0x7, v3;
	v4 =	vand.u32 $0xFFFFFFF0, v47  }
0xc5: {  	v3 =	vor.u32 v3, v4  }
0xc6: {  	v4 =	vperm.xlane v3, v0;
	_ =	sdelay $0x1  }
0xc7: {  	v3 =	vperm.xlane v3, v2;
	v4 =	vadd.s32 v1, v4;
	_ =	sdelay $0x1  }
0xc8: {  	v3 =	vadd.s32 v1, v3;
	_ =	sdelay $0x1  }
0xc9: {  	s17 =	simm.s32 $0xF100  }
0xca: {  	[tilespmem:s17], [sflag:$0x2] =	stream.indirect_vreg.gather [hbm4b:s3+s2], $0x80, v4, vm0, $0xb8;
	[tilespmem:$0x10100] =	vst v63  }
0xcb: {  	s17 =	simm.s32 $0xF900  }
0xcc: {  	[tilespmem:s17], [sflag:$0x2] =	stream.indirect_vreg.gather [hbm4b:s3+s2], $0x80, v3, vm0, $0xb8;
	[tilespmem:$0x10100] =	vst v63  }
0xcd: {  	_ =	swait.ge [sflag:s10], $0x8000  }
0xce: {  	[sflag:s10] =	ssyncset.done $0x0  }
0xcf: {  	s14 =	rddreg [dreg:$0x6];
	[sflag:s10] =	ssyncadd.s32 $0xFFFF8000  }
0xd0: {  	[hbm4b:s14+s2] =	stream.linear.scatter [tilespmem:s22], [sflag:$0x4], $0x8000, $0x38;
	[tilespmem:$0x10100] =	vst v63  }
0xd1: {  	s14 =	simm.s32 $0x3  }
0xd2: {  	_ =	swait.ge [sflag:s14], $0x8000  }
0xd3: {  	[sflag:s14] =	ssyncset.done $0x0  }
0xd4: {  	s17 =	rddreg [dreg:$0x7];
	[sflag:s14] =	ssyncadd.s32 $0xFFFF8000  }
0xd5: {  	[tilespmem:s2], [sflag:$0x5] =	stream.linear.gather [hbm4b:s17+s2], $0x80, $0x38;
	[tilespmem:$0x10100] =	vst v63  }
0xd6: {  	_ =	swait.ge [sflag:s5], $0x80  }
0xd7: {  	[sflag:s5] =	ssyncset.done $0x0  }
0xd8: {  	[sflag:s5] =	ssyncadd.s32 $0xFFFFFF80  }
0xd9: {  	v3 =	vld [tilespmem:$0x0];
	_ =	sdelay $0x4  }
0xda: {  	v48 =	vshll.u32 v3, $0x1  }
0xdb: {  	v3 =	vand.u32 $0x7, v3;
	v4 =	vand.u32 $0xFFFFFFF0, v48  }
0xdc: {  	v3 =	vor.u32 v3, v4  }
0xdd: {  	v4 =	vperm.xlane v3, v0;
	_ =	sdelay $0x1  }
0xde: {  	v3 =	vperm.xlane v3, v2;
	v4 =	vadd.s32 v1, v4;
	_ =	sdelay $0x1  }
0xdf: {  	v3 =	vadd.s32 v1, v3;
	_ =	sdelay $0x2  }
0xe0: {  	[tilespmem:s24], [sflag:$0x1] =	stream.indirect_vreg.gather [hbm4b:s3+s2], $0x80, v4, vm0, $0xb8;
	[tilespmem:$0x10100] =	vst v63  }
0xe1: {  	_ = 	snop  }
0xe2: {  	[tilespmem:s19], [sflag:$0x1] =	stream.indirect_vreg.gather [hbm4b:s3+s2], $0x80, v3, vm0, $0xb8;
	[tilespmem:$0x10100] =	vst v63  }
0xe3: {  	v3 =	vld [tilespmem:$0x10];
	_ =	sdelay $0x4  }
0xe4: {  	v49 =	vshll.u32 v3, $0x1  }
0xe5: {  	v3 =	vand.u32 $0x7, v3;
	v4 =	vand.u32 $0xFFFFFFF0, v49  }
0xe6: {  	v3 =	vor.u32 v3, v4  }
0xe7: {  	v4 =	vperm.xlane v3, v0;
	_ =	sdelay $0x1  }
0xe8: {  	v3 =	vperm.xlane v3, v2;
	v4 =	vadd.s32 v1, v4;
	_ =	sdelay $0x1  }
0xe9: {  	v3 =	vadd.s32 v1, v3;
	_ =	sdelay $0x2  }
0xea: {  	[tilespmem:s20], [sflag:$0x1] =	stream.indirect_vreg.gather [hbm4b:s3+s2], $0x80, v4, vm0, $0xb8;
	[tilespmem:$0x10100] =	vst v63  }
0xeb: {  	_ = 	snop  }
0xec: {  	[tilespmem:s21], [sflag:$0x1] =	stream.indirect_vreg.gather [hbm4b:s3+s2], $0x80, v3, vm0, $0xb8;
	[tilespmem:$0x10100] =	vst v63  }
0xed: {  	v3 =	vld [tilespmem:$0x20];
	_ =	sdelay $0x4  }
0xee: {  	v50 =	vshll.u32 v3, $0x1  }
0xef: {  	v3 =	vand.u32 $0x7, v3;
	v4 =	vand.u32 $0xFFFFFFF0, v50  }
0xf0: {  	v3 =	vor.u32 v3, v4  }
0xf1: {  	v4 =	vperm.xlane v3, v0;
	_ =	sdelay $0x1  }
0xf2: {  	v3 =	vperm.xlane v3, v2;
	v4 =	vadd.s32 v1, v4;
	_ =	sdelay $0x1  }
0xf3: {  	v3 =	vadd.s32 v1, v3;
	_ =	sdelay $0x2  }
0xf4: {  	[tilespmem:s23], [sflag:$0x1] =	stream.indirect_vreg.gather [hbm4b:s3+s2], $0x80, v4, vm0, $0xb8;
	[tilespmem:$0x10100] =	vst v63  }
0xf5: {  	_ = 	snop  }
0xf6: {  	[tilespmem:s25], [sflag:$0x1] =	stream.indirect_vreg.gather [hbm4b:s3+s2], $0x80, v3, vm0, $0xb8;
	[tilespmem:$0x10100] =	vst v63  }
0xf7: {  	v3 =	vld [tilespmem:$0x30];
	_ =	sdelay $0x4  }
0xf8: {  	v51 =	vshll.u32 v3, $0x1  }
0xf9: {  	v3 =	vand.u32 $0x7, v3;
	v4 =	vand.u32 $0xFFFFFFF0, v51  }
0xfa: {  	v3 =	vor.u32 v3, v4  }
0xfb: {  	v4 =	vperm.xlane v3, v0;
	_ =	sdelay $0x1  }
0xfc: {  	v3 =	vperm.xlane v3, v2;
	v4 =	vadd.s32 v1, v4;
	_ =	sdelay $0x1  }
0xfd: {  	v3 =	vadd.s32 v1, v3;
	_ =	sdelay $0x2  }
0xfe: {  	[tilespmem:s26], [sflag:$0x1] =	stream.indirect_vreg.gather [hbm4b:s3+s2], $0x80, v4, vm0, $0xb8;
	[tilespmem:$0x10100] =	vst v63  }
0xff: {  	_ = 	snop  }
0x100: {  	[tilespmem:s28], [sflag:$0x1] =	stream.indirect_vreg.gather [hbm4b:s3+s2], $0x80, v3, vm0, $0xb8;
	[tilespmem:$0x10100] =	vst v63  }
0x101: {  	v3 =	vld [tilespmem:$0x40];
	_ =	sdelay $0x4  }
0x102: {  	v52 =	vshll.u32 v3, $0x1  }
0x103: {  	v3 =	vand.u32 $0x7, v3;
	v4 =	vand.u32 $0xFFFFFFF0, v52  }
0x104: {  	v3 =	vor.u32 v3, v4  }
0x105: {  	v4 =	vperm.xlane v3, v0;
	_ =	sdelay $0x1  }
0x106: {  	v3 =	vperm.xlane v3, v2;
	v4 =	vadd.s32 v1, v4;
	_ =	sdelay $0x1  }
0x107: {  	v3 =	vadd.s32 v1, v3;
	_ =	sdelay $0x2  }
0x108: {  	[tilespmem:s29], [sflag:$0x1] =	stream.indirect_vreg.gather [hbm4b:s3+s2], $0x80, v4, vm0, $0xb8;
	[tilespmem:$0x10100] =	vst v63  }
0x109: {  	_ = 	snop  }
0x10a: {  	[tilespmem:s30], [sflag:$0x1] =	stream.indirect_vreg.gather [hbm4b:s3+s2], $0x80, v3, vm0, $0xb8;
	[tilespmem:$0x10100] =	vst v63  }
0x10b: {  	v3 =	vld [tilespmem:$0x50];
	_ =	sdelay $0x4  }
0x10c: {  	v53 =	vshll.u32 v3, $0x1  }
0x10d: {  	v3 =	vand.u32 $0x7, v3;
	v4 =	vand.u32 $0xFFFFFFF0, v53  }
0x10e: {  	v3 =	vor.u32 v3, v4  }
0x10f: {  	v4 =	vperm.xlane v3, v0;
	_ =	sdelay $0x1  }
0x110: {  	v3 =	vperm.xlane v3, v2;
	v4 =	vadd.s32 v1, v4;
	_ =	sdelay $0x1  }
0x111: {  	v3 =	vadd.s32 v1, v3;
	_ =	sdelay $0x2  }
0x112: {  	[tilespmem:s31], [sflag:$0x1] =	stream.indirect_vreg.gather [hbm4b:s3+s2], $0x80, v4, vm0, $0xb8;
	[tilespmem:$0x10100] =	vst v63  }
0x113: {  	_ = 	snop  }
0x114: {  	[tilespmem:s6], [sflag:$0x1] =	stream.indirect_vreg.gather [hbm4b:s3+s2], $0x80, v3, vm0, $0xb8;
	[tilespmem:$0x10100] =	vst v63  }
0x115: {  	v3 =	vld [tilespmem:$0x60];
	_ =	sdelay $0x4  }
0x116: {  	v54 =	vshll.u32 v3, $0x1  }
0x117: {  	v3 =	vand.u32 $0x7, v3;
	v4 =	vand.u32 $0xFFFFFFF0, v54  }
0x118: {  	v3 =	vor.u32 v3, v4  }
0x119: {  	v4 =	vperm.xlane v3, v0;
	_ =	sdelay $0x1  }
0x11a: {  	v3 =	vperm.xlane v3, v2;
	v4 =	vadd.s32 v1, v4;
	_ =	sdelay $0x1  }
0x11b: {  	v3 =	vadd.s32 v1, v3;
	_ =	sdelay $0x2  }
0x11c: {  	[tilespmem:s1], [sflag:$0x1] =	stream.indirect_vreg.gather [hbm4b:s3+s2], $0x80, v4, vm0, $0xb8;
	[tilespmem:$0x10100] =	vst v63  }
0x11d: {  	_ = 	snop  }
0x11e: {  	[tilespmem:s7], [sflag:$0x1] =	stream.indirect_vreg.gather [hbm4b:s3+s2], $0x80, v3, vm0, $0xb8;
	[tilespmem:$0x10100] =	vst v63  }
0x11f: {  	v3 =	vld [tilespmem:$0x70];
	_ =	sdelay $0x4  }
0x120: {  	v55 =	vshll.u32 v3, $0x1  }
0x121: {  	v3 =	vand.u32 $0x7, v3;
	v4 =	vand.u32 $0xFFFFFFF0, v55  }
0x122: {  	v3 =	vor.u32 v3, v4  }
0x123: {  	v4 =	vperm.xlane v3, v0;
	_ =	sdelay $0x1  }
0x124: {  	v3 =	vperm.xlane v3, v2;
	v4 =	vadd.s32 v1, v4;
	_ =	sdelay $0x1  }
0x125: {  	v3 =	vadd.s32 v1, v3;
	_ =	sdelay $0x2  }
0x126: {  	[tilespmem:s8], [sflag:$0x1] =	stream.indirect_vreg.gather [hbm4b:s3+s2], $0x80, v4, vm0, $0xb8;
	[tilespmem:$0x10100] =	vst v63  }
0x127: {  	_ = 	snop  }
0x128: {  	[tilespmem:s9], [sflag:$0x1] =	stream.indirect_vreg.gather [hbm4b:s3+s2], $0x80, v3, vm0, $0xb8;
	[tilespmem:$0x10100] =	vst v63  }
0x129: {  	_ =	swait.ge [sflag:s0], $0x8000  }
0x12a: {  	[sflag:s0] =	ssyncset.done $0x0  }
0x12b: {  	s14 =	rddreg [dreg:$0x8];
	[sflag:s0] =	ssyncadd.s32 $0xFFFF8000  }
0x12c: {  	[hbm4b:s14+s2] =	stream.linear.scatter [tilespmem:s24], [sflag:$0x3], $0x8000, $0x38;
	[tilespmem:$0x10100] =	vst v63  }
0x12d: {  	_ =	swait.ge [sflag:s16], $0x8000  }
0x12e: {  	[sflag:s16] =	ssyncset.done $0x0  }
0x12f: {  	s14 =	simm.s32 $0x80;
	s0 =	rddreg [dreg:$0x9];
	[sflag:s16] =	ssyncadd.s32 $0xFFFF8000  }
0x130: {  	[tilespmem:s14], [sflag:$0x5] =	stream.linear.gather [hbm4b:s0+s2], $0x80, $0x38;
	[tilespmem:$0x10100] =	vst v63  }
0x131: {  	_ =	swait.ge [sflag:s5], $0x80  }
0x132: {  	[sflag:s5] =	ssyncset.done $0x0  }
0x133: {  	[sflag:s5] =	ssyncadd.s32 $0xFFFFFF80  }
0x134: {  	v3 =	vld [tilespmem:$0x80];
	_ =	sdelay $0x4  }
0x135: {  	v56 =	vshll.u32 v3, $0x1  }
0x136: {  	v3 =	vand.u32 $0x7, v3;
	v4 =	vand.u32 $0xFFFFFFF0, v56  }
0x137: {  	v3 =	vor.u32 v3, v4  }
0x138: {  	v4 =	vperm.xlane v3, v0;
	_ =	sdelay $0x1  }
0x139: {  	v3 =	vperm.xlane v3, v2;
	v4 =	vadd.s32 v1, v4;
	_ =	sdelay $0x1  }
0x13a: {  	v3 =	vadd.s32 v1, v3;
	_ =	sdelay $0x2  }
0x13b: {  	[tilespmem:s22], [sflag:$0x2] =	stream.indirect_vreg.gather [hbm4b:s3+s2], $0x80, v4, vm0, $0xb8;
	[tilespmem:$0x10100] =	vst v63  }
0x13c: {  	_ = 	snop  }
0x13d: {  	[tilespmem:s18], [sflag:$0x2] =	stream.indirect_vreg.gather [hbm4b:s3+s2], $0x80, v3, vm0, $0xb8;
	[tilespmem:$0x10100] =	vst v63  }
0x13e: {  	v3 =	vld [tilespmem:$0x90];
	_ =	sdelay $0x4  }
0x13f: {  	v57 =	vshll.u32 v3, $0x1  }
0x140: {  	v3 =	vand.u32 $0x7, v3;
	v4 =	vand.u32 $0xFFFFFFF0, v57  }
0x141: {  	v3 =	vor.u32 v3, v4  }
0x142: {  	v4 =	vperm.xlane v3, v0;
	_ =	sdelay $0x1  }
0x143: {  	v3 =	vperm.xlane v3, v2;
	v4 =	vadd.s32 v1, v4;
	_ =	sdelay $0x1  }
0x144: {  	v3 =	vadd.s32 v1, v3;
	_ =	sdelay $0x2  }
0x145: {  	[tilespmem:s11], [sflag:$0x2] =	stream.indirect_vreg.gather [hbm4b:s3+s2], $0x80, v4, vm0, $0xb8;
	[tilespmem:$0x10100] =	vst v63  }
0x146: {  	_ = 	snop  }
0x147: {  	[tilespmem:s12], [sflag:$0x2] =	stream.indirect_vreg.gather [hbm4b:s3+s2], $0x80, v3, vm0, $0xb8;
	[tilespmem:$0x10100] =	vst v63  }
0x148: {  	v3 =	vld [tilespmem:$0xA0];
	_ =	sdelay $0x4  }
0x149: {  	v58 =	vshll.u32 v3, $0x1  }
0x14a: {  	v3 =	vand.u32 $0x7, v3;
	v4 =	vand.u32 $0xFFFFFFF0, v58  }
0x14b: {  	v3 =	vor.u32 v3, v4  }
0x14c: {  	v4 =	vperm.xlane v3, v0;
	_ =	sdelay $0x1  }
0x14d: {  	v3 =	vperm.xlane v3, v2;
	v4 =	vadd.s32 v1, v4;
	_ =	sdelay $0x1  }
0x14e: {  	v3 =	vadd.s32 v1, v3;
	_ =	sdelay $0x2  }
0x14f: {  	[tilespmem:s13], [sflag:$0x2] =	stream.indirect_vreg.gather [hbm4b:s3+s2], $0x80, v4, vm0, $0xb8;
	[tilespmem:$0x10100] =	vst v63  }
0x150: {  	_ = 	snop  }
0x151: {  	[tilespmem:s15], [sflag:$0x2] =	stream.indirect_vreg.gather [hbm4b:s3+s2], $0x80, v3, vm0, $0xb8;
	[tilespmem:$0x10100] =	vst v63  }
0x152: {  	v3 =	vld [tilespmem:$0xB0];
	_ =	sdelay $0x4  }
0x153: {  	v59 =	vshll.u32 v3, $0x1  }
0x154: {  	v3 =	vand.u32 $0x7, v3;
	v4 =	vand.u32 $0xFFFFFFF0, v59  }
0x155: {  	v3 =	vor.u32 v3, v4  }
0x156: {  	v4 =	vperm.xlane v3, v0;
	_ =	sdelay $0x1  }
0x157: {  	v3 =	vperm.xlane v3, v2;
	v4 =	vadd.s32 v1, v4;
	_ =	sdelay $0x1  }
0x158: {  	v3 =	vadd.s32 v1, v3;
	_ =	sdelay $0x1  }
0x159: {  	s14 =	simm.s32 $0xB100  }
0x15a: {  	[tilespmem:s14], [sflag:$0x2] =	stream.indirect_vreg.gather [hbm4b:s3+s2], $0x80, v4, vm0, $0xb8;
	[tilespmem:$0x10100] =	vst v63  }
0x15b: {  	s17 =	simm.s32 $0xB900  }
0x15c: {  	[tilespmem:s17], [sflag:$0x2] =	stream.indirect_vreg.gather [hbm4b:s3+s2], $0x80, v3, vm0, $0xb8;
	[tilespmem:$0x10100] =	vst v63  }
0x15d: {  	v3 =	vld [tilespmem:$0xC0];
	_ =	sdelay $0x4  }
0x15e: {  	v60 =	vshll.u32 v3, $0x1  }
0x15f: {  	v3 =	vand.u32 $0x7, v3;
	v4 =	vand.u32 $0xFFFFFFF0, v60  }
0x160: {  	v3 =	vor.u32 v3, v4  }
0x161: {  	v4 =	vperm.xlane v3, v0;
	_ =	sdelay $0x1  }
0x162: {  	v3 =	vperm.xlane v3, v2;
	v4 =	vadd.s32 v1, v4;
	_ =	sdelay $0x1  }
0x163: {  	v3 =	vadd.s32 v1, v3;
	_ =	sdelay $0x1  }
0x164: {  	s18 =	simm.s32 $0xC100  }
0x165: {  	[tilespmem:s18], [sflag:$0x2] =	stream.indirect_vreg.gather [hbm4b:s3+s2], $0x80, v4, vm0, $0xb8;
	[tilespmem:$0x10100] =	vst v63  }
0x166: {  	s11 =	simm.s32 $0xC900  }
0x167: {  	[tilespmem:s11], [sflag:$0x2] =	stream.indirect_vreg.gather [hbm4b:s3+s2], $0x80, v3, vm0, $0xb8;
	[tilespmem:$0x10100] =	vst v63  }
0x168: {  	v3 =	vld [tilespmem:$0xD0];
	_ =	sdelay $0x4  }
0x169: {  	v61 =	vshll.u32 v3, $0x1  }
0x16a: {  	v3 =	vand.u32 $0x7, v3;
	v4 =	vand.u32 $0xFFFFFFF0, v61  }
0x16b: {  	v3 =	vor.u32 v3, v4  }
0x16c: {  	v4 =	vperm.xlane v3, v0;
	_ =	sdelay $0x1  }
0x16d: {  	v3 =	vperm.xlane v3, v2;
	v4 =	vadd.s32 v1, v4;
	_ =	sdelay $0x1  }
0x16e: {  	v3 =	vadd.s32 v1, v3;
	_ =	sdelay $0x1  }
0x16f: {  	s14 =	simm.s32 $0xD100  }
0x170: {  	[tilespmem:s14], [sflag:$0x2] =	stream.indirect_vreg.gather [hbm4b:s3+s2], $0x80, v4, vm0, $0xb8;
	[tilespmem:$0x10100] =	vst v63  }
0x171: {  	s17 =	simm.s32 $0xD900  }
0x172: {  	[tilespmem:s17], [sflag:$0x2] =	stream.indirect_vreg.gather [hbm4b:s3+s2], $0x80, v3, vm0, $0xb8;
	[tilespmem:$0x10100] =	vst v63  }
0x173: {  	v3 =	vld [tilespmem:$0xE0];
	_ =	sdelay $0x4  }
0x174: {  	v62 =	vshll.u32 v3, $0x1  }
0x175: {  	v3 =	vand.u32 $0x7, v3;
	v4 =	vand.u32 $0xFFFFFFF0, v62  }
0x176: {  	v3 =	vor.u32 v3, v4  }
0x177: {  	v4 =	vperm.xlane v3, v0;
	_ =	sdelay $0x1  }
0x178: {  	v3 =	vperm.xlane v3, v2;
	v4 =	vadd.s32 v1, v4;
	_ =	sdelay $0x1  }
0x179: {  	v3 =	vadd.s32 v1, v3;
	_ =	sdelay $0x1  }
0x17a: {  	s18 =	simm.s32 $0xE100  }
0x17b: {  	[tilespmem:s18], [sflag:$0x2] =	stream.indirect_vreg.gather [hbm4b:s3+s2], $0x80, v4, vm0, $0xb8;
	[tilespmem:$0x10100] =	vst v63  }
0x17c: {  	s11 =	simm.s32 $0xE900  }
0x17d: {  	[tilespmem:s11], [sflag:$0x2] =	stream.indirect_vreg.gather [hbm4b:s3+s2], $0x80, v3, vm0, $0xb8;
	[tilespmem:$0x10100] =	vst v63  }
0x17e: {  	v3 =	vld [tilespmem:$0xF0];
	_ =	sdelay $0x4  }
0x17f: {  	v63 =	vshll.u32 v3, $0x1  }
0x180: {  	v3 =	vand.u32 $0x7, v3;
	v4 =	vand.u32 $0xFFFFFFF0, v63  }
0x181: {  	v3 =	vor.u32 v3, v4  }
0x182: {  	v4 =	vperm.xlane v3, v0;
	_ =	sdelay $0x1  }
0x183: {  	v3 =	vperm.xlane v3, v2;
	v4 =	vadd.s32 v1, v4;
	_ =	sdelay $0x1  }
0x184: {  	v3 =	vadd.s32 v1, v3;
	_ =	sdelay $0x1  }
0x185: {  	s14 =	simm.s32 $0xF100  }
0x186: {  	[tilespmem:s14], [sflag:$0x2] =	stream.indirect_vreg.gather [hbm4b:s3+s2], $0x80, v4, vm0, $0xb8;
	[tilespmem:$0x10100] =	vst v63  }
0x187: {  	s17 =	simm.s32 $0xF900  }
0x188: {  	[tilespmem:s17], [sflag:$0x2] =	stream.indirect_vreg.gather [hbm4b:s3+s2], $0x80, v3, vm0, $0xb8;
	[tilespmem:$0x10100] =	vst v63  }
0x189: {  	_ =	swait.ge [sflag:s10], $0x8000  }
0x18a: {  	p0 =	sne.s32 s4, $0x1;
	[sflag:s10] =	ssyncset.done $0x0  }
.Ltmp0:
0x18b: {  	s18 =	rddreg [dreg:$0xa];
	[sflag:s10] =	ssyncadd.s32 $0xFFFF8000;
	(pc) =	sbr.rel @p0 .LBB2_1-.Ltmp0, $4  }
0x18c: {  	[hbm4b:s18+s2] =	stream.linear.scatter [tilespmem:s22], [sflag:$0x4], $0x8000, $0x38;
	[tilespmem:$0x10100] =	vst v63  }
0x18d: {  	_ =	swait.ge [sflag:s16], $0x8000  }
0x18e: {  	[sflag:s16] =	ssyncset.done $0x0  }
0x18f: {  	s4 =	sadd.s32 $0xFFFFFFFF, s4;
	[sflag:s16] =	ssyncadd.s32 $0xFFFF8000  }
0x190: {  	_ =	sfence.sel $0x180000  }
0x191: {  	[bflag:$0x0] =	sbarrier.arrive $0xFFFF  }
0x192: {  	_ =	strace $0x90000047  }
0x193: {  	s0 =	stileid.u32;
	[bflag:$0x2] =	sbarrier.arrive $0xFFFF  }
0x194: {  	p0 =	sne.s32 s0, $0x0;
	s0 =	rddreg [dreg:$0x2]  }
0x195: {  	s0 =	sadd.s32 @!p0 $0x100000, s0  }
0x196: {  	[sflag:s0] =	ssyncadd.tile.s32 @!p0 $0x1;
	_ =	shalt  }
.Lfunc_end2:
_tile_overlayer_lowered:
.L_overlay_start_2:
0x197: {  	(tag) =	ssettag $0x2  }
0x198: {  	s0 =	rddreg [dreg:$0x0];
	s2 =	stileid.u32  }
0x199: {  	s1 =	rddreg [dreg:$0x1];
	p0 =	sne.s32 s2, $0x0  }
0x19a: {  	s3 =	rddreg [dreg:$0x2];
	[bflag:$0x3] =	sbarrier.arrive $0xFFFF;
	s2 =	simm.s32 @!p0 $0x1C05  }
0x19b: {  	[timem:s3], [sflag:s2] =	dma.local @!p0 [hbm:s0], s1  }
0x19c: {  	s0 =	simm.s32 @!p0 $0x5  }
0x19d: {  	_ =	swait.ge @!p0 [sflag:s0], s1  }
0x19e: {  	s1 =	ssub.s32 @!p0 $0x0, s1;
	[sflag:s0] =	ssyncset.done @!p0 $0x0  }
0x19f: {  	[sflag:s0] =	ssyncadd.s32 @!p0 s1  }
0x1a0: {  	[bflag:$0x3] =	sbarrier.arrive $0xFFFF  }
0x1a1: {  	_ =	shalt  }

// kernel: kernel.8.cloned.1.call-start
scs
__scs_entry_jumppad:
0x0: {  	(pc) =	sbr.rel $0x88, $3  }
0x1: {  	(tag) =	ssettag $0x0;
	lr =	simm.s32 $0x1  }
0x2: {  	[smem:$0x3F86] =	sst lr;
	_ =	strace $0xD0000000  }
0x3: {  	_ = 	snop  }
0x4: {  	_ = 	snop  }
0x5: {  	_ = 	snop  }
0x6: {  	_ = 	snop  }
0x7: {  	_ = 	snop  }
__scs_overlays_trampoline_lowered:
0x8: {  	[smem:$0x3F95] =	sst s0  }
0x9: {  	[smem:$0x3F96] =	sst s1  }
0xa: {  	[smem:$0x3F97] =	sst s2  }
0xb: {  	[smem:$0x3F98] =	sst s3  }
0xc: {  	[smem:$0x3F99] =	sst s4  }
0xd: {  	[smem:$0x3F9A] =	sst s5  }
0xe: {  	[smem:$0x3F9B] =	sst s6  }
0xf: {  	[smem:$0x3F9C] =	sst s7  }
0x10: {  	[smem:$0x3F9D] =	sst s8  }
0x11: {  	[smem:$0x3F9E] =	sst s9;
	s0 =	simm.s32 @!p0 $0x0  }
0x12: {  	s1 =	sld [smem:$0x3F84];
	s0 =	simm.s32 @p0 $0x1  }
0x13: {  	[smem:$0x3F9F] =	sst s0;
	s0 =	simm.s32 @!p1 $0x0  }
0x14: {  	s2 =	sld [smem:$0x3F83];
	s0 =	simm.s32 @p1 $0x1  }
0x15: {  	[smem:$0x3FA0] =	sst s0;
	s0 =	simm.s32 @!p2 $0x0  }
0x16: {  	s3 =	sld [smem:$0x3FDB];
	s0 =	simm.s32 @p2 $0x1  }
0x17: {  	s4 =	simm.s32 $0x1BF5;
	[smem:$0x3FA2] =	sst s0  }
0x18: {  	s0 =	sld [smem:$0x3F85];
	_ =	swait.ge [sflag:s4], $0x0  }
0x19: {  	s7 =	sld [smem:$0x3F86]  }
0x1a: {  	s8 =	sadd.s32 $0xFFFFE003, lr  }
0x1b: {  	s9 =	sadd.s32 $0xFFFFFEF7, lr;
	s5 =	simm.s32 $0xFFFFFFFF;
	p2 =	slt.u32 s8, $0xFFFFF086  }
0x1c: {  	p1 =	slt.u32 s9, $0xF7A;
	s5 =	simm.s32 @!p2 $0x0  }
0x1d: {  	s5 =	simm.s32 @p1 $0x1;
	p0 =	seq.s32 s7, s2  }
0x1e: {  	s7 =	smul.u32 @!p0 $0xF7A, s2;
	p2 =	seq.s32 @!p0 s5, $0x0  }
0x1f: {  	s9 =	smul.u32 $0xF7A, s1;
	s8 =	simm.s32 @!p0 $0x1BF5;
	p2 =	por !p2, p0  }
0x20: {  	[sflag:s8] =	ssyncset.s32 @!p0 $0xFFFFF086;
	s6 =	sadd.s32 @!p0 s3, s7;
	s7 =	simm.s32 @!p0 $0x108  }
0x21: {  	s3 =	sadd.s32 s3, s9;
	s6 =	sadd.s32 @!p0 $0x88, s6;
	s7 =	simm.s32 @p2 $0x1082  }
0x22: {  	[simem:s7], [sflag:s8] =	dma.local @!p0 [hbm:s6], $0xF7A  }
0x23: {  	s9 =	sor.u32 $0xD0000000, s2;
	s6 =	simm.s32 $0x108;
	_ =	swait.ge @!p0 [sflag:s8], $0x0  }
0x24: {  	s3 =	sadd.s32 $0x88, s3;
	s6 =	simm.s32 @!p1 $0x1082;
	[sflag:s4] =	ssyncset.s32 $0xFFFFF086  }
0x25: {  	[simem:s6], [sflag:s4] =	dma.local [hbm:s3], $0xF7A  }
0x26: {  	[smem:$0x3F86] =	sst s1;
	(tag) =	ssettag s2;
	_ =	strace s9  }
0x27: {  	s1 =	sld [smem:$0x3F96]  }
0x28: {  	s2 =	sld [smem:$0x3F97]  }
0x29: {  	s4 =	sld [smem:$0x3F99]  }
0x2a: {  	p0 =	seq.s32 s5, $0x0;
	s5 =	sld [smem:$0x3F9A]  }
0x2b: {  	s6 =	sld [smem:$0x3F9B]  }
0x2c: {  	s7 =	sld [smem:$0x3F9C]  }
0x2d: {  	s3 =	simm.s32 $0x108;
	s8 =	sld [smem:$0x3F9D]  }
0x2e: {  	s3 =	simm.s32 @!p0 $0x1082;
	s9 =	sld [smem:$0x3F9E]  }
0x2f: {  	lr =	sadd.s32 s0, s3;
	s0 =	sld [smem:$0x3F95]  }
0x30: {  	s3 =	sld [smem:$0x3F98]  }
0x31: {  	[smem:$0x3FA1] =	sst s10  }
0x32: {  	s10 =	sld [smem:$0x3F9F];
	_ =	sdelay $0x3  }
0x33: {  	p0 =	seq.s32 s10, $0x1;
	s10 =	sld [smem:$0x3FA1];
	_ =	sdelay $0x3  }
0x34: {  	[smem:$0x3FA1] =	sst s10  }
0x35: {  	s10 =	sld [smem:$0x3FA0];
	_ =	sdelay $0x3  }
0x36: {  	p1 =	seq.s32 s10, $0x1;
	s10 =	sld [smem:$0x3FA1];
	_ =	sdelay $0x3  }
0x37: {  	[smem:$0x3FA1] =	sst s10  }
0x38: {  	s10 =	sld [smem:$0x3FA2]  }
0x39: {  	_ = 	snop;
	(pc) =	sbr.ind lr, $3  }
0x3a: {  	_ = 	snop  }
0x3b: {  	_ = 	snop  }
0x3c: {  	p2 =	seq.s32 s10, $0x1;
	s10 =	sld [smem:$0x3FA1]  }
0x3d: {  	_ =	shalt  }
0x3e: {  	_ =	shalt  }
0x3f: {  	_ =	shalt  }
0x40: {  	_ =	shalt  }
0x41: {  	_ =	shalt  }
0x42: {  	_ =	shalt  }
0x43: {  	_ =	shalt  }
0x44: {  	_ =	shalt  }
0x45: {  	_ =	shalt  }
0x46: {  	_ =	shalt  }
0x47: {  	_ =	shalt  }
0x48: {  	_ =	shalt  }
0x49: {  	_ =	shalt  }
0x4a: {  	_ =	shalt  }
0x4b: {  	_ =	shalt  }
0x4c: {  	_ =	shalt  }
0x4d: {  	_ =	shalt  }
0x4e: {  	_ =	shalt  }
0x4f: {  	_ =	shalt  }
0x50: {  	_ =	shalt  }
0x51: {  	_ =	shalt  }
0x52: {  	_ =	shalt  }
0x53: {  	_ =	shalt  }
0x54: {  	_ =	shalt  }
0x55: {  	_ =	shalt  }
0x56: {  	_ =	shalt  }
0x57: {  	_ =	shalt  }
0x58: {  	_ =	shalt  }
0x59: {  	_ =	shalt  }
0x5a: {  	_ =	shalt  }
0x5b: {  	_ =	shalt  }
0x5c: {  	_ =	shalt  }
0x5d: {  	_ =	shalt  }
0x5e: {  	_ =	shalt  }
0x5f: {  	_ =	shalt  }
0x60: {  	_ =	shalt  }
0x61: {  	_ =	shalt  }
0x62: {  	_ =	shalt  }
0x63: {  	_ =	shalt  }
0x64: {  	_ =	shalt  }
0x65: {  	_ =	shalt  }
0x66: {  	_ =	shalt  }
0x67: {  	_ =	shalt  }
0x68: {  	_ =	shalt  }
0x69: {  	_ =	shalt  }
0x6a: {  	_ =	shalt  }
0x6b: {  	_ =	shalt  }
0x6c: {  	_ =	shalt  }
0x6d: {  	_ =	shalt  }
0x6e: {  	_ =	shalt  }
0x6f: {  	_ =	shalt  }
0x70: {  	_ =	shalt  }
0x71: {  	_ =	shalt  }
0x72: {  	_ =	shalt  }
0x73: {  	_ =	shalt  }
0x74: {  	_ =	shalt  }
0x75: {  	_ =	shalt  }
0x76: {  	_ =	shalt  }
0x77: {  	_ =	shalt  }
0x78: {  	_ =	shalt  }
0x79: {  	_ =	shalt  }
0x7a: {  	_ =	shalt  }
0x7b: {  	_ =	shalt  }
0x7c: {  	_ =	shalt  }
0x7d: {  	_ =	shalt  }
0x7e: {  	_ =	shalt  }
0x7f: {  	_ =	shalt  }
0x80: {  	_ =	shalt  }
0x81: {  	_ =	shalt  }
0x82: {  	_ =	shalt  }
0x83: {  	_ =	shalt  }
0x84: {  	_ =	shalt  }
0x85: {  	_ =	shalt  }
0x86: {  	_ =	shalt  }
0x87: {  	_ =	shalt  }
.Lfunc_end0:
.L_simem_size_0:
called_computation_lowered:
.L_overlay_start_0:
0x88: {  	s2 =	sld [smem:$0x3FD9]  }
0x89: {  	s3 =	sld [smem:$0x3FFE];
	_ =	sdelay $0x1  }
0x8a: {  	s1 =	srdreg.scid  }
0x8b: {  	s0 =	sand.u32 $0x1, s1  }
0x8c: {  	s17 =	sshll.u32 s0, $0xA;
	s2 =	sadd.s32 s3, s2  }
0x8d: {  	s2 =	sadd.s32 s2, s17  }
0x8e: {  	[smem:$0x3FAD] =	sst s2  }
0x8f: {  	_ = 	snop  }
0x90: {  	(tm) =	ssettm $0x1  }
0x91: {  	s18 =	sld [smem:$0x3FFB];
	_ =	sdelay $0x3  }
0x92: {  	_ =	strace s18  }
0x93: {  	s2 =	sld [smem:$0x3FFC];
	_ =	sdelay $0x3  }
0x94: {  	_ =	strace s2  }
0x95: {  	s2 =	sld [smem:$0x3FFD];
	_ =	sdelay $0x3  }
0x96: {  	_ =	strace s2  }
0x97: {  	_ =	strace $0x8FFFFFFF  }
0x98: {  	s19 =	sld [smem:$0x3FDB];
	_ =	sdelay $0x1  }
0x99: {  	s20 =	simm.s32 $_scs_section_size  }
0x9a: {  	s4 =	simm.s32 $_size__tile_overlayer_lowered;
	s5 =	simm.s32 $_tile_overlayer_lowered  }
0x9b: {  	s6 =	simm.s32 $0x1BFF;
	s21 =	sshll.u32 s5, $0x1;
	s3 =	sadd.s32 s20, s19  }
0x9c: {  	s22 =	simm.s32 $0x0;
	s4 =	sshll.u32 s4, $0x1;
	s5 =	sadd.s32 s21, s3  }
0x9d: {  	[timem:s22], [sflag:s6] =	dma.local [hbm:s5], s4  }
0x9e: {  	_ =	swait.ge [sflag:s6], s4  }
0x9f: {  	s4 =	ssub.s32 $0x0, s4;
	[sflag:s6] =	ssyncset.done $0x0  }
0xa0: {  	[sflag:s6] =	ssyncadd.s32 s4;
	_ =	sdelay $0x1  }
0xa1: {  	s23 =	simm.s32 $0x1B8B  }
0xa2: {  	_ =	swait.ge [sflag:s23], $0x1  }
0xa3: {  	[sflag:s23] =	ssyncset.done $0x0  }
0xa4: {  	[sflag:s23] =	ssyncadd.s32 $0xFFFFFFFF  }
0xa5: {  	s4 =	sld [smem:$0x0]  }
0xa6: {  	s5 =	sand.u32 $0xFFFFFFFE, s1  }
0xa7: {  	p0 =	sne.s32 s1, s5  }
0xa8: {  	s5 =	sshll.u32 @p0 s5, $0xE  }
0xa9: {  	s5 =	sadd.s32 @p0 $0x11B8D, s5;
	s6 =	sshll.u32 @p0 s4, $0x11  }
0xaa: {  	s5 =	sor.u32 @p0 s6, s5  }
0xab: {  	[sflag:s5] =	ssyncadd.remote.s32 @p0 $0x1;
	_ =	sdelay $0x1  }
0xac: {  	s5 =	simm.s32 @p0 $0x1B8D  }
0xad: {  	_ =	swait.eq @p0 [sflag:s5], $0x1  }
0xae: {  	[sflag:s5] =	ssyncadd.s32 @p0 $0xFFFFFFFF  }
0xaf: {  	s6 =	sshll.u32 @!p0 s1, $0xE  }
0xb0: {  	s6 =	sor.u32 @!p0 $0x4000, s6;
	s5 =	simm.s32 @!p0 $0x1B8D  }
0xb1: {  	s4 =	sshll.u32 @!p0 s4, $0x11;
	s6 =	sadd.s32 @!p0 $0x11B8D, s6;
	_ =	swait.eq @!p0 [sflag:s5], $0x1  }
0xb2: {  	s4 =	sor.u32 @!p0 s4, s6;
	[sflag:s5] =	ssyncadd.s32 @!p0 $0xFFFFFFFF  }
0xb3: {  	s25 =	simm.s32 $0x1B8E;
	s24 =	sld [smem:$0x3FFE];
	[sflag:s4] =	ssyncadd.remote.s32 @!p0 $0x1  }
0xb4: {  	s26 =	simm.s32 $execute0_lowered;
	[smem:$0x3FD2] =	sst s25  }
0xb5: {  	s5 =	sshll.u32 s26, $0x1;
	_ =	strace $0x80000049;
	[dreg:$0x1] =	wrdreg $0xFFFFFFFF  }
0xb6: {  	s28 =	simm.s32 $_size_execute0_lowered;
	s3 =	sadd.s32 s3, s5;
	[dreg:$0x0] =	wrdreg $0x0  }
0xb7: {  	s5 =	sshll.u32 s28, $0x1;
	[dreg:$0x2] =	wrdreg s3  }
0xb8: {  	[dreg:$0x3] =	wrdreg s5  }
0xb9: {  	[dreg:$0x4] =	wrdreg $0xC0  }
0xba: {  	_ =	task [dreg:s22], $0x5FFFF  }
0xbb: {  	[dreg:$0x1] =	wrdreg $0xFFFFFFFF  }
0xbc: {  	[dreg:$0x0] =	wrdreg $0x60  }
0xbd: {  	[dreg:$0x2] =	wrdreg s24  }
0xbe: {  	[dreg:$0x3] =	wrdreg $0x9  }
0xbf: {  	_ =	task.clear_ibuf [dreg:s22], $0x4FFFF;
	_ =	strace $0x90000049  }
0xc0: {  	s29 =	simm.s32 $0x9;
	_ =	strace $0x8000004B  }
0xc1: {  	_ =	swait.ge [sflag:s29], $0x1  }
0xc2: {  	[sflag:s29] =	ssyncadd.s32 $0xFFFFFFFF  }
0xc3: {  	_ =	strace $0x9000004B  }
0xc4: {  	_ =	sfence  }
0xc5: {  	s30 =	sld [smem:$0x0];
	_ =	sdelay $0x2  }
0xc6: {  	s31 =	sshll.u32 s1, $0xD;
	s1 =	sshrl.u32 s1, $0x2  }
0xc7: {  	s4 =	sand.u32 $0x4000, s31;
	s1 =	sadd.s32 s1, s30  }
0xc8: {  	s0 =	sor.u32 s4, s0;
	s1 =	sshll.u32 s1, $0x11  }
0xc9: {  	s0 =	sor.u32 s1, s0  }
0xca: {  	s0 =	sadd.s32 $0x8F2B, s0  }
0xcb: {  	[sflag:s0] =	ssyncadd.remote.s32 $0x1  }
0xcc: {  	_ =	sfence.sel $0xFFFF  }
0xcd: {  	[dreg:$0x0] =	wrdreg $0xFFFFFFFF;
	(pc) =	sbr.abs _section_cstart, $3  }
0xce: {  	[dreg:$0x1] =	wrdreg $0xFFFFFFFF  }
0xcf: {  	_ =	task.clear_ibuf [dreg:s22], $0x2FFFF;
	_ =	strace $0x9FFFFFFF  }
0xd0: {  	(tm) =	ssettm $0x7FFFFFFF  }
0xd1: {  	_ =	shalt  }
tec
execute0_lowered:
.L_overlay_start_1:
0x0: {  	(tag) =	ssettag $0x1  }
0x1: {  	s0 =	rddreg [dreg:$0x0]  }
0x2: {  	s1 =	srdreg.scid;
	s2 =	simm.s32 $0x0;
	s3 =	stileid.u32  }
0x3: {  	s10 =	simm.s32 $0x2;
	s28 =	simm.s32 $0x3900;
	s29 =	simm.s32 $0x4100  }
0x4: {  	s30 =	simm.s32 $0x4900;
	s31 =	simm.s32 $0x5100;
	s9 =	simm.s32 $0x7900  }
0x5: {  	s12 =	simm.s32 $0x9900;
	s13 =	simm.s32 $0xA100;
	s1 =	sand.u32 $0x1, s1  }
0x6: {  	[smem:$0x7FF] =	sst s2;
	s3 =	sshll.u32 s3, $0xA;
	s14 =	sadd.s32 $0xA4000, s0  }
0x7: {  	s5 =	sadd.s32 $0xA4800, s0;
	s4 =	sshll.u32 s1, $0x9;
	s1 =	ssub.s32 $0x2, s1  }
0x8: {  	_ =	strace $0x8000004A;
	s3 =	sor.u32 s4, s3;
	s24 =	sshrl.u32 s1, $0x1  }
0x9: {  	s6 =	sshrl.u32 s3, $0x3;
	s7 =	sshll.u32 s3, $0x5;
	s8 =	sor.u32 $0x80, s3  }
0xa: {  	s20 =	sor.u32 $0x100, s3;
	s3 =	sor.u32 $0x180, s3;
	s26 =	ssub.s32 s1, s24  }
0xb: {  	s24 =	simm.s32 $0x100;
	s1 =	simm.s32 $0x6100;
	s6 =	sadd.s32 s14, s6  }
0xc: {  	s15 =	sadd.s32 s5, s7;
	s16 =	sshrl.u32 s8, $0x3;
	s18 =	sshll.u32 s8, $0x5  }
0xd: {  	s21 =	sshrl.u32 s20, $0x3;
	s7 =	sshll.u32 s20, $0x5;
	s23 =	sshrl.u32 s3, $0x3  }
0xe: {  	s3 =	sshll.u32 s3, $0x5;
	s20 =	simm.s32 $0x1100;
	[dreg:$0x2] =	wrdreg s6  }
0xf: {  	s8 =	simm.s32 $0x7100;
	[dreg:$0x3] =	wrdreg s15;
	s17 =	sadd.s32 s14, s16  }
0x10: {  	s19 =	sadd.s32 s5, s18;
	s6 =	sadd.s32 s14, s21;
	[dreg:$0x4] =	wrdreg s17  }
0x11: {  	s22 =	sadd.s32 s5, s7;
	s4 =	sadd.s32 s14, s23;
	[dreg:$0x5] =	wrdreg s19  }
0x12: {  	s25 =	sadd.s32 s5, s3;
	s3 =	sadd.s32 $0x4000, s0;
	[dreg:$0x6] =	wrdreg s6  }
0x13: {  	s5 =	simm.s32 $0x5;
	s16 =	simm.s32 $0x4;
	[dreg:$0x7] =	wrdreg s22  }
0x14: {  	s21 =	simm.s32 $0x1900;
	s23 =	simm.s32 $0x2100;
	[dreg:$0x8] =	wrdreg s4  }
0x15: {  	v2 =	vlaneseq.u32;
	s7 =	simm.s32 $0x6900;
	s15 =	simm.s32 $0xA900;
	[dreg:$0x9] =	wrdreg s25  }
0x16: {  	vm0 =	vmmov $0xffff;
	v1 =	vshrl.u32 v2, $0x3;
	s4 =	smax.u32 s26, $0x1;
	s19 =	simm.s32 $0x900;
	s25 =	simm.s32 $0x2900  }
0x17: {  	v0 =	vand.u32 $0x7, v2;
	v2 =	vor.u32 $0x8, v2;
	v1 =	vmul.u32 $0x8, v1;
	s26 =	simm.s32 $0x3100;
	s6 =	simm.s32 $0x5900;
	s22 =	simm.s32 $0x8100  }
.LBB2_1:
0x18: {  	s17 =	rddreg [dreg:$0x2]  }
0x19: {  	[tilespmem:s2], [sflag:$0x5] =	stream.linear.gather [hbm4b:s17+s2], $0x80, $0x38;
	[tilespmem:$0x10100] =	vst v63  }
0x1a: {  	_ =	swait.ge [sflag:s5], $0x80  }
0x1b: {  	[sflag:s5] =	ssyncset.done $0x0  }
0x1c: {  	[sflag:s5] =	ssyncadd.s32 $0xFFFFFF80  }
0x1d: {  	v3 =	vld [tilespmem:$0x0];
	_ =	sdelay $0x4  }
0x1e: {  	v4 =	vshll.u32 v3, $0x1  }
0x1f: {  	v3 =	vand.u32 $0x7, v3;
	v4 =	vand.u32 $0xFFFFFFF0, v4  }
0x20: {  	v3 =	vor.u32 v3, v4  }
0x21: {  	v4 =	vperm.xlane v3, v0;
	_ =	sdelay $0x1  }
0x22: {  	v3 =	vperm.xlane v3, v2;
	v4 =	vadd.s32 v1, v4;
	_ =	sdelay $0x1  }
0x23: {  	v3 =	vadd.s32 v1, v3;
	_ =	sdelay $0x2  }
0x24: {  	[tilespmem:s24], [sflag:$0x1] =	stream.indirect_vreg.gather [hbm4b:s3+s2], $0x80, v4, vm0, $0xb8;
	[tilespmem:$0x10100] =	vst v63  }
0x25: {  	_ = 	snop  }
0x26: {  	[tilespmem:s19], [sflag:$0x1] =	stream.indirect_vreg.gather [hbm4b:s3+s2], $0x80, v3, vm0, $0xb8;
	[tilespmem:$0x10100] =	vst v63  }
0x27: {  	v3 =	vld [tilespmem:$0x10];
	_ =	sdelay $0x4  }
0x28: {  	v33 =	vshll.u32 v3, $0x1  }
0x29: {  	v3 =	vand.u32 $0x7, v3;
	v4 =	vand.u32 $0xFFFFFFF0, v33  }
0x2a: {  	v3 =	vor.u32 v3, v4  }
0x2b: {  	v4 =	vperm.xlane v3, v0;
	_ =	sdelay $0x1  }
0x2c: {  	v3 =	vperm.xlane v3, v2;
	v4 =	vadd.s32 v1, v4;
	_ =	sdelay $0x1  }
0x2d: {  	v3 =	vadd.s32 v1, v3;
	_ =	sdelay $0x2  }
0x2e: {  	[tilespmem:s20], [sflag:$0x1] =	stream.indirect_vreg.gather [hbm4b:s3+s2], $0x80, v4, vm0, $0xb8;
	[tilespmem:$0x10100] =	vst v63  }
0x2f: {  	_ = 	snop  }
0x30: {  	[tilespmem:s21], [sflag:$0x1] =	stream.indirect_vreg.gather [hbm4b:s3+s2], $0x80, v3, vm0, $0xb8;
	[tilespmem:$0x10100] =	vst v63  }
0x31: {  	v3 =	vld [tilespmem:$0x20];
	_ =	sdelay $0x4  }
0x32: {  	v34 =	vshll.u32 v3, $0x1  }
0x33: {  	v3 =	vand.u32 $0x7, v3;
	v4 =	vand.u32 $0xFFFFFFF0, v34  }
0x34: {  	v3 =	vor.u32 v3, v4  }
0x35: {  	v4 =	vperm.xlane v3, v0;
	_ =	sdelay $0x1  }
0x36: {  	v3 =	vperm.xlane v3, v2;
	v4 =	vadd.s32 v1, v4;
	_ =	sdelay $0x1  }
0x37: {  	v3 =	vadd.s32 v1, v3;
	_ =	sdelay $0x2  }
0x38: {  	[tilespmem:s23], [sflag:$0x1] =	stream.indirect_vreg.gather [hbm4b:s3+s2], $0x80, v4, vm0, $0xb8;
	[tilespmem:$0x10100] =	vst v63  }
0x39: {  	_ = 	snop  }
0x3a: {  	[tilespmem:s25], [sflag:$0x1] =	stream.indirect_vreg.gather [hbm4b:s3+s2], $0x80, v3, vm0, $0xb8;
	[tilespmem:$0x10100] =	vst v63  }
0x3b: {  	v3 =	vld [tilespmem:$0x30];
	_ =	sdelay $0x4  }
0x3c: {  	v35 =	vshll.u32 v3, $0x1  }
0x3d: {  	v3 =	vand.u32 $0x7, v3;
	v4 =	vand.u32 $0xFFFFFFF0, v35  }
0x3e: {  	v3 =	vor.u32 v3, v4  }
0x3f: {  	v4 =	vperm.xlane v3, v0;
	_ =	sdelay $0x1  }
0x40: {  	v3 =	vperm.xlane v3, v2;
	v4 =	vadd.s32 v1, v4;
	_ =	sdelay $0x1  }
0x41: {  	v3 =	vadd.s32 v1, v3;
	_ =	sdelay $0x2  }
0x42: {  	[tilespmem:s26], [sflag:$0x1] =	stream.indirect_vreg.gather [hbm4b:s3+s2], $0x80, v4, vm0, $0xb8;
	[tilespmem:$0x10100] =	vst v63  }
0x43: {  	_ = 	snop  }
0x44: {  	[tilespmem:s28], [sflag:$0x1] =	stream.indirect_vreg.gather [hbm4b:s3+s2], $0x80, v3, vm0, $0xb8;
	[tilespmem:$0x10100] =	vst v63  }
0x45: {  	v3 =	vld [tilespmem:$0x40];
	_ =	sdelay $0x4  }
0x46: {  	v36 =	vshll.u32 v3, $0x1  }
0x47: {  	v3 =	vand.u32 $0x7, v3;
	v4 =	vand.u32 $0xFFFFFFF0, v36  }
0x48: {  	v3 =	vor.u32 v3, v4  }
0x49: {  	v4 =	vperm.xlane v3, v0;
	_ =	sdelay $0x1  }
0x4a: {  	v3 =	vperm.xlane v3, v2;
	v4 =	vadd.s32 v1, v4;
	_ =	sdelay $0x1  }
0x4b: {  	v3 =	vadd.s32 v1, v3;
	_ =	sdelay $0x2  }
0x4c: {  	[tilespmem:s29], [sflag:$0x1] =	stream.indirect_vreg.gather [hbm4b:s3+s2], $0x80, v4, vm0, $0xb8;
	[tilespmem:$0x10100] =	vst v63  }
0x4d: {  	_ = 	snop  }
0x4e: {  	[tilespmem:s30], [sflag:$0x1] =	stream.indirect_vreg.gather [hbm4b:s3+s2], $0x80, v3, vm0, $0xb8;
	[tilespmem:$0x10100] =	vst v63  }
0x4f: {  	v3 =	vld [tilespmem:$0x50];
	_ =	sdelay $0x4  }
0x50: {  	v37 =	vshll.u32 v3, $0x1  }
0x51: {  	v3 =	vand.u32 $0x7, v3;
	v4 =	vand.u32 $0xFFFFFFF0, v37  }
0x52: {  	v3 =	vor.u32 v3, v4  }
0x53: {  	v4 =	vperm.xlane v3, v0;
	_ =	sdelay $0x1  }
0x54: {  	v3 =	vperm.xlane v3, v2;
	v4 =	vadd.s32 v1, v4;
	_ =	sdelay $0x1  }
0x55: {  	v3 =	vadd.s32 v1, v3;
	_ =	sdelay $0x2  }
0x56: {  	[tilespmem:s31], [sflag:$0x1] =	stream.indirect_vreg.gather [hbm4b:s3+s2], $0x80, v4, vm0, $0xb8;
	[tilespmem:$0x10100] =	vst v63  }
0x57: {  	_ = 	snop  }
0x58: {  	[tilespmem:s6], [sflag:$0x1] =	stream.indirect_vreg.gather [hbm4b:s3+s2], $0x80, v3, vm0, $0xb8;
	[tilespmem:$0x10100] =	vst v63  }
0x59: {  	v3 =	vld [tilespmem:$0x60];
	_ =	sdelay $0x4  }
0x5a: {  	v38 =	vshll.u32 v3, $0x1  }
0x5b: {  	v3 =	vand.u32 $0x7, v3;
	v4 =	vand.u32 $0xFFFFFFF0, v38  }
0x5c: {  	v3 =	vor.u32 v3, v4  }
0x5d: {  	v4 =	vperm.xlane v3, v0;
	_ =	sdelay $0x1  }
0x5e: {  	v3 =	vperm.xlane v3, v2;
	v4 =	vadd.s32 v1, v4;
	_ =	sdelay $0x1  }
0x5f: {  	v3 =	vadd.s32 v1, v3;
	_ =	sdelay $0x2  }
0x60: {  	[tilespmem:s1], [sflag:$0x1] =	stream.indirect_vreg.gather [hbm4b:s3+s2], $0x80, v4, vm0, $0xb8;
	[tilespmem:$0x10100] =	vst v63  }
0x61: {  	_ = 	snop  }
0x62: {  	[tilespmem:s7], [sflag:$0x1] =	stream.indirect_vreg.gather [hbm4b:s3+s2], $0x80, v3, vm0, $0xb8;
	[tilespmem:$0x10100] =	vst v63  }
0x63: {  	v3 =	vld [tilespmem:$0x70];
	_ =	sdelay $0x4  }
0x64: {  	v39 =	vshll.u32 v3, $0x1  }
0x65: {  	v3 =	vand.u32 $0x7, v3;
	v4 =	vand.u32 $0xFFFFFFF0, v39  }
0x66: {  	v3 =	vor.u32 v3, v4  }
0x67: {  	v4 =	vperm.xlane v3, v0;
	_ =	sdelay $0x1  }
0x68: {  	v3 =	vperm.xlane v3, v2;
	v4 =	vadd.s32 v1, v4;
	_ =	sdelay $0x1  }
0x69: {  	v3 =	vadd.s32 v1, v3;
	_ =	sdelay $0x2  }
0x6a: {  	[tilespmem:s8], [sflag:$0x1] =	stream.indirect_vreg.gather [hbm4b:s3+s2], $0x80, v4, vm0, $0xb8;
	[tilespmem:$0x10100] =	vst v63  }
0x6b: {  	s0 =	simm.s32 $0x1  }
0x6c: {  	[tilespmem:s9], [sflag:$0x1] =	stream.indirect_vreg.gather [hbm4b:s3+s2], $0x80, v3, vm0, $0xb8;
	[tilespmem:$0x10100] =	vst v63  }
0x6d: {  	_ =	swait.ge [sflag:s0], $0x8000  }
0x6e: {  	[sflag:s0] =	ssyncset.done $0x0  }
0x6f: {  	s14 =	rddreg [dreg:$0x3];
	[sflag:s0] =	ssyncadd.s32 $0xFFFF8000  }
0x70: {  	[hbm4b:s14+s2] =	stream.linear.scatter [tilespmem:s24], [sflag:$0x3], $0x8000, $0x38;
	[tilespmem:$0x10100] =	vst v63  }
0x71: {  	s11 =	simm.s32 $0x80;
	s18 =	rddreg [dreg:$0x4]  }
0x72: {  	[tilespmem:s11], [sflag:$0x5] =	stream.linear.gather [hbm4b:s18+s2], $0x80, $0x38;
	[tilespmem:$0x10100] =	vst v63  }
0x73: {  	_ =	swait.ge [sflag:s5], $0x80  }
0x74: {  	[sflag:s5] =	ssyncset.done $0x0  }
0x75: {  	[sflag:s5] =	ssyncadd.s32 $0xFFFFFF80  }
0x76: {  	v3 =	vld [tilespmem:$0x80];
	_ =	sdelay $0x4  }
0x77: {  	v40 =	vshll.u32 v3, $0x1  }
0x78: {  	v3 =	vand.u32 $0x7, v3;
	v4 =	vand.u32 $0xFFFFFFF0, v40  }
0x79: {  	v3 =	vor.u32 v3, v4  }
0x7a: {  	v4 =	vperm.xlane v3, v0;
	_ =	sdelay $0x1  }
0x7b: {  	v3 =	vperm.xlane v3, v2;
	v4 =	vadd.s32 v1, v4;
	_ =	sdelay $0x1  }
0x7c: {  	v3 =	vadd.s32 v1, v3;
	_ =	sdelay $0x2  }
0x7d: {  	[tilespmem:s22], [sflag:$0x2] =	stream.indirect_vreg.gather [hbm4b:s3+s2], $0x80, v4, vm0, $0xb8;
	[tilespmem:$0x10100] =	vst v63  }
0x7e: {  	s18 =	simm.s32 $0x8900  }
0x7f: {  	[tilespmem:s18], [sflag:$0x2] =	stream.indirect_vreg.gather [hbm4b:s3+s2], $0x80, v3, vm0, $0xb8;
	[tilespmem:$0x10100] =	vst v63  }
0x80: {  	v3 =	vld [tilespmem:$0x90];
	_ =	sdelay $0x4  }
0x81: {  	v41 =	vshll.u32 v3, $0x1  }
0x82: {  	v3 =	vand.u32 $0x7, v3;
	v4 =	vand.u32 $0xFFFFFFF0, v41  }
0x83: {  	v3 =	vor.u32 v3, v4  }
0x84: {  	v4 =	vperm.xlane v3, v0;
	_ =	sdelay $0x1  }
0x85: {  	v3 =	vperm.xlane v3, v2;
	v4 =	vadd.s32 v1, v4;
	_ =	sdelay $0x1  }
0x86: {  	v3 =	vadd.s32 v1, v3;
	_ =	sdelay $0x1  }
0x87: {  	s11 =	simm.s32 $0x9100  }
0x88: {  	[tilespmem:s11], [sflag:$0x2] =	stream.indirect_vreg.gather [hbm4b:s3+s2], $0x80, v4, vm0, $0xb8;
	[tilespmem:$0x10100] =	vst v63  }
0x89: {  	_ = 	snop  }
0x8a: {  	[tilespmem:s12], [sflag:$0x2] =	stream.indirect_vreg.gather [hbm4b:s3+s2], $0x80, v3, vm0, $0xb8;
	[tilespmem:$0x10100] =	vst v63  }
0x8b: {  	v3 =	vld [tilespmem:$0xA0];
	_ =	sdelay $0x4  }
0x8c: {  	v42 =	vshll.u32 v3, $0x1  }
0x8d: {  	v3 =	vand.u32 $0x7, v3;
	v4 =	vand.u32 $0xFFFFFFF0, v42  }
0x8e: {  	v3 =	vor.u32 v3, v4  }
0x8f: {  	v4 =	vperm.xlane v3, v0;
	_ =	sdelay $0x1  }
0x90: {  	v3 =	vperm.xlane v3, v2;
	v4 =	vadd.s32 v1, v4;
	_ =	sdelay $0x1  }
0x91: {  	v3 =	vadd.s32 v1, v3;
	_ =	sdelay $0x2  }
0x92: {  	[tilespmem:s13], [sflag:$0x2] =	stream.indirect_vreg.gather [hbm4b:s3+s2], $0x80, v4, vm0, $0xb8;
	[tilespmem:$0x10100] =	vst v63  }
0x93: {  	_ = 	snop  }
0x94: {  	[tilespmem:s15], [sflag:$0x2] =	stream.indirect_vreg.gather [hbm4b:s3+s2], $0x80, v3, vm0, $0xb8;
	[tilespmem:$0x10100] =	vst v63  }
0x95: {  	v3 =	vld [tilespmem:$0xB0];
	_ =	sdelay $0x4  }
0x96: {  	v43 =	vshll.u32 v3, $0x1  }
0x97: {  	v3 =	vand.u32 $0x7, v3;
	v4 =	vand.u32 $0xFFFFFFF0, v43  }
0x98: {  	v3 =	vor.u32 v3, v4  }
0x99: {  	v4 =	vperm.xlane v3, v0;
	_ =	sdelay $0x1  }
0x9a: {  	v3 =	vperm.xlane v3, v2;
	v4 =	vadd.s32 v1, v4;
	_ =	sdelay $0x1  }
0x9b: {  	v3 =	vadd.s32 v1, v3;
	_ =	sdelay $0x1  }
0x9c: {  	s14 =	simm.s32 $0xB100  }
0x9d: {  	[tilespmem:s14], [sflag:$0x2] =	stream.indirect_vreg.gather [hbm4b:s3+s2], $0x80, v4, vm0, $0xb8;
	[tilespmem:$0x10100] =	vst v63  }
0x9e: {  	s17 =	simm.s32 $0xB900  }
0x9f: {  	[tilespmem:s17], [sflag:$0x2] =	stream.indirect_vreg.gather [hbm4b:s3+s2], $0x80, v3, vm0, $0xb8;
	[tilespmem:$0x10100] =	vst v63  }
0xa0: {  	v3 =	vld [tilespmem:$0xC0];
	_ =	sdelay $0x4  }
0xa1: {  	v44 =	vshll.u32 v3, $0x1  }
0xa2: {  	v3 =	vand.u32 $0x7, v3;
	v4 =	vand.u32 $0xFFFFFFF0, v44  }
0xa3: {  	v3 =	vor.u32 v3, v4  }
0xa4: {  	v4 =	vperm.xlane v3, v0;
	_ =	sdelay $0x1  }
0xa5: {  	v3 =	vperm.xlane v3, v2;
	v4 =	vadd.s32 v1, v4;
	_ =	sdelay $0x1  }
0xa6: {  	v3 =	vadd.s32 v1, v3;
	_ =	sdelay $0x1  }
0xa7: {  	s17 =	simm.s32 $0xC100  }
0xa8: {  	[tilespmem:s17], [sflag:$0x2] =	stream.indirect_vreg.gather [hbm4b:s3+s2], $0x80, v4, vm0, $0xb8;
	[tilespmem:$0x10100] =	vst v63  }
0xa9: {  	s17 =	simm.s32 $0xC900  }
0xaa: {  	[tilespmem:s17], [sflag:$0x2] =	stream.indirect_vreg.gather [hbm4b:s3+s2], $0x80, v3, vm0, $0xb8;
	[tilespmem:$0x10100] =	vst v63  }
0xab: {  	v3 =	vld [tilespmem:$0xD0];
	_ =	sdelay $0x4  }
0xac: {  	v45 =	vshll.u32 v3, $0x1  }
0xad: {  	v3 =	vand.u32 $0x7, v3;
	v4 =	vand.u32 $0xFFFFFFF0, v45  }
0xae: {  	v3 =	vor.u32 v3, v4  }
0xaf: {  	v4 =	vperm.xlane v3, v0;
	_ =	sdelay $0x1  }
0xb0: {  	v3 =	vperm.xlane v3, v2;
	v4 =	vadd.s32 v1, v4;
	_ =	sdelay $0x1  }
0xb1: {  	v3 =	vadd.s32 v1, v3;
	_ =	sdelay $0x1  }
0xb2: {  	s17 =	simm.s32 $0xD100  }
0xb3: {  	[tilespmem:s17], [sflag:$0x2] =	stream.indirect_vreg.gather [hbm4b:s3+s2], $0x80, v4, vm0, $0xb8;
	[tilespmem:$0x10100] =	vst v63  }
0xb4: {  	s17 =	simm.s32 $0xD900  }
0xb5: {  	[tilespmem:s17], [sflag:$0x2] =	stream.indirect_vreg.gather [hbm4b:s3+s2], $0x80, v3, vm0, $0xb8;
	[tilespmem:$0x10100] =	vst v63  }
0xb6: {  	v3 =	vld [tilespmem:$0xE0];
	_ =	sdelay $0x4  }
0xb7: {  	v46 =	vshll.u32 v3, $0x1  }
0xb8: {  	v3 =	vand.u32 $0x7, v3;
	v4 =	vand.u32 $0xFFFFFFF0, v46  }
0xb9: {  	v3 =	vor.u32 v3, v4  }
0xba: {  	v4 =	vperm.xlane v3, v0;
	_ =	sdelay $0x1  }
0xbb: {  	v3 =	vperm.xlane v3, v2;
	v4 =	vadd.s32 v1, v4;
	_ =	sdelay $0x1  }
0xbc: {  	v3 =	vadd.s32 v1, v3;
	_ =	sdelay $0x1  }
0xbd: {  	s17 =	simm.s32 $0xE100  }
0xbe: {  	[tilespmem:s17], [sflag:$0x2] =	stream.indirect_vreg.gather [hbm4b:s3+s2], $0x80, v4, vm0, $0xb8;
	[tilespmem:$0x10100] =	vst v63  }
0xbf: {  	s17 =	simm.s32 $0xE900  }
0xc0: {  	[tilespmem:s17], [sflag:$0x2] =	stream.indirect_vreg.gather [hbm4b:s3+s2], $0x80, v3, vm0, $0xb8;
	[tilespmem:$0x10100] =	vst v63  }
0xc1: {  	v3 =	vld [tilespmem:$0xF0];
	_ =	sdelay $0x4  }
0xc2: {  	v47 =	vshll.u32 v3, $0x1  }
0xc3: {  	v3 =	vand.u32 $0x7, v3;
	v4 =	vand.u32 $0xFFFFFFF0, v47  }
0xc4: {  	v3 =	vor.u32 v3, v4  }
0xc5: {  	v4 =	vperm.xlane v3, v0;
	_ =	sdelay $0x1  }
0xc6: {  	v3 =	vperm.xlane v3, v2;
	v4 =	vadd.s32 v1, v4;
	_ =	sdelay $0x1  }
0xc7: {  	v3 =	vadd.s32 v1, v3;
	_ =	sdelay $0x1  }
0xc8: {  	s17 =	simm.s32 $0xF100  }
0xc9: {  	[tilespmem:s17], [sflag:$0x2] =	stream.indirect_vreg.gather [hbm4b:s3+s2], $0x80, v4, vm0, $0xb8;
	[tilespmem:$0x10100] =	vst v63  }
0xca: {  	s17 =	simm.s32 $0xF900  }
0xcb: {  	[tilespmem:s17], [sflag:$0x2] =	stream.indirect_vreg.gather [hbm4b:s3+s2], $0x80, v3, vm0, $0xb8;
	[tilespmem:$0x10100] =	vst v63  }
0xcc: {  	_ =	swait.ge [sflag:s10], $0x8000  }
0xcd: {  	[sflag:s10] =	ssyncset.done $0x0  }
0xce: {  	s14 =	rddreg [dreg:$0x5];
	[sflag:s10] =	ssyncadd.s32 $0xFFFF8000  }
0xcf: {  	[hbm4b:s14+s2] =	stream.linear.scatter [tilespmem:s22], [sflag:$0x4], $0x8000, $0x38;
	[tilespmem:$0x10100] =	vst v63  }
0xd0: {  	s14 =	simm.s32 $0x3  }
0xd1: {  	_ =	swait.ge [sflag:s14], $0x8000  }
0xd2: {  	[sflag:s14] =	ssyncset.done $0x0  }
0xd3: {  	s17 =	rddreg [dreg:$0x6];
	[sflag:s14] =	ssyncadd.s32 $0xFFFF8000  }
0xd4: {  	[tilespmem:s2], [sflag:$0x5] =	stream.linear.gather [hbm4b:s17+s2], $0x80, $0x38;
	[tilespmem:$0x10100] =	vst v63  }
0xd5: {  	_ =	swait.ge [sflag:s5], $0x80  }
0xd6: {  	[sflag:s5] =	ssyncset.done $0x0  }
0xd7: {  	[sflag:s5] =	ssyncadd.s32 $0xFFFFFF80  }
0xd8: {  	v3 =	vld [tilespmem:$0x0];
	_ =	sdelay $0x4  }
0xd9: {  	v48 =	vshll.u32 v3, $0x1  }
0xda: {  	v3 =	vand.u32 $0x7, v3;
	v4 =	vand.u32 $0xFFFFFFF0, v48  }
0xdb: {  	v3 =	vor.u32 v3, v4  }
0xdc: {  	v4 =	vperm.xlane v3, v0;
	_ =	sdelay $0x1  }
0xdd: {  	v3 =	vperm.xlane v3, v2;
	v4 =	vadd.s32 v1, v4;
	_ =	sdelay $0x1  }
0xde: {  	v3 =	vadd.s32 v1, v3;
	_ =	sdelay $0x2  }
0xdf: {  	[tilespmem:s24], [sflag:$0x1] =	stream.indirect_vreg.gather [hbm4b:s3+s2], $0x80, v4, vm0, $0xb8;
	[tilespmem:$0x10100] =	vst v63  }
0xe0: {  	_ = 	snop  }
0xe1: {  	[tilespmem:s19], [sflag:$0x1] =	stream.indirect_vreg.gather [hbm4b:s3+s2], $0x80, v3, vm0, $0xb8;
	[tilespmem:$0x10100] =	vst v63  }
0xe2: {  	v3 =	vld [tilespmem:$0x10];
	_ =	sdelay $0x4  }
0xe3: {  	v49 =	vshll.u32 v3, $0x1  }
0xe4: {  	v3 =	vand.u32 $0x7, v3;
	v4 =	vand.u32 $0xFFFFFFF0, v49  }
0xe5: {  	v3 =	vor.u32 v3, v4  }
0xe6: {  	v4 =	vperm.xlane v3, v0;
	_ =	sdelay $0x1  }
0xe7: {  	v3 =	vperm.xlane v3, v2;
	v4 =	vadd.s32 v1, v4;
	_ =	sdelay $0x1  }
0xe8: {  	v3 =	vadd.s32 v1, v3;
	_ =	sdelay $0x2  }
0xe9: {  	[tilespmem:s20], [sflag:$0x1] =	stream.indirect_vreg.gather [hbm4b:s3+s2], $0x80, v4, vm0, $0xb8;
	[tilespmem:$0x10100] =	vst v63  }
0xea: {  	_ = 	snop  }
0xeb: {  	[tilespmem:s21], [sflag:$0x1] =	stream.indirect_vreg.gather [hbm4b:s3+s2], $0x80, v3, vm0, $0xb8;
	[tilespmem:$0x10100] =	vst v63  }
0xec: {  	v3 =	vld [tilespmem:$0x20];
	_ =	sdelay $0x4  }
0xed: {  	v50 =	vshll.u32 v3, $0x1  }
0xee: {  	v3 =	vand.u32 $0x7, v3;
	v4 =	vand.u32 $0xFFFFFFF0, v50  }
0xef: {  	v3 =	vor.u32 v3, v4  }
0xf0: {  	v4 =	vperm.xlane v3, v0;
	_ =	sdelay $0x1  }
0xf1: {  	v3 =	vperm.xlane v3, v2;
	v4 =	vadd.s32 v1, v4;
	_ =	sdelay $0x1  }
0xf2: {  	v3 =	vadd.s32 v1, v3;
	_ =	sdelay $0x2  }
0xf3: {  	[tilespmem:s23], [sflag:$0x1] =	stream.indirect_vreg.gather [hbm4b:s3+s2], $0x80, v4, vm0, $0xb8;
	[tilespmem:$0x10100] =	vst v63  }
0xf4: {  	_ = 	snop  }
0xf5: {  	[tilespmem:s25], [sflag:$0x1] =	stream.indirect_vreg.gather [hbm4b:s3+s2], $0x80, v3, vm0, $0xb8;
	[tilespmem:$0x10100] =	vst v63  }
0xf6: {  	v3 =	vld [tilespmem:$0x30];
	_ =	sdelay $0x4  }
0xf7: {  	v51 =	vshll.u32 v3, $0x1  }
0xf8: {  	v3 =	vand.u32 $0x7, v3;
	v4 =	vand.u32 $0xFFFFFFF0, v51  }
0xf9: {  	v3 =	vor.u32 v3, v4  }
0xfa: {  	v4 =	vperm.xlane v3, v0;
	_ =	sdelay $0x1  }
0xfb: {  	v3 =	vperm.xlane v3, v2;
	v4 =	vadd.s32 v1, v4;
	_ =	sdelay $0x1  }
0xfc: {  	v3 =	vadd.s32 v1, v3;
	_ =	sdelay $0x2  }
0xfd: {  	[tilespmem:s26], [sflag:$0x1] =	stream.indirect_vreg.gather [hbm4b:s3+s2], $0x80, v4, vm0, $0xb8;
	[tilespmem:$0x10100] =	vst v63  }
0xfe: {  	_ = 	snop  }
0xff: {  	[tilespmem:s28], [sflag:$0x1] =	stream.indirect_vreg.gather [hbm4b:s3+s2], $0x80, v3, vm0, $0xb8;
	[tilespmem:$0x10100] =	vst v63  }
0x100: {  	v3 =	vld [tilespmem:$0x40];
	_ =	sdelay $0x4  }
0x101: {  	v52 =	vshll.u32 v3, $0x1  }
0x102: {  	v3 =	vand.u32 $0x7, v3;
	v4 =	vand.u32 $0xFFFFFFF0, v52  }
0x103: {  	v3 =	vor.u32 v3, v4  }
0x104: {  	v4 =	vperm.xlane v3, v0;
	_ =	sdelay $0x1  }
0x105: {  	v3 =	vperm.xlane v3, v2;
	v4 =	vadd.s32 v1, v4;
	_ =	sdelay $0x1  }
0x106: {  	v3 =	vadd.s32 v1, v3;
	_ =	sdelay $0x2  }
0x107: {  	[tilespmem:s29], [sflag:$0x1] =	stream.indirect_vreg.gather [hbm4b:s3+s2], $0x80, v4, vm0, $0xb8;
	[tilespmem:$0x10100] =	vst v63  }
0x108: {  	_ = 	snop  }
0x109: {  	[tilespmem:s30], [sflag:$0x1] =	stream.indirect_vreg.gather [hbm4b:s3+s2], $0x80, v3, vm0, $0xb8;
	[tilespmem:$0x10100] =	vst v63  }
0x10a: {  	v3 =	vld [tilespmem:$0x50];
	_ =	sdelay $0x4  }
0x10b: {  	v53 =	vshll.u32 v3, $0x1  }
0x10c: {  	v3 =	vand.u32 $0x7, v3;
	v4 =	vand.u32 $0xFFFFFFF0, v53  }
0x10d: {  	v3 =	vor.u32 v3, v4  }
0x10e: {  	v4 =	vperm.xlane v3, v0;
	_ =	sdelay $0x1  }
0x10f: {  	v3 =	vperm.xlane v3, v2;
	v4 =	vadd.s32 v1, v4;
	_ =	sdelay $0x1  }
0x110: {  	v3 =	vadd.s32 v1, v3;
	_ =	sdelay $0x2  }
0x111: {  	[tilespmem:s31], [sflag:$0x1] =	stream.indirect_vreg.gather [hbm4b:s3+s2], $0x80, v4, vm0, $0xb8;
	[tilespmem:$0x10100] =	vst v63  }
0x112: {  	_ = 	snop  }
0x113: {  	[tilespmem:s6], [sflag:$0x1] =	stream.indirect_vreg.gather [hbm4b:s3+s2], $0x80, v3, vm0, $0xb8;
	[tilespmem:$0x10100] =	vst v63  }
0x114: {  	v3 =	vld [tilespmem:$0x60];
	_ =	sdelay $0x4  }
0x115: {  	v54 =	vshll.u32 v3, $0x1  }
0x116: {  	v3 =	vand.u32 $0x7, v3;
	v4 =	vand.u32 $0xFFFFFFF0, v54  }
0x117: {  	v3 =	vor.u32 v3, v4  }
0x118: {  	v4 =	vperm.xlane v3, v0;
	_ =	sdelay $0x1  }
0x119: {  	v3 =	vperm.xlane v3, v2;
	v4 =	vadd.s32 v1, v4;
	_ =	sdelay $0x1  }
0x11a: {  	v3 =	vadd.s32 v1, v3;
	_ =	sdelay $0x2  }
0x11b: {  	[tilespmem:s1], [sflag:$0x1] =	stream.indirect_vreg.gather [hbm4b:s3+s2], $0x80, v4, vm0, $0xb8;
	[tilespmem:$0x10100] =	vst v63  }
0x11c: {  	_ = 	snop  }
0x11d: {  	[tilespmem:s7], [sflag:$0x1] =	stream.indirect_vreg.gather [hbm4b:s3+s2], $0x80, v3, vm0, $0xb8;
	[tilespmem:$0x10100] =	vst v63  }
0x11e: {  	v3 =	vld [tilespmem:$0x70];
	_ =	sdelay $0x4  }
0x11f: {  	v55 =	vshll.u32 v3, $0x1  }
0x120: {  	v3 =	vand.u32 $0x7, v3;
	v4 =	vand.u32 $0xFFFFFFF0, v55  }
0x121: {  	v3 =	vor.u32 v3, v4  }
0x122: {  	v4 =	vperm.xlane v3, v0;
	_ =	sdelay $0x1  }
0x123: {  	v3 =	vperm.xlane v3, v2;
	v4 =	vadd.s32 v1, v4;
	_ =	sdelay $0x1  }
0x124: {  	v3 =	vadd.s32 v1, v3;
	_ =	sdelay $0x2  }
0x125: {  	[tilespmem:s8], [sflag:$0x1] =	stream.indirect_vreg.gather [hbm4b:s3+s2], $0x80, v4, vm0, $0xb8;
	[tilespmem:$0x10100] =	vst v63  }
0x126: {  	_ = 	snop  }
0x127: {  	[tilespmem:s9], [sflag:$0x1] =	stream.indirect_vreg.gather [hbm4b:s3+s2], $0x80, v3, vm0, $0xb8;
	[tilespmem:$0x10100] =	vst v63  }
0x128: {  	_ =	swait.ge [sflag:s0], $0x8000  }
0x129: {  	[sflag:s0] =	ssyncset.done $0x0  }
0x12a: {  	s14 =	rddreg [dreg:$0x7];
	[sflag:s0] =	ssyncadd.s32 $0xFFFF8000  }
0x12b: {  	[hbm4b:s14+s2] =	stream.linear.scatter [tilespmem:s24], [sflag:$0x3], $0x8000, $0x38;
	[tilespmem:$0x10100] =	vst v63  }
0x12c: {  	_ =	swait.ge [sflag:s16], $0x8000  }
0x12d: {  	[sflag:s16] =	ssyncset.done $0x0  }
0x12e: {  	s14 =	simm.s32 $0x80;
	s0 =	rddreg [dreg:$0x8];
	[sflag:s16] =	ssyncadd.s32 $0xFFFF8000  }
0x12f: {  	[tilespmem:s14], [sflag:$0x5] =	stream.linear.gather [hbm4b:s0+s2], $0x80, $0x38;
	[tilespmem:$0x10100] =	vst v63  }
0x130: {  	_ =	swait.ge [sflag:s5], $0x80  }
0x131: {  	[sflag:s5] =	ssyncset.done $0x0  }
0x132: {  	[sflag:s5] =	ssyncadd.s32 $0xFFFFFF80  }
0x133: {  	v3 =	vld [tilespmem:$0x80];
	_ =	sdelay $0x4  }
0x134: {  	v56 =	vshll.u32 v3, $0x1  }
0x135: {  	v3 =	vand.u32 $0x7, v3;
	v4 =	vand.u32 $0xFFFFFFF0, v56  }
0x136: {  	v3 =	vor.u32 v3, v4  }
0x137: {  	v4 =	vperm.xlane v3, v0;
	_ =	sdelay $0x1  }
0x138: {  	v3 =	vperm.xlane v3, v2;
	v4 =	vadd.s32 v1, v4;
	_ =	sdelay $0x1  }
0x139: {  	v3 =	vadd.s32 v1, v3;
	_ =	sdelay $0x2  }
0x13a: {  	[tilespmem:s22], [sflag:$0x2] =	stream.indirect_vreg.gather [hbm4b:s3+s2], $0x80, v4, vm0, $0xb8;
	[tilespmem:$0x10100] =	vst v63  }
0x13b: {  	_ = 	snop  }
0x13c: {  	[tilespmem:s18], [sflag:$0x2] =	stream.indirect_vreg.gather [hbm4b:s3+s2], $0x80, v3, vm0, $0xb8;
	[tilespmem:$0x10100] =	vst v63  }
0x13d: {  	v3 =	vld [tilespmem:$0x90];
	_ =	sdelay $0x4  }
0x13e: {  	v57 =	vshll.u32 v3, $0x1  }
0x13f: {  	v3 =	vand.u32 $0x7, v3;
	v4 =	vand.u32 $0xFFFFFFF0, v57  }
0x140: {  	v3 =	vor.u32 v3, v4  }
0x141: {  	v4 =	vperm.xlane v3, v0;
	_ =	sdelay $0x1  }
0x142: {  	v3 =	vperm.xlane v3, v2;
	v4 =	vadd.s32 v1, v4;
	_ =	sdelay $0x1  }
0x143: {  	v3 =	vadd.s32 v1, v3;
	_ =	sdelay $0x2  }
0x144: {  	[tilespmem:s11], [sflag:$0x2] =	stream.indirect_vreg.gather [hbm4b:s3+s2], $0x80, v4, vm0, $0xb8;
	[tilespmem:$0x10100] =	vst v63  }
0x145: {  	_ = 	snop  }
0x146: {  	[tilespmem:s12], [sflag:$0x2] =	stream.indirect_vreg.gather [hbm4b:s3+s2], $0x80, v3, vm0, $0xb8;
	[tilespmem:$0x10100] =	vst v63  }
0x147: {  	v3 =	vld [tilespmem:$0xA0];
	_ =	sdelay $0x4  }
0x148: {  	v58 =	vshll.u32 v3, $0x1  }
0x149: {  	v3 =	vand.u32 $0x7, v3;
	v4 =	vand.u32 $0xFFFFFFF0, v58  }
0x14a: {  	v3 =	vor.u32 v3, v4  }
0x14b: {  	v4 =	vperm.xlane v3, v0;
	_ =	sdelay $0x1  }
0x14c: {  	v3 =	vperm.xlane v3, v2;
	v4 =	vadd.s32 v1, v4;
	_ =	sdelay $0x1  }
0x14d: {  	v3 =	vadd.s32 v1, v3;
	_ =	sdelay $0x2  }
0x14e: {  	[tilespmem:s13], [sflag:$0x2] =	stream.indirect_vreg.gather [hbm4b:s3+s2], $0x80, v4, vm0, $0xb8;
	[tilespmem:$0x10100] =	vst v63  }
0x14f: {  	_ = 	snop  }
0x150: {  	[tilespmem:s15], [sflag:$0x2] =	stream.indirect_vreg.gather [hbm4b:s3+s2], $0x80, v3, vm0, $0xb8;
	[tilespmem:$0x10100] =	vst v63  }
0x151: {  	v3 =	vld [tilespmem:$0xB0];
	_ =	sdelay $0x4  }
0x152: {  	v59 =	vshll.u32 v3, $0x1  }
0x153: {  	v3 =	vand.u32 $0x7, v3;
	v4 =	vand.u32 $0xFFFFFFF0, v59  }
0x154: {  	v3 =	vor.u32 v3, v4  }
0x155: {  	v4 =	vperm.xlane v3, v0;
	_ =	sdelay $0x1  }
0x156: {  	v3 =	vperm.xlane v3, v2;
	v4 =	vadd.s32 v1, v4;
	_ =	sdelay $0x1  }
0x157: {  	v3 =	vadd.s32 v1, v3;
	_ =	sdelay $0x1  }
0x158: {  	s14 =	simm.s32 $0xB100  }
0x159: {  	[tilespmem:s14], [sflag:$0x2] =	stream.indirect_vreg.gather [hbm4b:s3+s2], $0x80, v4, vm0, $0xb8;
	[tilespmem:$0x10100] =	vst v63  }
0x15a: {  	s17 =	simm.s32 $0xB900  }
0x15b: {  	[tilespmem:s17], [sflag:$0x2] =	stream.indirect_vreg.gather [hbm4b:s3+s2], $0x80, v3, vm0, $0xb8;
	[tilespmem:$0x10100] =	vst v63  }
0x15c: {  	v3 =	vld [tilespmem:$0xC0];
	_ =	sdelay $0x4  }
0x15d: {  	v60 =	vshll.u32 v3, $0x1  }
0x15e: {  	v3 =	vand.u32 $0x7, v3;
	v4 =	vand.u32 $0xFFFFFFF0, v60  }
0x15f: {  	v3 =	vor.u32 v3, v4  }
0x160: {  	v4 =	vperm.xlane v3, v0;
	_ =	sdelay $0x1  }
0x161: {  	v3 =	vperm.xlane v3, v2;
	v4 =	vadd.s32 v1, v4;
	_ =	sdelay $0x1  }
0x162: {  	v3 =	vadd.s32 v1, v3;
	_ =	sdelay $0x1  }
0x163: {  	s18 =	simm.s32 $0xC100  }
0x164: {  	[tilespmem:s18], [sflag:$0x2] =	stream.indirect_vreg.gather [hbm4b:s3+s2], $0x80, v4, vm0, $0xb8;
	[tilespmem:$0x10100] =	vst v63  }
0x165: {  	s11 =	simm.s32 $0xC900  }
0x166: {  	[tilespmem:s11], [sflag:$0x2] =	stream.indirect_vreg.gather [hbm4b:s3+s2], $0x80, v3, vm0, $0xb8;
	[tilespmem:$0x10100] =	vst v63  }
0x167: {  	v3 =	vld [tilespmem:$0xD0];
	_ =	sdelay $0x4  }
0x168: {  	v61 =	vshll.u32 v3, $0x1  }
0x169: {  	v3 =	vand.u32 $0x7, v3;
	v4 =	vand.u32 $0xFFFFFFF0, v61  }
0x16a: {  	v3 =	vor.u32 v3, v4  }
0x16b: {  	v4 =	vperm.xlane v3, v0;
	_ =	sdelay $0x1  }
0x16c: {  	v3 =	vperm.xlane v3, v2;
	v4 =	vadd.s32 v1, v4;
	_ =	sdelay $0x1  }
0x16d: {  	v3 =	vadd.s32 v1, v3;
	_ =	sdelay $0x1  }
0x16e: {  	s14 =	simm.s32 $0xD100  }
0x16f: {  	[tilespmem:s14], [sflag:$0x2] =	stream.indirect_vreg.gather [hbm4b:s3+s2], $0x80, v4, vm0, $0xb8;
	[tilespmem:$0x10100] =	vst v63  }
0x170: {  	s17 =	simm.s32 $0xD900  }
0x171: {  	[tilespmem:s17], [sflag:$0x2] =	stream.indirect_vreg.gather [hbm4b:s3+s2], $0x80, v3, vm0, $0xb8;
	[tilespmem:$0x10100] =	vst v63  }
0x172: {  	v3 =	vld [tilespmem:$0xE0];
	_ =	sdelay $0x4  }
0x173: {  	v62 =	vshll.u32 v3, $0x1  }
0x174: {  	v3 =	vand.u32 $0x7, v3;
	v4 =	vand.u32 $0xFFFFFFF0, v62  }
0x175: {  	v3 =	vor.u32 v3, v4  }
0x176: {  	v4 =	vperm.xlane v3, v0;
	_ =	sdelay $0x1  }
0x177: {  	v3 =	vperm.xlane v3, v2;
	v4 =	vadd.s32 v1, v4;
	_ =	sdelay $0x1  }
0x178: {  	v3 =	vadd.s32 v1, v3;
	_ =	sdelay $0x1  }
0x179: {  	s18 =	simm.s32 $0xE100  }
0x17a: {  	[tilespmem:s18], [sflag:$0x2] =	stream.indirect_vreg.gather [hbm4b:s3+s2], $0x80, v4, vm0, $0xb8;
	[tilespmem:$0x10100] =	vst v63  }
0x17b: {  	s11 =	simm.s32 $0xE900  }
0x17c: {  	[tilespmem:s11], [sflag:$0x2] =	stream.indirect_vreg.gather [hbm4b:s3+s2], $0x80, v3, vm0, $0xb8;
	[tilespmem:$0x10100] =	vst v63  }
0x17d: {  	v3 =	vld [tilespmem:$0xF0];
	_ =	sdelay $0x4  }
0x17e: {  	v63 =	vshll.u32 v3, $0x1  }
0x17f: {  	v3 =	vand.u32 $0x7, v3;
	v4 =	vand.u32 $0xFFFFFFF0, v63  }
0x180: {  	v3 =	vor.u32 v3, v4  }
0x181: {  	v4 =	vperm.xlane v3, v0;
	_ =	sdelay $0x1  }
0x182: {  	v3 =	vperm.xlane v3, v2;
	v4 =	vadd.s32 v1, v4;
	_ =	sdelay $0x1  }
0x183: {  	v3 =	vadd.s32 v1, v3;
	_ =	sdelay $0x1  }
0x184: {  	s14 =	simm.s32 $0xF100  }
0x185: {  	[tilespmem:s14], [sflag:$0x2] =	stream.indirect_vreg.gather [hbm4b:s3+s2], $0x80, v4, vm0, $0xb8;
	[tilespmem:$0x10100] =	vst v63  }
0x186: {  	s17 =	simm.s32 $0xF900  }
0x187: {  	[tilespmem:s17], [sflag:$0x2] =	stream.indirect_vreg.gather [hbm4b:s3+s2], $0x80, v3, vm0, $0xb8;
	[tilespmem:$0x10100] =	vst v63  }
0x188: {  	_ =	swait.ge [sflag:s10], $0x8000  }
0x189: {  	p0 =	sne.s32 s4, $0x1;
	[sflag:s10] =	ssyncset.done $0x0  }
.Ltmp0:
0x18a: {  	s18 =	rddreg [dreg:$0x9];
	[sflag:s10] =	ssyncadd.s32 $0xFFFF8000;
	(pc) =	sbr.rel @p0 .LBB2_1-.Ltmp0, $4  }
0x18b: {  	[hbm4b:s18+s2] =	stream.linear.scatter [tilespmem:s22], [sflag:$0x4], $0x8000, $0x38;
	[tilespmem:$0x10100] =	vst v63  }
0x18c: {  	_ =	swait.ge [sflag:s16], $0x8000  }
0x18d: {  	[sflag:s16] =	ssyncset.done $0x0  }
0x18e: {  	s4 =	sadd.s32 $0xFFFFFFFF, s4;
	[sflag:s16] =	ssyncadd.s32 $0xFFFF8000  }
0x18f: {  	_ =	sfence.sel $0x180000  }
0x190: {  	[bflag:$0x0] =	sbarrier.arrive $0xFFFF  }
0x191: {  	_ =	strace $0x9000004A  }
0x192: {  	s0 =	stileid.u32;
	[bflag:$0x2] =	sbarrier.arrive $0xFFFF  }
0x193: {  	p0 =	sne.s32 s0, $0x0;
	s0 =	rddreg [dreg:$0x1]  }
0x194: {  	s0 =	sadd.s32 @!p0 $0x100000, s0  }
0x195: {  	[sflag:s0] =	ssyncadd.tile.s32 @!p0 $0x1;
	_ =	shalt  }
.Lfunc_end2:
_tile_overlayer_lowered:
.L_overlay_start_2:
0x196: {  	(tag) =	ssettag $0x2  }
0x197: {  	s0 =	rddreg [dreg:$0x0];
	s2 =	stileid.u32  }
0x198: {  	s1 =	rddreg [dreg:$0x1];
	p0 =	sne.s32 s2, $0x0  }
0x199: {  	s3 =	rddreg [dreg:$0x2];
	[bflag:$0x3] =	sbarrier.arrive $0xFFFF;
	s2 =	simm.s32 @!p0 $0x1C05  }
0x19a: {  	[timem:s3], [sflag:s2] =	dma.local @!p0 [hbm:s0], s1  }
0x19b: {  	s0 =	simm.s32 @!p0 $0x5  }
0x19c: {  	_ =	swait.ge @!p0 [sflag:s0], s1  }
0x19d: {  	s1 =	ssub.s32 @!p0 $0x0, s1;
	[sflag:s0] =	ssyncset.done @!p0 $0x0  }
0x19e: {  	[sflag:s0] =	ssyncadd.s32 @!p0 s1  }
0x19f: {  	[bflag:$0x3] =	sbarrier.arrive $0xFFFF  }
0x1a0: {  	_ =	shalt  }

</sc_bundles>
